<compile_context>
chip_gen: v7x
topology: tpu7x:2x2x1
jax: 0.10.2.dev20260603
libtpu: 0.0.44.dev20260713+nightly
codegen_flags: <defaults>
</compile_context>

<pallas_src>
import functools

import jax
import jax.numpy as jnp
from jax import lax
from jax.experimental import pallas as pl
from jax.experimental.pallas import tpu as pltpu
from jax.experimental.pallas import tpu_sc as plsc

N = 10000
E = 320000
D = 128
NG = 64
NC = 2
NS = 16
NW = NC * NS
CH = 120
K = 84
EPAD = NW * CH * K
RPT = 632
NACC = NS * RPT
NT = N + 8


def _sc_mesh():
    return plsc.VectorSubcoreMesh(
        core_axis_name="c", subcore_axis_name="s", num_cores=NC, num_subcores=NS
    )


def _scatter_body(g_hbm, sdl, zrows, out_hbm, sd0, sd1, sd2, rows0, rows1,
                  rows2, acc, isem0, isem1, isem2, gsem0, gsem1, gsem2):
    c = lax.axis_index("c")
    s = lax.axis_index("s")
    pltpu.sync_copy(zrows, acc.at[pl.ds(s * RPT, RPT)])
    plsc.subcore_barrier()

    pltpu.sync_copy(sdl.at[c, s, 0], sd0)
    pltpu.async_copy(g_hbm.at[sd0.at[0]], rows0, gsem0)
    pltpu.sync_copy(sdl.at[c, s, 1], sd1)
    pltpu.async_copy(g_hbm.at[sd1.at[0]], rows1, gsem1)
    pltpu.async_copy(sdl.at[c, s, 2], sd2, isem2)

    def triple(i, carry):
        k0 = i * 3
        pltpu.make_async_copy(sdl.at[c, s, k0 + 2], sd2, isem2).wait()
        pltpu.async_copy(g_hbm.at[sd2.at[0]], rows2, gsem2)
        pltpu.make_async_copy(g_hbm.at[sd0.at[0]], rows0, gsem0).wait()
        pltpu.sync_copy(rows0, acc.at[sd0.at[1]], add=True)
        pltpu.async_copy(sdl.at[c, s, k0 + 3], sd0, isem0)
        pltpu.make_async_copy(sdl.at[c, s, k0 + 3], sd0, isem0).wait()
        pltpu.async_copy(g_hbm.at[sd0.at[0]], rows0, gsem0)
        pltpu.make_async_copy(g_hbm.at[sd1.at[0]], rows1, gsem1).wait()
        pltpu.sync_copy(rows1, acc.at[sd1.at[1]], add=True)
        pltpu.async_copy(sdl.at[c, s, k0 + 4], sd1, isem1)
        pltpu.make_async_copy(sdl.at[c, s, k0 + 4], sd1, isem1).wait()
        pltpu.async_copy(g_hbm.at[sd1.at[0]], rows1, gsem1)
        pltpu.make_async_copy(g_hbm.at[sd2.at[0]], rows2, gsem2).wait()
        pltpu.sync_copy(rows2, acc.at[sd2.at[1]], add=True)
        pltpu.async_copy(sdl.at[c, s, k0 + 5], sd2, isem2)
        return carry

    lax.fori_loop(0, (K - 3) // 3, triple, 0)
    pltpu.make_async_copy(sdl.at[c, s, K - 1], sd2, isem2).wait()
    pltpu.async_copy(g_hbm.at[sd2.at[0]], rows2, gsem2)
    pltpu.make_async_copy(g_hbm.at[sd0.at[0]], rows0, gsem0).wait()
    pltpu.sync_copy(rows0, acc.at[sd0.at[1]], add=True)
    pltpu.make_async_copy(g_hbm.at[sd1.at[0]], rows1, gsem1).wait()
    pltpu.sync_copy(rows1, acc.at[sd1.at[1]], add=True)
    pltpu.make_async_copy(g_hbm.at[sd2.at[0]], rows2, gsem2).wait()
    pltpu.sync_copy(rows2, acc.at[sd2.at[1]], add=True)
    plsc.subcore_barrier()
    pltpu.sync_copy(acc.at[pl.ds(s * RPT, RPT)], out_hbm.at[c, pl.ds(s * RPT, RPT)])


def _edge_scatter(g, sdl, zrows):
    return pl.kernel(
        _scatter_body,
        out_type=jax.ShapeDtypeStruct((NC, NACC, D), jnp.float32),
        mesh=_sc_mesh(),
        scratch_types=[
            pltpu.VMEM((2, CH), jnp.int32),
            pltpu.VMEM((2, CH), jnp.int32),
            pltpu.VMEM((2, CH), jnp.int32),
            pltpu.VMEM((CH, D), jnp.float32),
            pltpu.VMEM((CH, D), jnp.float32),
            pltpu.VMEM((CH, D), jnp.float32),
            pltpu.VMEM_SHARED((NACC, D), jnp.float32),
            pltpu.SemaphoreType.DMA,
            pltpu.SemaphoreType.DMA,
            pltpu.SemaphoreType.DMA,
            pltpu.SemaphoreType.DMA,
            pltpu.SemaphoreType.DMA,
            pltpu.SemaphoreType.DMA,
        ],
    )(g, sdl, zrows)


def _deg_body(ones_hbm, sdl, zrows, out_hbm, sd0, sd1, rows0, acc, isem0, isem1):
    c = lax.axis_index("c")
    s = lax.axis_index("s")
    pltpu.sync_copy(zrows, acc.at[pl.ds(s * RPT, RPT)])
    pltpu.sync_copy(ones_hbm.at[pl.ds(0, CH)], rows0)
    plsc.subcore_barrier()

    pltpu.sync_copy(sdl.at[c, s, 0], sd0)
    pltpu.async_copy(sdl.at[c, s, 1], sd1, isem1)

    def pair(i, carry):
        k0 = i * 2
        pltpu.sync_copy(rows0, acc.at[sd0.at[1]], add=True)
        pltpu.async_copy(sdl.at[c, s, k0 + 2], sd0, isem0)
        pltpu.make_async_copy(sdl.at[c, s, k0 + 1], sd1, isem1).wait()
        pltpu.sync_copy(rows0, acc.at[sd1.at[1]], add=True)
        pltpu.async_copy(sdl.at[c, s, k0 + 3], sd1, isem1)
        pltpu.make_async_copy(sdl.at[c, s, k0 + 2], sd0, isem0).wait()
        return carry

    lax.fori_loop(0, (K - 4) // 2, pair, 0)
    pltpu.sync_copy(rows0, acc.at[sd0.at[1]], add=True)
    pltpu.async_copy(sdl.at[c, s, K - 2], sd0, isem0)
    pltpu.make_async_copy(sdl.at[c, s, K - 3], sd1, isem1).wait()
    pltpu.sync_copy(rows0, acc.at[sd1.at[1]], add=True)
    pltpu.make_async_copy(sdl.at[c, s, K - 2], sd0, isem0).wait()
    pltpu.sync_copy(rows0, acc.at[sd0.at[1]], add=True)
    pltpu.sync_copy(sdl.at[c, s, K - 1], sd1)
    pltpu.sync_copy(rows0, acc.at[sd1.at[1]], add=True)
    plsc.subcore_barrier()
    pltpu.sync_copy(acc.at[pl.ds(s * RPT, RPT)], out_hbm.at[c, pl.ds(s * RPT, RPT)])


def _edge_degree(ones, sdl, zrows):
    return pl.kernel(
        _deg_body,
        out_type=jax.ShapeDtypeStruct((NC, NACC, D), jnp.float32),
        mesh=_sc_mesh(),
        scratch_types=[
            pltpu.VMEM((2, CH), jnp.int32),
            pltpu.VMEM((2, CH), jnp.int32),
            pltpu.VMEM((CH, D), jnp.float32),
            pltpu.VMEM_SHARED((NACC, D), jnp.float32),
            pltpu.SemaphoreType.DMA,
            pltpu.SemaphoreType.DMA,
        ],
    )(ones, sdl, zrows)


PAD = EPAD - E


def _dinv_from(pdeg_ref):
    d = pdeg_ref[0][:N, 0:1] + pdeg_ref[1][:N, 0:1]
    rid = lax.broadcasted_iota(jnp.int32, (N, 1), 0)
    d = d - jnp.where(rid < PAD, 1.0, 0.0)
    return lax.rsqrt(d + 1.0)


def _k1_body(x_ref, w_ref, pdeg_ref, g_ref):
    dinv = _dinv_from(pdeg_ref)
    h = jnp.dot(x_ref[...], w_ref[...], preferred_element_type=jnp.float32)
    g_ref[pl.ds(0, N)] = h * dinv
    g_ref[pl.ds(N, NT - N)] = jnp.zeros((NT - N, D), jnp.float32)


def _mid_body(p_ref, g_ref, pdeg_ref, w_ref, b_ref, o_ref):
    dinv = _dinv_from(pdeg_ref)
    h = dinv * (p_ref[0][:N] + p_ref[1][:N] + g_ref[:N]) + b_ref[...]
    a = jnp.maximum(h, 0.0)
    o_ref[pl.ds(0, N)] = dinv * jnp.dot(a, w_ref[...], preferred_element_type=jnp.float32)
    o_ref[pl.ds(N, NT - N)] = jnp.zeros((NT - N, D), jnp.float32)


def _readout_body(p_ref, g_ref, pdeg_ref, b3_ref, wr1_ref, br1_ref, wr2_ref,
                  br2_ref, batch_ref, o_ref):
    dinv = _dinv_from(pdeg_ref)
    h = dinv * (p_ref[0][:N] + p_ref[1][:N] + g_ref[:N]) + b3_ref[...]
    t = jnp.maximum(
        jnp.dot(h, wr1_ref[...], preferred_element_type=jnp.float32) + br1_ref[...],
        0.0,
    )
    r = jnp.dot(t, wr2_ref[...], preferred_element_type=jnp.float32) + br2_ref[...]
    onehot = (batch_ref[...] == lax.broadcasted_iota(jnp.int32, (N, NG), 1)
              ).astype(jnp.float32)
    dn = (((0,), (0,)), ((), ()))
    sums = lax.dot_general(onehot, r, dn, preferred_element_type=jnp.float32)
    counts = lax.dot_general(onehot, jnp.ones((N, 1), jnp.float32), dn,
                             preferred_element_type=jnp.float32)
    o_ref[...] = sums / jnp.maximum(counts, 1.0)


def kernel(x, edge_index, batch, W1, b1, W2, b2, W3, b3, Wr1, br1, Wr2, br2):
    src = edge_index[0].astype(jnp.int32)
    dst = edge_index[1].astype(jnp.int32)
    pad = EPAD - E
    srcp = jnp.concatenate([src, jnp.full((pad,), N, jnp.int32)])
    pad_dst = jnp.arange(pad, dtype=jnp.int32) % N
    dstp = jnp.concatenate([dst, pad_dst])
    sdl = jnp.stack([srcp.reshape(NC, NS, K, CH),
                     dstp.reshape(NC, NS, K, CH)], axis=3)
    zf = jnp.zeros((RPT, D), jnp.float32)

    onest = jnp.concatenate([jnp.ones((N, D), jnp.float32),
                             jnp.zeros((NT - N, D), jnp.float32)])
    pdeg = _edge_degree(onest, sdl, zf)

    g1 = pl.pallas_call(
        _k1_body, out_shape=jax.ShapeDtypeStruct((NT, D), jnp.float32),
    )(x, W1, pdeg)
    p1 = _edge_scatter(g1, sdl, zf)

    mid = pl.pallas_call(
        _mid_body, out_shape=jax.ShapeDtypeStruct((NT, D), jnp.float32),
    )
    g2 = mid(p1, g1, pdeg, W2, b1.reshape(1, D))
    p2 = _edge_scatter(g2, sdl, zf)

    g3 = mid(p2, g2, pdeg, W3, b2.reshape(1, D))
    p3 = _edge_scatter(g3, sdl, zf)

    out = pl.pallas_call(
        _readout_body, out_shape=jax.ShapeDtypeStruct((NG, 1), jnp.float32),
    )(p3, g3, pdeg, b3.reshape(1, D), Wr1, br1.reshape(1, D // 2), Wr2,
      br2.reshape(1, 1), batch.astype(jnp.int32).reshape(N, 1))
    return out

# --- scband reference (transcript-rebuilt; emitter-appended) ---
"""Pipeline reference for scband-petri-gcn-76639396430229 (READ-ONLY COPY).

The authoritative reference and input builder live on the scoring server;
editing this copy changes nothing except your own understanding.
"""

import jax, jax.numpy as jnp
import numpy as np

N_NODES = 10000
N_EDGES = 320000
D_IN = 128
D_HID = 128
NUM_GRAPHS = 64


def setup_inputs(seed: int = 0) -> dict:
    key = jax.random.key(seed)
    ks = jax.random.split(key, 16)
    x = jax.random.normal(ks[0], (N_NODES, D_IN), dtype=jnp.float32)
    edge_index = jax.random.randint(ks[1], (2, N_EDGES), 0, N_NODES, dtype=jnp.int64)
    batch = jnp.sort(jax.random.randint(ks[2], (N_NODES,), 0, NUM_GRAPHS, dtype=jnp.int64))
    s = 1.0 / np.sqrt(D_HID)
    W1 = jax.random.normal(ks[3], (D_IN, D_HID), dtype=jnp.float32) * s
    b1 = jnp.zeros((D_HID,), dtype=jnp.float32)
    W2 = jax.random.normal(ks[4], (D_HID, D_HID), dtype=jnp.float32) * s
    b2 = jnp.zeros((D_HID,), dtype=jnp.float32)
    W3 = jax.random.normal(ks[5], (D_HID, D_HID), dtype=jnp.float32) * s
    b3 = jnp.zeros((D_HID,), dtype=jnp.float32)
    Wr1 = jax.random.normal(ks[6], (D_HID, D_HID // 2), dtype=jnp.float32) * s
    br1 = jnp.zeros((D_HID // 2,), dtype=jnp.float32)
    Wr2 = jax.random.normal(ks[7], (D_HID // 2, 1), dtype=jnp.float32) * s
    br2 = jnp.zeros((1,), dtype=jnp.float32)
    return {"x": x, "edge_index": edge_index, "batch": batch,
            "W1": W1, "b1": b1, "W2": W2, "b2": b2, "W3": W3, "b3": b3,
            "Wr1": Wr1, "br1": br1, "Wr2": Wr2, "br2": br2}


def _gcn_conv(x, src, dst, norm, W, b):
    h = x @ W
    msg = h[src] * norm[:, None]
    out = jnp.zeros((x.shape[0], W.shape[1]), dtype=x.dtype).at[dst].add(msg)
    return out + b


def reference(x, edge_index, batch, W1, b1, W2, b2, W3, b3, Wr1, br1, Wr2, br2):
    N = x.shape[0]
    loops = jnp.arange(N, dtype=edge_index.dtype)
    src = jnp.concatenate([edge_index[0], loops])
    dst = jnp.concatenate([edge_index[1], loops])
    # symmetric normalization with self-loops (GCNConv default)
    deg = jnp.zeros((N,), dtype=x.dtype).at[dst].add(1.0)
    dinv = jnp.where(deg > 0, jax.lax.rsqrt(deg), 0.0)
    norm = dinv[src] * dinv[dst]
    # GCN stack: act between layers, no act after the last conv
    h = _gcn_conv(x, src, dst, norm, W1, b1)
    h = jax.nn.relu(h)
    h = _gcn_conv(h, src, dst, norm, W2, b2)
    h = jax.nn.relu(h)
    h = _gcn_conv(h, src, dst, norm, W3, b3)
    # MLP readout: hidden -> hidden//2 -> 1
    r = jax.nn.relu(h @ Wr1 + br1)
    r = r @ Wr2 + br2
    # scatter mean over graphs in batch
    sums = jax.ops.segment_sum(r, batch, num_segments=NUM_GRAPHS)
    counts = jax.ops.segment_sum(jnp.ones((N,), dtype=x.dtype), batch, num_segments=NUM_GRAPHS)
    out = sums / jnp.maximum(counts, 1.0)[:, None]
    return out

if __name__ == "__main__":
    import jax
    _d = setup_inputs()
    print(jax.jit(kernel)(*tuple(_d.values())))

</pallas_src>

<mosaic_0001>
#map = affine_map<(d0, d1) -> (0, 0)>
#map1 = affine_map<(d0, d1) -> (0, 0, 0, 0, 0)>
#map2 = affine_map<(d0, d1) -> (0, 0, 0)>
module attributes {stable_mosaic.version = 14 : i64} {
  func.func @_scatter_body(%arg0: i32, %arg1: i32, %arg2: memref<10008x128xf32, #tpu.memory_space<hbm>>, %arg3: memref<2x16x84x2x120xi32, #tpu.memory_space<hbm>>, %arg4: memref<632x128xf32, #tpu.memory_space<hbm>>, %arg5: memref<2x10112x128xf32, #tpu.memory_space<hbm>>, %arg6: memref<2x120xi32, #tpu.memory_space<vmem>>, %arg7: memref<2x120xi32, #tpu.memory_space<vmem>>, %arg8: memref<2x120xi32, #tpu.memory_space<vmem>>, %arg9: memref<120x128xf32, #tpu.memory_space<vmem>>, %arg10: memref<120x128xf32, #tpu.memory_space<vmem>>, %arg11: memref<120x128xf32, #tpu.memory_space<vmem>>, %arg12: memref<10112x128xf32, #tpu.memory_space<vmem_shared>>, %arg13: memref<!tpu.dma_semaphore, #tpu.memory_space<semaphore_mem>>, %arg14: memref<!tpu.dma_semaphore, #tpu.memory_space<semaphore_mem>>, %arg15: memref<!tpu.dma_semaphore, #tpu.memory_space<semaphore_mem>>, %arg16: memref<!tpu.dma_semaphore, #tpu.memory_space<semaphore_mem>>, %arg17: memref<!tpu.dma_semaphore, #tpu.memory_space<semaphore_mem>>, %arg18: memref<!tpu.dma_semaphore, #tpu.memory_space<semaphore_mem>>) attributes {dimension_semantics = [#tpu.dimension_semantics<core_parallel>, #tpu.dimension_semantics<subcore_parallel>], iteration_bounds = array<i64: 2, 16>, scalar_prefetch = 0 : i64, scratch_operands = 13 : i64, tpu.core_type = #tpu.core_type<sc_vector_subcore>, window_params = [{transform_indices = #map}, {transform_indices = #map1}, {transform_indices = #map}, {transform_indices = #map2}]} {
    %mul3A = arith.constant 632 : i32
    %mul3A_0 = arith.muli %arg1, %mul3A : i32
    "tpu.region"() ({
      %run_scoped3A_73 = tpu.sem_alloc : memref<!tpu.dma_semaphore, #tpu.memory_space<semaphore_mem>>
      %dma_start3A_74 = arith.constant 0 : i32
      %dma_start3A_75 = tpu.memref_slice %arg12[%mul3A_0, %dma_start3A_74] : memref<10112x128xf32, #tpu.memory_space<vmem_shared>> -> memref<632x128xf32, #tpu.memory_space<vmem_shared>>
      tpu.enqueue_dma source(%arg4 : memref<632x128xf32, #tpu.memory_space<hbm>>) target(%dma_start3A_75 : memref<632x128xf32, #tpu.memory_space<vmem_shared>>) target_semaphore(%run_scoped3A_73 : memref<!tpu.dma_semaphore, #tpu.memory_space<semaphore_mem>>)
      %dma_wait3A_76 = arith.constant 0 : i32
      %dma_wait3A_77 = tpu.memref_slice %arg12[%mul3A_0, %dma_wait3A_76] : memref<10112x128xf32, #tpu.memory_space<vmem_shared>> -> memref<632x128xf32, #tpu.memory_space<vmem_shared>>
      tpu.wait_dma2 semaphore(%run_scoped3A_73 : memref<!tpu.dma_semaphore, #tpu.memory_space<semaphore_mem>>) src(%arg4 : memref<632x128xf32, #tpu.memory_space<hbm>>) dst(%dma_wait3A_77 : memref<632x128xf32, #tpu.memory_space<vmem_shared>>)
      tpu.yield
    }) : () -> ()
    %barrier3A = arith.constant 0 : index
    tpu.barrier barrier_id(%barrier3A)
    %run_scoped3A = arith.constant 0 : i32
    "tpu.region"() ({
      %run_scoped3A_73 = tpu.sem_alloc : memref<!tpu.dma_semaphore, #tpu.memory_space<semaphore_mem>>
      %dma_start3A_74 = arith.constant 0 : i32
      %dma_start3A_75 = arith.constant 0 : i32
      %dma_start3A_76 = tpu.memref_slice %arg3[%arg0, %arg1, %run_scoped3A, %dma_start3A_74, %dma_start3A_75] : memref<2x16x84x2x120xi32, #tpu.memory_space<hbm>> -> memref<1x1x1x2x120xi32, #tpu.memory_space<hbm>>
      %dma_start3A_77 = tpu.memref_squeeze %dma_start3A_76 : memref<1x1x1x2x120xi32, #tpu.memory_space<hbm>> -> memref<2x120xi32, #tpu.memory_space<hbm>>
      %dma_start3A_78 = arith.constant 0 : i32
      %dma_start3A_79 = arith.constant 0 : i32
      %dma_start3A_80 = tpu.memref_slice %arg3[%arg0, %arg1, %run_scoped3A, %dma_start3A_78, %dma_start3A_79] : memref<2x16x84x2x120xi32, #tpu.memory_space<hbm>> -> memref<1x1x1x2x120xi32, #tpu.memory_space<hbm>>
      %dma_start3A_81 = tpu.memref_squeeze %dma_start3A_80 : memref<1x1x1x2x120xi32, #tpu.memory_space<hbm>> -> memref<2x120xi32, #tpu.memory_space<hbm>>
      tpu.enqueue_dma source(%dma_start3A_81 : memref<2x120xi32, #tpu.memory_space<hbm>>) target(%arg6 : memref<2x120xi32, #tpu.memory_space<vmem>>) target_semaphore(%run_scoped3A_73 : memref<!tpu.dma_semaphore, #tpu.memory_space<semaphore_mem>>)
      %dma_wait3A_82 = arith.constant 0 : i32
      %dma_wait3A_83 = arith.constant 0 : i32
      %dma_wait3A_84 = tpu.memref_slice %arg3[%arg0, %arg1, %run_scoped3A, %dma_wait3A_82, %dma_wait3A_83] : memref<2x16x84x2x120xi32, #tpu.memory_space<hbm>> -> memref<1x1x1x2x120xi32, #tpu.memory_space<hbm>>
      %dma_wait3A_85 = tpu.memref_squeeze %dma_wait3A_84 : memref<1x1x1x2x120xi32, #tpu.memory_space<hbm>> -> memref<2x120xi32, #tpu.memory_space<hbm>>
      %dma_wait3A_86 = arith.constant 0 : i32
      %dma_wait3A_87 = arith.constant 0 : i32
      %dma_wait3A_88 = tpu.memref_slice %arg3[%arg0, %arg1, %run_scoped3A, %dma_wait3A_86, %dma_wait3A_87] : memref<2x16x84x2x120xi32, #tpu.memory_space<hbm>> -> memref<1x1x1x2x120xi32, #tpu.memory_space<hbm>>
      %dma_wait3A_89 = tpu.memref_squeeze %dma_wait3A_88 : memref<1x1x1x2x120xi32, #tpu.memory_space<hbm>> -> memref<2x120xi32, #tpu.memory_space<hbm>>
      tpu.wait_dma2 semaphore(%run_scoped3A_73 : memref<!tpu.dma_semaphore, #tpu.memory_space<semaphore_mem>>) src(%dma_wait3A_89 : memref<2x120xi32, #tpu.memory_space<hbm>>) dst(%arg6 : memref<2x120xi32, #tpu.memory_space<vmem>>)
      tpu.yield
    }) : () -> ()
    %dma_start3A = arith.constant 0 : i32
    %dma_start3A_1 = arith.constant 0 : i32
    %dma_start3A_2 = tpu.memref_slice %arg6[%dma_start3A, %dma_start3A_1] : memref<2x120xi32, #tpu.memory_space<vmem>> -> memref<1x120xi32, #tpu.memory_space<vmem>>
    %dma_start3A_3 = tpu.memref_squeeze %dma_start3A_2 : memref<1x120xi32, #tpu.memory_space<vmem>> -> memref<120xi32, #tpu.memory_space<vmem>>
    %dma_start3A_4 = arith.constant 0 : i32
    %dma_start3A_5 = arith.constant 0 : i32
    %dma_start3A_6 = tpu.memref_slice %arg2[%dma_start3A_4, %dma_start3A_5] : memref<10008x128xf32, #tpu.memory_space<hbm>> -> memref<10008x128xf32, #tpu.memory_space<hbm>>
    tpu.enqueue_indirect_dma source(%dma_start3A_6 : memref<10008x128xf32, #tpu.memory_space<hbm>>) target(%arg9 : memref<120x128xf32, #tpu.memory_space<vmem>>) offsets(%dma_start3A_3 : memref<120xi32, #tpu.memory_space<vmem>>) semaphore(%arg16 : memref<!tpu.dma_semaphore, #tpu.memory_space<semaphore_mem>>)
    %run_scoped3A_7 = arith.constant 1 : i32
    "tpu.region"() ({
      %run_scoped3A_73 = tpu.sem_alloc : memref<!tpu.dma_semaphore, #tpu.memory_space<semaphore_mem>>
      %dma_start3A_74 = arith.constant 0 : i32
      %dma_start3A_75 = arith.constant 0 : i32
      %dma_start3A_76 = tpu.memref_slice %arg3[%arg0, %arg1, %run_scoped3A_7, %dma_start3A_74, %dma_start3A_75] : memref<2x16x84x2x120xi32, #tpu.memory_space<hbm>> -> memref<1x1x1x2x120xi32, #tpu.memory_space<hbm>>
      %dma_start3A_77 = tpu.memref_squeeze %dma_start3A_76 : memref<1x1x1x2x120xi32, #tpu.memory_space<hbm>> -> memref<2x120xi32, #tpu.memory_space<hbm>>
      %dma_start3A_78 = arith.constant 0 : i32
      %dma_start3A_79 = arith.constant 0 : i32
      %dma_start3A_80 = tpu.memref_slice %arg3[%arg0, %arg1, %run_scoped3A_7, %dma_start3A_78, %dma_start3A_79] : memref<2x16x84x2x120xi32, #tpu.memory_space<hbm>> -> memref<1x1x1x2x120xi32, #tpu.memory_space<hbm>>
      %dma_start3A_81 = tpu.memref_squeeze %dma_start3A_80 : memref<1x1x1x2x120xi32, #tpu.memory_space<hbm>> -> memref<2x120xi32, #tpu.memory_space<hbm>>
      tpu.enqueue_dma source(%dma_start3A_81 : memref<2x120xi32, #tpu.memory_space<hbm>>) target(%arg7 : memref<2x120xi32, #tpu.memory_space<vmem>>) target_semaphore(%run_scoped3A_73 : memref<!tpu.dma_semaphore, #tpu.memory_space<semaphore_mem>>)
      %dma_wait3A_82 = arith.constant 0 : i32
      %dma_wait3A_83 = arith.constant 0 : i32
      %dma_wait3A_84 = tpu.memref_slice %arg3[%arg0, %arg1, %run_scoped3A_7, %dma_wait3A_82, %dma_wait3A_83] : memref<2x16x84x2x120xi32, #tpu.memory_space<hbm>> -> memref<1x1x1x2x120xi32, #tpu.memory_space<hbm>>
      %dma_wait3A_85 = tpu.memref_squeeze %dma_wait3A_84 : memref<1x1x1x2x120xi32, #tpu.memory_space<hbm>> -> memref<2x120xi32, #tpu.memory_space<hbm>>
      %dma_wait3A_86 = arith.constant 0 : i32
      %dma_wait3A_87 = arith.constant 0 : i32
      %dma_wait3A_88 = tpu.memref_slice %arg3[%arg0, %arg1, %run_scoped3A_7, %dma_wait3A_86, %dma_wait3A_87] : memref<2x16x84x2x120xi32, #tpu.memory_space<hbm>> -> memref<1x1x1x2x120xi32, #tpu.memory_space<hbm>>
      %dma_wait3A_89 = tpu.memref_squeeze %dma_wait3A_88 : memref<1x1x1x2x120xi32, #tpu.memory_space<hbm>> -> memref<2x120xi32, #tpu.memory_space<hbm>>
      tpu.wait_dma2 semaphore(%run_scoped3A_73 : memref<!tpu.dma_semaphore, #tpu.memory_space<semaphore_mem>>) src(%dma_wait3A_89 : memref<2x120xi32, #tpu.memory_space<hbm>>) dst(%arg7 : memref<2x120xi32, #tpu.memory_space<vmem>>)
      tpu.yield
    }) : () -> ()
    %dma_start3A_8 = arith.constant 0 : i32
    %dma_start3A_9 = arith.constant 0 : i32
    %dma_start3A_10 = tpu.memref_slice %arg7[%dma_start3A_8, %dma_start3A_9] : memref<2x120xi32, #tpu.memory_space<vmem>> -> memref<1x120xi32, #tpu.memory_space<vmem>>
    %dma_start3A_11 = tpu.memref_squeeze %dma_start3A_10 : memref<1x120xi32, #tpu.memory_space<vmem>> -> memref<120xi32, #tpu.memory_space<vmem>>
    %dma_start3A_12 = arith.constant 0 : i32
    %dma_start3A_13 = arith.constant 0 : i32
    %dma_start3A_14 = tpu.memref_slice %arg2[%dma_start3A_12, %dma_start3A_13] : memref<10008x128xf32, #tpu.memory_space<hbm>> -> memref<10008x128xf32, #tpu.memory_space<hbm>>
    tpu.enqueue_indirect_dma source(%dma_start3A_14 : memref<10008x128xf32, #tpu.memory_space<hbm>>) target(%arg10 : memref<120x128xf32, #tpu.memory_space<vmem>>) offsets(%dma_start3A_11 : memref<120xi32, #tpu.memory_space<vmem>>) semaphore(%arg17 : memref<!tpu.dma_semaphore, #tpu.memory_space<semaphore_mem>>)
    %dma_start3A_15 = arith.constant 2 : i32
    %dma_start3A_16 = arith.constant 0 : i32
    %dma_start3A_17 = arith.constant 0 : i32
    %dma_start3A_18 = tpu.memref_slice %arg3[%arg0, %arg1, %dma_start3A_15, %dma_start3A_16, %dma_start3A_17] : memref<2x16x84x2x120xi32, #tpu.memory_space<hbm>> -> memref<1x1x1x2x120xi32, #tpu.memory_space<hbm>>
    %dma_start3A_19 = tpu.memref_squeeze %dma_start3A_18 : memref<1x1x1x2x120xi32, #tpu.memory_space<hbm>> -> memref<2x120xi32, #tpu.memory_space<hbm>>
    %dma_start3A_20 = arith.constant 0 : i32
    %dma_start3A_21 = arith.constant 0 : i32
    %dma_start3A_22 = tpu.memref_slice %arg3[%arg0, %arg1, %dma_start3A_15, %dma_start3A_20, %dma_start3A_21] : memref<2x16x84x2x120xi32, #tpu.memory_space<hbm>> -> memref<1x1x1x2x120xi32, #tpu.memory_space<hbm>>
    %dma_start3A_23 = tpu.memref_squeeze %dma_start3A_22 : memref<1x1x1x2x120xi32, #tpu.memory_space<hbm>> -> memref<2x120xi32, #tpu.memory_space<hbm>>
    tpu.enqueue_dma source(%dma_start3A_23 : memref<2x120xi32, #tpu.memory_space<hbm>>) target(%arg8 : memref<2x120xi32, #tpu.memory_space<vmem>>) target_semaphore(%arg15 : memref<!tpu.dma_semaphore, #tpu.memory_space<semaphore_mem>>)
    %scan3A = arith.constant 0 : i32
    %scan3A_24 = arith.constant 0 : i32
    %scan3A_25 = arith.constant 27 : i32
    %scan3A_26 = arith.addi %scan3A_24, %scan3A_25 : i32
    %scan3A_27 = arith.constant 1 : i32
    scf.for %scan3A_73 = %scan3A_24 to %scan3A_26 step %scan3A_27  : i32 {
      %mul3A_74 = arith.constant 3 : i32
      %mul3A_75 = arith.muli %scan3A_73, %mul3A_74 : i32
      %add3A = arith.constant 2 : i32
      %add3A_76 = arith.addi %mul3A_75, %add3A : i32
      %dma_wait3A_77 = arith.constant 0 : i32
      %dma_wait3A_78 = arith.constant 0 : i32
      %dma_wait3A_79 = tpu.memref_slice %arg3[%arg0, %arg1, %add3A_76, %dma_wait3A_77, %dma_wait3A_78] : memref<2x16x84x2x120xi32, #tpu.memory_space<hbm>> -> memref<1x1x1x2x120xi32, #tpu.memory_space<hbm>>
      %dma_wait3A_80 = tpu.memref_squeeze %dma_wait3A_79 : memref<1x1x1x2x120xi32, #tpu.memory_space<hbm>> -> memref<2x120xi32, #tpu.memory_space<hbm>>
      %dma_wait3A_81 = arith.constant 0 : i32
      %dma_wait3A_82 = arith.constant 0 : i32
      %dma_wait3A_83 = tpu.memref_slice %arg3[%arg0, %arg1, %add3A_76, %dma_wait3A_81, %dma_wait3A_82] : memref<2x16x84x2x120xi32, #tpu.memory_space<hbm>> -> memref<1x1x1x2x120xi32, #tpu.memory_space<hbm>>
      %dma_wait3A_84 = tpu.memref_squeeze %dma_wait3A_83 : memref<1x1x1x2x120xi32, #tpu.memory_space<hbm>> -> memref<2x120xi32, #tpu.memory_space<hbm>>
      tpu.wait_dma2 semaphore(%arg15 : memref<!tpu.dma_semaphore, #tpu.memory_space<semaphore_mem>>) src(%dma_wait3A_84 : memref<2x120xi32, #tpu.memory_space<hbm>>) dst(%arg8 : memref<2x120xi32, #tpu.memory_space<vmem>>)
      %dma_start3A_85 = arith.constant 0 : i32
      %dma_start3A_86 = arith.constant 0 : i32
      %dma_start3A_87 = tpu.memref_slice %arg8[%dma_start3A_85, %dma_start3A_86] : memref<2x120xi32, #tpu.memory_space<vmem>> -> memref<1x120xi32, #tpu.memory_space<vmem>>
      %dma_start3A_88 = tpu.memref_squeeze %dma_start3A_87 : memref<1x120xi32, #tpu.memory_space<vmem>> -> memref<120xi32, #tpu.memory_space<vmem>>
      %dma_start3A_89 = arith.constant 0 : i32
      %dma_start3A_90 = arith.constant 0 : i32
      %dma_start3A_91 = tpu.memref_slice %arg2[%dma_start3A_89, %dma_start3A_90] : memref<10008x128xf32, #tpu.memory_space<hbm>> -> memref<10008x128xf32, #tpu.memory_space<hbm>>
      tpu.enqueue_indirect_dma source(%dma_start3A_91 : memref<10008x128xf32, #tpu.memory_space<hbm>>) target(%arg11 : memref<120x128xf32, #tpu.memory_space<vmem>>) offsets(%dma_start3A_88 : memref<120xi32, #tpu.memory_space<vmem>>) semaphore(%arg18 : memref<!tpu.dma_semaphore, #tpu.memory_space<semaphore_mem>>)
      %dma_wait3A_92 = arith.constant 0 : i32
      %dma_wait3A_93 = arith.constant 0 : i32
      %dma_wait3A_94 = tpu.memref_slice %arg6[%dma_wait3A_92, %dma_wait3A_93] : memref<2x120xi32, #tpu.memory_space<vmem>> -> memref<1x120xi32, #tpu.memory_space<vmem>>
      %dma_wait3A_95 = tpu.memref_squeeze %dma_wait3A_94 : memref<1x120xi32, #tpu.memory_space<vmem>> -> memref<120xi32, #tpu.memory_space<vmem>>
      %dma_wait3A_96 = arith.constant 0 : i32
      %dma_wait3A_97 = arith.constant 0 : i32
      %dma_wait3A_98 = tpu.memref_slice %arg2[%dma_wait3A_96, %dma_wait3A_97] : memref<10008x128xf32, #tpu.memory_space<hbm>> -> memref<10008x128xf32, #tpu.memory_space<hbm>>
      tpu.wait_indirect_dma semaphore(%arg16 : memref<!tpu.dma_semaphore, #tpu.memory_space<semaphore_mem>>) src(%dma_wait3A_98 : memref<10008x128xf32, #tpu.memory_space<hbm>>) dst(%arg9 : memref<120x128xf32, #tpu.memory_space<vmem>>)
      %run_scoped3A_99 = arith.constant 1 : i32
      "tpu.region"() ({
        %run_scoped3A_180 = tpu.sem_alloc : memref<!tpu.dma_semaphore, #tpu.memory_space<semaphore_mem>>
        %dma_start3A_181 = arith.constant 0 : i32
        %dma_start3A_182 = tpu.memref_slice %arg6[%run_scoped3A_99, %dma_start3A_181] : memref<2x120xi32, #tpu.memory_space<vmem>> -> memref<1x120xi32, #tpu.memory_space<vmem>>
        %dma_start3A_183 = tpu.memref_squeeze %dma_start3A_182 : memref<1x120xi32, #tpu.memory_space<vmem>> -> memref<120xi32, #tpu.memory_space<vmem>>
        %dma_start3A_184 = arith.constant 0 : i32
        %dma_start3A_185 = arith.constant 0 : i32
        %dma_start3A_186 = tpu.memref_slice %arg12[%dma_start3A_184, %dma_start3A_185] : memref<10112x128xf32, #tpu.memory_space<vmem_shared>> -> memref<10112x128xf32, #tpu.memory_space<vmem_shared>>
        tpu.enqueue_indirect_dma source(%arg9 : memref<120x128xf32, #tpu.memory_space<vmem>>) target(%dma_start3A_186 : memref<10112x128xf32, #tpu.memory_space<vmem_shared>>) offsets(%dma_start3A_183 : memref<120xi32, #tpu.memory_space<vmem>>) semaphore(%run_scoped3A_180 : memref<!tpu.dma_semaphore, #tpu.memory_space<semaphore_mem>>) {add = true}
        %dma_wait3A_187 = arith.constant 0 : i32
        %dma_wait3A_188 = tpu.memref_slice %arg6[%run_scoped3A_99, %dma_wait3A_187] : memref<2x120xi32, #tpu.memory_space<vmem>> -> memref<1x120xi32, #tpu.memory_space<vmem>>
        %dma_wait3A_189 = tpu.memref_squeeze %dma_wait3A_188 : memref<1x120xi32, #tpu.memory_space<vmem>> -> memref<120xi32, #tpu.memory_space<vmem>>
        %dma_wait3A_190 = arith.constant 0 : i32
        %dma_wait3A_191 = arith.constant 0 : i32
        %dma_wait3A_192 = tpu.memref_slice %arg12[%dma_wait3A_190, %dma_wait3A_191] : memref<10112x128xf32, #tpu.memory_space<vmem_shared>> -> memref<10112x128xf32, #tpu.memory_space<vmem_shared>>
        tpu.wait_indirect_dma semaphore(%run_scoped3A_180 : memref<!tpu.dma_semaphore, #tpu.memory_space<semaphore_mem>>) src(%arg9 : memref<120x128xf32, #tpu.memory_space<vmem>>) dst(%dma_wait3A_192 : memref<10112x128xf32, #tpu.memory_space<vmem_shared>>)
        tpu.yield
      }) : () -> ()
      %add3A_100 = arith.constant 3 : i32
      %add3A_101 = arith.addi %mul3A_75, %add3A_100 : i32
      %dma_start3A_102 = arith.constant 0 : i32
      %dma_start3A_103 = arith.constant 0 : i32
      %dma_start3A_104 = tpu.memref_slice %arg3[%arg0, %arg1, %add3A_101, %dma_start3A_102, %dma_start3A_103] : memref<2x16x84x2x120xi32, #tpu.memory_space<hbm>> -> memref<1x1x1x2x120xi32, #tpu.memory_space<hbm>>
      %dma_start3A_105 = tpu.memref_squeeze %dma_start3A_104 : memref<1x1x1x2x120xi32, #tpu.memory_space<hbm>> -> memref<2x120xi32, #tpu.memory_space<hbm>>
      %dma_start3A_106 = arith.constant 0 : i32
      %dma_start3A_107 = arith.constant 0 : i32
      %dma_start3A_108 = tpu.memref_slice %arg3[%arg0, %arg1, %add3A_101, %dma_start3A_106, %dma_start3A_107] : memref<2x16x84x2x120xi32, #tpu.memory_space<hbm>> -> memref<1x1x1x2x120xi32, #tpu.memory_space<hbm>>
      %dma_start3A_109 = tpu.memref_squeeze %dma_start3A_108 : memref<1x1x1x2x120xi32, #tpu.memory_space<hbm>> -> memref<2x120xi32, #tpu.memory_space<hbm>>
      tpu.enqueue_dma source(%dma_start3A_109 : memref<2x120xi32, #tpu.memory_space<hbm>>) target(%arg6 : memref<2x120xi32, #tpu.memory_space<vmem>>) target_semaphore(%arg13 : memref<!tpu.dma_semaphore, #tpu.memory_space<semaphore_mem>>)
      %add3A_110 = arith.constant 3 : i32
      %add3A_111 = arith.addi %mul3A_75, %add3A_110 : i32
      %dma_wait3A_112 = arith.constant 0 : i32
      %dma_wait3A_113 = arith.constant 0 : i32
      %dma_wait3A_114 = tpu.memref_slice %arg3[%arg0, %arg1, %add3A_111, %dma_wait3A_112, %dma_wait3A_113] : memref<2x16x84x2x120xi32, #tpu.memory_space<hbm>> -> memref<1x1x1x2x120xi32, #tpu.memory_space<hbm>>
      %dma_wait3A_115 = tpu.memref_squeeze %dma_wait3A_114 : memref<1x1x1x2x120xi32, #tpu.memory_space<hbm>> -> memref<2x120xi32, #tpu.memory_space<hbm>>
      %dma_wait3A_116 = arith.constant 0 : i32
      %dma_wait3A_117 = arith.constant 0 : i32
      %dma_wait3A_118 = tpu.memref_slice %arg3[%arg0, %arg1, %add3A_111, %dma_wait3A_116, %dma_wait3A_117] : memref<2x16x84x2x120xi32, #tpu.memory_space<hbm>> -> memref<1x1x1x2x120xi32, #tpu.memory_space<hbm>>
      %dma_wait3A_119 = tpu.memref_squeeze %dma_wait3A_118 : memref<1x1x1x2x120xi32, #tpu.memory_space<hbm>> -> memref<2x120xi32, #tpu.memory_space<hbm>>
      tpu.wait_dma2 semaphore(%arg13 : memref<!tpu.dma_semaphore, #tpu.memory_space<semaphore_mem>>) src(%dma_wait3A_119 : memref<2x120xi32, #tpu.memory_space<hbm>>) dst(%arg6 : memref<2x120xi32, #tpu.memory_space<vmem>>)
      %dma_start3A_120 = arith.constant 0 : i32
      %dma_start3A_121 = arith.constant 0 : i32
      %dma_start3A_122 = tpu.memref_slice %arg6[%dma_start3A_120, %dma_start3A_121] : memref<2x120xi32, #tpu.memory_space<vmem>> -> memref<1x120xi32, #tpu.memory_space<vmem>>
      %dma_start3A_123 = tpu.memref_squeeze %dma_start3A_122 : memref<1x120xi32, #tpu.memory_space<vmem>> -> memref<120xi32, #tpu.memory_space<vmem>>
      %dma_start3A_124 = arith.constant 0 : i32
      %dma_start3A_125 = arith.constant 0 : i32
      %dma_start3A_126 = tpu.memref_slice %arg2[%dma_start3A_124, %dma_start3A_125] : memref<10008x128xf32, #tpu.memory_space<hbm>> -> memref<10008x128xf32, #tpu.memory_space<hbm>>
      tpu.enqueue_indirect_dma source(%dma_start3A_126 : memref<10008x128xf32, #tpu.memory_space<hbm>>) target(%arg9 : memref<120x128xf32, #tpu.memory_space<vmem>>) offsets(%dma_start3A_123 : memref<120xi32, #tpu.memory_space<vmem>>) semaphore(%arg16 : memref<!tpu.dma_semaphore, #tpu.memory_space<semaphore_mem>>)
      %dma_wait3A_127 = arith.constant 0 : i32
      %dma_wait3A_128 = arith.constant 0 : i32
      %dma_wait3A_129 = tpu.memref_slice %arg7[%dma_wait3A_127, %dma_wait3A_128] : memref<2x120xi32, #tpu.memory_space<vmem>> -> memref<1x120xi32, #tpu.memory_space<vmem>>
      %dma_wait3A_130 = tpu.memref_squeeze %dma_wait3A_129 : memref<1x120xi32, #tpu.memory_space<vmem>> -> memref<120xi32, #tpu.memory_space<vmem>>
      %dma_wait3A_131 = arith.constant 0 : i32
      %dma_wait3A_132 = arith.constant 0 : i32
      %dma_wait3A_133 = tpu.memref_slice %arg2[%dma_wait3A_131, %dma_wait3A_132] : memref<10008x128xf32, #tpu.memory_space<hbm>> -> memref<10008x128xf32, #tpu.memory_space<hbm>>
      tpu.wait_indirect_dma semaphore(%arg17 : memref<!tpu.dma_semaphore, #tpu.memory_space<semaphore_mem>>) src(%dma_wait3A_133 : memref<10008x128xf32, #tpu.memory_space<hbm>>) dst(%arg10 : memref<120x128xf32, #tpu.memory_space<vmem>>)
      %run_scoped3A_134 = arith.constant 1 : i32
      "tpu.region"() ({
        %run_scoped3A_180 = tpu.sem_alloc : memref<!tpu.dma_semaphore, #tpu.memory_space<semaphore_mem>>
        %dma_start3A_181 = arith.constant 0 : i32
        %dma_start3A_182 = tpu.memref_slice %arg7[%run_scoped3A_134, %dma_start3A_181] : memref<2x120xi32, #tpu.memory_space<vmem>> -> memref<1x120xi32, #tpu.memory_space<vmem>>
        %dma_start3A_183 = tpu.memref_squeeze %dma_start3A_182 : memref<1x120xi32, #tpu.memory_space<vmem>> -> memref<120xi32, #tpu.memory_space<vmem>>
        %dma_start3A_184 = arith.constant 0 : i32
        %dma_start3A_185 = arith.constant 0 : i32
        %dma_start3A_186 = tpu.memref_slice %arg12[%dma_start3A_184, %dma_start3A_185] : memref<10112x128xf32, #tpu.memory_space<vmem_shared>> -> memref<10112x128xf32, #tpu.memory_space<vmem_shared>>
        tpu.enqueue_indirect_dma source(%arg10 : memref<120x128xf32, #tpu.memory_space<vmem>>) target(%dma_start3A_186 : memref<10112x128xf32, #tpu.memory_space<vmem_shared>>) offsets(%dma_start3A_183 : memref<120xi32, #tpu.memory_space<vmem>>) semaphore(%run_scoped3A_180 : memref<!tpu.dma_semaphore, #tpu.memory_space<semaphore_mem>>) {add = true}
        %dma_wait3A_187 = arith.constant 0 : i32
        %dma_wait3A_188 = tpu.memref_slice %arg7[%run_scoped3A_134, %dma_wait3A_187] : memref<2x120xi32, #tpu.memory_space<vmem>> -> memref<1x120xi32, #tpu.memory_space<vmem>>
        %dma_wait3A_189 = tpu.memref_squeeze %dma_wait3A_188 : memref<1x120xi32, #tpu.memory_space<vmem>> -> memref<120xi32, #tpu.memory_space<vmem>>
        %dma_wait3A_190 = arith.constant 0 : i32
        %dma_wait3A_191 = arith.constant 0 : i32
        %dma_wait3A_192 = tpu.memref_slice %arg12[%dma_wait3A_190, %dma_wait3A_191] : memref<10112x128xf32, #tpu.memory_space<vmem_shared>> -> memref<10112x128xf32, #tpu.memory_space<vmem_shared>>
        tpu.wait_indirect_dma semaphore(%run_scoped3A_180 : memref<!tpu.dma_semaphore, #tpu.memory_space<semaphore_mem>>) src(%arg10 : memref<120x128xf32, #tpu.memory_space<vmem>>) dst(%dma_wait3A_192 : memref<10112x128xf32, #tpu.memory_space<vmem_shared>>)
        tpu.yield
      }) : () -> ()
      %add3A_135 = arith.constant 4 : i32
      %add3A_136 = arith.addi %mul3A_75, %add3A_135 : i32
      %dma_start3A_137 = arith.constant 0 : i32
      %dma_start3A_138 = arith.constant 0 : i32
      %dma_start3A_139 = tpu.memref_slice %arg3[%arg0, %arg1, %add3A_136, %dma_start3A_137, %dma_start3A_138] : memref<2x16x84x2x120xi32, #tpu.memory_space<hbm>> -> memref<1x1x1x2x120xi32, #tpu.memory_space<hbm>>
      %dma_start3A_140 = tpu.memref_squeeze %dma_start3A_139 : memref<1x1x1x2x120xi32, #tpu.memory_space<hbm>> -> memref<2x120xi32, #tpu.memory_space<hbm>>
      %dma_start3A_141 = arith.constant 0 : i32
      %dma_start3A_142 = arith.constant 0 : i32
      %dma_start3A_143 = tpu.memref_slice %arg3[%arg0, %arg1, %add3A_136, %dma_start3A_141, %dma_start3A_142] : memref<2x16x84x2x120xi32, #tpu.memory_space<hbm>> -> memref<1x1x1x2x120xi32, #tpu.memory_space<hbm>>
      %dma_start3A_144 = tpu.memref_squeeze %dma_start3A_143 : memref<1x1x1x2x120xi32, #tpu.memory_space<hbm>> -> memref<2x120xi32, #tpu.memory_space<hbm>>
      tpu.enqueue_dma source(%dma_start3A_144 : memref<2x120xi32, #tpu.memory_space<hbm>>) target(%arg7 : memref<2x120xi32, #tpu.memory_space<vmem>>) target_semaphore(%arg14 : memref<!tpu.dma_semaphore, #tpu.memory_space<semaphore_mem>>)
      %add3A_145 = arith.constant 4 : i32
      %add3A_146 = arith.addi %mul3A_75, %add3A_145 : i32
      %dma_wait3A_147 = arith.constant 0 : i32
      %dma_wait3A_148 = arith.constant 0 : i32
      %dma_wait3A_149 = tpu.memref_slice %arg3[%arg0, %arg1, %add3A_146, %dma_wait3A_147, %dma_wait3A_148] : memref<2x16x84x2x120xi32, #tpu.memory_space<hbm>> -> memref<1x1x1x2x120xi32, #tpu.memory_space<hbm>>
      %dma_wait3A_150 = tpu.memref_squeeze %dma_wait3A_149 : memref<1x1x1x2x120xi32, #tpu.memory_space<hbm>> -> memref<2x120xi32, #tpu.memory_space<hbm>>
      %dma_wait3A_151 = arith.constant 0 : i32
      %dma_wait3A_152 = arith.constant 0 : i32
      %dma_wait3A_153 = tpu.memref_slice %arg3[%arg0, %arg1, %add3A_146, %dma_wait3A_151, %dma_wait3A_152] : memref<2x16x84x2x120xi32, #tpu.memory_space<hbm>> -> memref<1x1x1x2x120xi32, #tpu.memory_space<hbm>>
      %dma_wait3A_154 = tpu.memref_squeeze %dma_wait3A_153 : memref<1x1x1x2x120xi32, #tpu.memory_space<hbm>> -> memref<2x120xi32, #tpu.memory_space<hbm>>
      tpu.wait_dma2 semaphore(%arg14 : memref<!tpu.dma_semaphore, #tpu.memory_space<semaphore_mem>>) src(%dma_wait3A_154 : memref<2x120xi32, #tpu.memory_space<hbm>>) dst(%arg7 : memref<2x120xi32, #tpu.memory_space<vmem>>)
      %dma_start3A_155 = arith.constant 0 : i32
      %dma_start3A_156 = arith.constant 0 : i32
      %dma_start3A_157 = tpu.memref_slice %arg7[%dma_start3A_155, %dma_start3A_156] : memref<2x120xi32, #tpu.memory_space<vmem>> -> memref<1x120xi32, #tpu.memory_space<vmem>>
      %dma_start3A_158 = tpu.memref_squeeze %dma_start3A_157 : memref<1x120xi32, #tpu.memory_space<vmem>> -> memref<120xi32, #tpu.memory_space<vmem>>
      %dma_start3A_159 = arith.constant 0 : i32
      %dma_start3A_160 = arith.constant 0 : i32
      %dma_start3A_161 = tpu.memref_slice %arg2[%dma_start3A_159, %dma_start3A_160] : memref<10008x128xf32, #tpu.memory_space<hbm>> -> memref<10008x128xf32, #tpu.memory_space<hbm>>
      tpu.enqueue_indirect_dma source(%dma_start3A_161 : memref<10008x128xf32, #tpu.memory_space<hbm>>) target(%arg10 : memref<120x128xf32, #tpu.memory_space<vmem>>) offsets(%dma_start3A_158 : memref<120xi32, #tpu.memory_space<vmem>>) semaphore(%arg17 : memref<!tpu.dma_semaphore, #tpu.memory_space<semaphore_mem>>)
      %dma_wait3A_162 = arith.constant 0 : i32
      %dma_wait3A_163 = arith.constant 0 : i32
      %dma_wait3A_164 = tpu.memref_slice %arg8[%dma_wait3A_162, %dma_wait3A_163] : memref<2x120xi32, #tpu.memory_space<vmem>> -> memref<1x120xi32, #tpu.memory_space<vmem>>
      %dma_wait3A_165 = tpu.memref_squeeze %dma_wait3A_164 : memref<1x120xi32, #tpu.memory_space<vmem>> -> memref<120xi32, #tpu.memory_space<vmem>>
      %dma_wait3A_166 = arith.constant 0 : i32
      %dma_wait3A_167 = arith.constant 0 : i32
      %dma_wait3A_168 = tpu.memref_slice %arg2[%dma_wait3A_166, %dma_wait3A_167] : memref<10008x128xf32, #tpu.memory_space<hbm>> -> memref<10008x128xf32, #tpu.memory_space<hbm>>
      tpu.wait_indirect_dma semaphore(%arg18 : memref<!tpu.dma_semaphore, #tpu.memory_space<semaphore_mem>>) src(%dma_wait3A_168 : memref<10008x128xf32, #tpu.memory_space<hbm>>) dst(%arg11 : memref<120x128xf32, #tpu.memory_space<vmem>>)
      %run_scoped3A_169 = arith.constant 1 : i32
      "tpu.region"() ({
        %run_scoped3A_180 = tpu.sem_alloc : memref<!tpu.dma_semaphore, #tpu.memory_space<semaphore_mem>>
        %dma_start3A_181 = arith.constant 0 : i32
        %dma_start3A_182 = tpu.memref_slice %arg8[%run_scoped3A_169, %dma_start3A_181] : memref<2x120xi32, #tpu.memory_space<vmem>> -> memref<1x120xi32, #tpu.memory_space<vmem>>
        %dma_start3A_183 = tpu.memref_squeeze %dma_start3A_182 : memref<1x120xi32, #tpu.memory_space<vmem>> -> memref<120xi32, #tpu.memory_space<vmem>>
        %dma_start3A_184 = arith.constant 0 : i32
        %dma_start3A_185 = arith.constant 0 : i32
        %dma_start3A_186 = tpu.memref_slice %arg12[%dma_start3A_184, %dma_start3A_185] : memref<10112x128xf32, #tpu.memory_space<vmem_shared>> -> memref<10112x128xf32, #tpu.memory_space<vmem_shared>>
        tpu.enqueue_indirect_dma source(%arg11 : memref<120x128xf32, #tpu.memory_space<vmem>>) target(%dma_start3A_186 : memref<10112x128xf32, #tpu.memory_space<vmem_shared>>) offsets(%dma_start3A_183 : memref<120xi32, #tpu.memory_space<vmem>>) semaphore(%run_scoped3A_180 : memref<!tpu.dma_semaphore, #tpu.memory_space<semaphore_mem>>) {add = true}
        %dma_wait3A_187 = arith.constant 0 : i32
        %dma_wait3A_188 = tpu.memref_slice %arg8[%run_scoped3A_169, %dma_wait3A_187] : memref<2x120xi32, #tpu.memory_space<vmem>> -> memref<1x120xi32, #tpu.memory_space<vmem>>
        %dma_wait3A_189 = tpu.memref_squeeze %dma_wait3A_188 : memref<1x120xi32, #tpu.memory_space<vmem>> -> memref<120xi32, #tpu.memory_space<vmem>>
        %dma_wait3A_190 = arith.constant 0 : i32
        %dma_wait3A_191 = arith.constant 0 : i32
        %dma_wait3A_192 = tpu.memref_slice %arg12[%dma_wait3A_190, %dma_wait3A_191] : memref<10112x128xf32, #tpu.memory_space<vmem_shared>> -> memref<10112x128xf32, #tpu.memory_space<vmem_shared>>
        tpu.wait_indirect_dma semaphore(%run_scoped3A_180 : memref<!tpu.dma_semaphore, #tpu.memory_space<semaphore_mem>>) src(%arg11 : memref<120x128xf32, #tpu.memory_space<vmem>>) dst(%dma_wait3A_192 : memref<10112x128xf32, #tpu.memory_space<vmem_shared>>)
        tpu.yield
      }) : () -> ()
      %add3A_170 = arith.constant 5 : i32
      %add3A_171 = arith.addi %mul3A_75, %add3A_170 : i32
      %dma_start3A_172 = arith.constant 0 : i32
      %dma_start3A_173 = arith.constant 0 : i32
      %dma_start3A_174 = tpu.memref_slice %arg3[%arg0, %arg1, %add3A_171, %dma_start3A_172, %dma_start3A_173] : memref<2x16x84x2x120xi32, #tpu.memory_space<hbm>> -> memref<1x1x1x2x120xi32, #tpu.memory_space<hbm>>
      %dma_start3A_175 = tpu.memref_squeeze %dma_start3A_174 : memref<1x1x1x2x120xi32, #tpu.memory_space<hbm>> -> memref<2x120xi32, #tpu.memory_space<hbm>>
      %dma_start3A_176 = arith.constant 0 : i32
      %dma_start3A_177 = arith.constant 0 : i32
      %dma_start3A_178 = tpu.memref_slice %arg3[%arg0, %arg1, %add3A_171, %dma_start3A_176, %dma_start3A_177] : memref<2x16x84x2x120xi32, #tpu.memory_space<hbm>> -> memref<1x1x1x2x120xi32, #tpu.memory_space<hbm>>
      %dma_start3A_179 = tpu.memref_squeeze %dma_start3A_178 : memref<1x1x1x2x120xi32, #tpu.memory_space<hbm>> -> memref<2x120xi32, #tpu.memory_space<hbm>>
      tpu.enqueue_dma source(%dma_start3A_179 : memref<2x120xi32, #tpu.memory_space<hbm>>) target(%arg8 : memref<2x120xi32, #tpu.memory_space<vmem>>) target_semaphore(%arg15 : memref<!tpu.dma_semaphore, #tpu.memory_space<semaphore_mem>>)
    }
    %scan3A_28 = arith.constant 27 : i32
    %dma_wait3A = arith.constant 83 : i32
    %dma_wait3A_29 = arith.constant 0 : i32
    %dma_wait3A_30 = arith.constant 0 : i32
    %dma_wait3A_31 = tpu.memref_slice %arg3[%arg0, %arg1, %dma_wait3A, %dma_wait3A_29, %dma_wait3A_30] : memref<2x16x84x2x120xi32, #tpu.memory_space<hbm>> -> memref<1x1x1x2x120xi32, #tpu.memory_space<hbm>>
    %dma_wait3A_32 = tpu.memref_squeeze %dma_wait3A_31 : memref<1x1x1x2x120xi32, #tpu.memory_space<hbm>> -> memref<2x120xi32, #tpu.memory_space<hbm>>
    %dma_wait3A_33 = arith.constant 0 : i32
    %dma_wait3A_34 = arith.constant 0 : i32
    %dma_wait3A_35 = tpu.memref_slice %arg3[%arg0, %arg1, %dma_wait3A, %dma_wait3A_33, %dma_wait3A_34] : memref<2x16x84x2x120xi32, #tpu.memory_space<hbm>> -> memref<1x1x1x2x120xi32, #tpu.memory_space<hbm>>
    %dma_wait3A_36 = tpu.memref_squeeze %dma_wait3A_35 : memref<1x1x1x2x120xi32, #tpu.memory_space<hbm>> -> memref<2x120xi32, #tpu.memory_space<hbm>>
    tpu.wait_dma2 semaphore(%arg15 : memref<!tpu.dma_semaphore, #tpu.memory_space<semaphore_mem>>) src(%dma_wait3A_36 : memref<2x120xi32, #tpu.memory_space<hbm>>) dst(%arg8 : memref<2x120xi32, #tpu.memory_space<vmem>>)
    %dma_start3A_37 = arith.constant 0 : i32
    %dma_start3A_38 = arith.constant 0 : i32
    %dma_start3A_39 = tpu.memref_slice %arg8[%dma_start3A_37, %dma_start3A_38] : memref<2x120xi32, #tpu.memory_space<vmem>> -> memref<1x120xi32, #tpu.memory_space<vmem>>
    %dma_start3A_40 = tpu.memref_squeeze %dma_start3A_39 : memref<1x120xi32, #tpu.memory_space<vmem>> -> memref<120xi32, #tpu.memory_space<vmem>>
    %dma_start3A_41 = arith.constant 0 : i32
    %dma_start3A_42 = arith.constant 0 : i32
    %dma_start3A_43 = tpu.memref_slice %arg2[%dma_start3A_41, %dma_start3A_42] : memref<10008x128xf32, #tpu.memory_space<hbm>> -> memref<10008x128xf32, #tpu.memory_space<hbm>>
    tpu.enqueue_indirect_dma source(%dma_start3A_43 : memref<10008x128xf32, #tpu.memory_space<hbm>>) target(%arg11 : memref<120x128xf32, #tpu.memory_space<vmem>>) offsets(%dma_start3A_40 : memref<120xi32, #tpu.memory_space<vmem>>) semaphore(%arg18 : memref<!tpu.dma_semaphore, #tpu.memory_space<semaphore_mem>>)
    %dma_wait3A_44 = arith.constant 0 : i32
    %dma_wait3A_45 = arith.constant 0 : i32
    %dma_wait3A_46 = tpu.memref_slice %arg6[%dma_wait3A_44, %dma_wait3A_45] : memref<2x120xi32, #tpu.memory_space<vmem>> -> memref<1x120xi32, #tpu.memory_space<vmem>>
    %dma_wait3A_47 = tpu.memref_squeeze %dma_wait3A_46 : memref<1x120xi32, #tpu.memory_space<vmem>> -> memref<120xi32, #tpu.memory_space<vmem>>
    %dma_wait3A_48 = arith.constant 0 : i32
    %dma_wait3A_49 = arith.constant 0 : i32
    %dma_wait3A_50 = tpu.memref_slice %arg2[%dma_wait3A_48, %dma_wait3A_49] : memref<10008x128xf32, #tpu.memory_space<hbm>> -> memref<10008x128xf32, #tpu.memory_space<hbm>>
    tpu.wait_indirect_dma semaphore(%arg16 : memref<!tpu.dma_semaphore, #tpu.memory_space<semaphore_mem>>) src(%dma_wait3A_50 : memref<10008x128xf32, #tpu.memory_space<hbm>>) dst(%arg9 : memref<120x128xf32, #tpu.memory_space<vmem>>)
    %run_scoped3A_51 = arith.constant 1 : i32
    "tpu.region"() ({
      %run_scoped3A_73 = tpu.sem_alloc : memref<!tpu.dma_semaphore, #tpu.memory_space<semaphore_mem>>
      %dma_start3A_74 = arith.constant 0 : i32
      %dma_start3A_75 = tpu.memref_slice %arg6[%run_scoped3A_51, %dma_start3A_74] : memref<2x120xi32, #tpu.memory_space<vmem>> -> memref<1x120xi32, #tpu.memory_space<vmem>>
      %dma_start3A_76 = tpu.memref_squeeze %dma_start3A_75 : memref<1x120xi32, #tpu.memory_space<vmem>> -> memref<120xi32, #tpu.memory_space<vmem>>
      %dma_start3A_77 = arith.constant 0 : i32
      %dma_start3A_78 = arith.constant 0 : i32
      %dma_start3A_79 = tpu.memref_slice %arg12[%dma_start3A_77, %dma_start3A_78] : memref<10112x128xf32, #tpu.memory_space<vmem_shared>> -> memref<10112x128xf32, #tpu.memory_space<vmem_shared>>
      tpu.enqueue_indirect_dma source(%arg9 : memref<120x128xf32, #tpu.memory_space<vmem>>) target(%dma_start3A_79 : memref<10112x128xf32, #tpu.memory_space<vmem_shared>>) offsets(%dma_start3A_76 : memref<120xi32, #tpu.memory_space<vmem>>) semaphore(%run_scoped3A_73 : memref<!tpu.dma_semaphore, #tpu.memory_space<semaphore_mem>>) {add = true}
      %dma_wait3A_80 = arith.constant 0 : i32
      %dma_wait3A_81 = tpu.memref_slice %arg6[%run_scoped3A_51, %dma_wait3A_80] : memref<2x120xi32, #tpu.memory_space<vmem>> -> memref<1x120xi32, #tpu.memory_space<vmem>>
      %dma_wait3A_82 = tpu.memref_squeeze %dma_wait3A_81 : memref<1x120xi32, #tpu.memory_space<vmem>> -> memref<120xi32, #tpu.memory_space<vmem>>
      %dma_wait3A_83 = arith.constant 0 : i32
      %dma_wait3A_84 = arith.constant 0 : i32
      %dma_wait3A_85 = tpu.memref_slice %arg12[%dma_wait3A_83, %dma_wait3A_84] : memref<10112x128xf32, #tpu.memory_space<vmem_shared>> -> memref<10112x128xf32, #tpu.memory_space<vmem_shared>>
      tpu.wait_indirect_dma semaphore(%run_scoped3A_73 : memref<!tpu.dma_semaphore, #tpu.memory_space<semaphore_mem>>) src(%arg9 : memref<120x128xf32, #tpu.memory_space<vmem>>) dst(%dma_wait3A_85 : memref<10112x128xf32, #tpu.memory_space<vmem_shared>>)
      tpu.yield
    }) : () -> ()
    %dma_wait3A_52 = arith.constant 0 : i32
    %dma_wait3A_53 = arith.constant 0 : i32
    %dma_wait3A_54 = tpu.memref_slice %arg7[%dma_wait3A_52, %dma_wait3A_53] : memref<2x120xi32, #tpu.memory_space<vmem>> -> memref<1x120xi32, #tpu.memory_space<vmem>>
    %dma_wait3A_55 = tpu.memref_squeeze %dma_wait3A_54 : memref<1x120xi32, #tpu.memory_space<vmem>> -> memref<120xi32, #tpu.memory_space<vmem>>
    %dma_wait3A_56 = arith.constant 0 : i32
    %dma_wait3A_57 = arith.constant 0 : i32
    %dma_wait3A_58 = tpu.memref_slice %arg2[%dma_wait3A_56, %dma_wait3A_57] : memref<10008x128xf32, #tpu.memory_space<hbm>> -> memref<10008x128xf32, #tpu.memory_space<hbm>>
    tpu.wait_indirect_dma semaphore(%arg17 : memref<!tpu.dma_semaphore, #tpu.memory_space<semaphore_mem>>) src(%dma_wait3A_58 : memref<10008x128xf32, #tpu.memory_space<hbm>>) dst(%arg10 : memref<120x128xf32, #tpu.memory_space<vmem>>)
    %run_scoped3A_59 = arith.constant 1 : i32
    "tpu.region"() ({
      %run_scoped3A_73 = tpu.sem_alloc : memref<!tpu.dma_semaphore, #tpu.memory_space<semaphore_mem>>
      %dma_start3A_74 = arith.constant 0 : i32
      %dma_start3A_75 = tpu.memref_slice %arg7[%run_scoped3A_59, %dma_start3A_74] : memref<2x120xi32, #tpu.memory_space<vmem>> -> memref<1x120xi32, #tpu.memory_space<vmem>>
      %dma_start3A_76 = tpu.memref_squeeze %dma_start3A_75 : memref<1x120xi32, #tpu.memory_space<vmem>> -> memref<120xi32, #tpu.memory_space<vmem>>
      %dma_start3A_77 = arith.constant 0 : i32
      %dma_start3A_78 = arith.constant 0 : i32
      %dma_start3A_79 = tpu.memref_slice %arg12[%dma_start3A_77, %dma_start3A_78] : memref<10112x128xf32, #tpu.memory_space<vmem_shared>> -> memref<10112x128xf32, #tpu.memory_space<vmem_shared>>
      tpu.enqueue_indirect_dma source(%arg10 : memref<120x128xf32, #tpu.memory_space<vmem>>) target(%dma_start3A_79 : memref<10112x128xf32, #tpu.memory_space<vmem_shared>>) offsets(%dma_start3A_76 : memref<120xi32, #tpu.memory_space<vmem>>) semaphore(%run_scoped3A_73 : memref<!tpu.dma_semaphore, #tpu.memory_space<semaphore_mem>>) {add = true}
      %dma_wait3A_80 = arith.constant 0 : i32
      %dma_wait3A_81 = tpu.memref_slice %arg7[%run_scoped3A_59, %dma_wait3A_80] : memref<2x120xi32, #tpu.memory_space<vmem>> -> memref<1x120xi32, #tpu.memory_space<vmem>>
      %dma_wait3A_82 = tpu.memref_squeeze %dma_wait3A_81 : memref<1x120xi32, #tpu.memory_space<vmem>> -> memref<120xi32, #tpu.memory_space<vmem>>
      %dma_wait3A_83 = arith.constant 0 : i32
      %dma_wait3A_84 = arith.constant 0 : i32
      %dma_wait3A_85 = tpu.memref_slice %arg12[%dma_wait3A_83, %dma_wait3A_84] : memref<10112x128xf32, #tpu.memory_space<vmem_shared>> -> memref<10112x128xf32, #tpu.memory_space<vmem_shared>>
      tpu.wait_indirect_dma semaphore(%run_scoped3A_73 : memref<!tpu.dma_semaphore, #tpu.memory_space<semaphore_mem>>) src(%arg10 : memref<120x128xf32, #tpu.memory_space<vmem>>) dst(%dma_wait3A_85 : memref<10112x128xf32, #tpu.memory_space<vmem_shared>>)
      tpu.yield
    }) : () -> ()
    %dma_wait3A_60 = arith.constant 0 : i32
    %dma_wait3A_61 = arith.constant 0 : i32
    %dma_wait3A_62 = tpu.memref_slice %arg8[%dma_wait3A_60, %dma_wait3A_61] : memref<2x120xi32, #tpu.memory_space<vmem>> -> memref<1x120xi32, #tpu.memory_space<vmem>>
    %dma_wait3A_63 = tpu.memref_squeeze %dma_wait3A_62 : memref<1x120xi32, #tpu.memory_space<vmem>> -> memref<120xi32, #tpu.memory_space<vmem>>
    %dma_wait3A_64 = arith.constant 0 : i32
    %dma_wait3A_65 = arith.constant 0 : i32
    %dma_wait3A_66 = tpu.memref_slice %arg2[%dma_wait3A_64, %dma_wait3A_65] : memref<10008x128xf32, #tpu.memory_space<hbm>> -> memref<10008x128xf32, #tpu.memory_space<hbm>>
    tpu.wait_indirect_dma semaphore(%arg18 : memref<!tpu.dma_semaphore, #tpu.memory_space<semaphore_mem>>) src(%dma_wait3A_66 : memref<10008x128xf32, #tpu.memory_space<hbm>>) dst(%arg11 : memref<120x128xf32, #tpu.memory_space<vmem>>)
    %run_scoped3A_67 = arith.constant 1 : i32
    "tpu.region"() ({
      %run_scoped3A_73 = tpu.sem_alloc : memref<!tpu.dma_semaphore, #tpu.memory_space<semaphore_mem>>
      %dma_start3A_74 = arith.constant 0 : i32
      %dma_start3A_75 = tpu.memref_slice %arg8[%run_scoped3A_67, %dma_start3A_74] : memref<2x120xi32, #tpu.memory_space<vmem>> -> memref<1x120xi32, #tpu.memory_space<vmem>>
      %dma_start3A_76 = tpu.memref_squeeze %dma_start3A_75 : memref<1x120xi32, #tpu.memory_space<vmem>> -> memref<120xi32, #tpu.memory_space<vmem>>
      %dma_start3A_77 = arith.constant 0 : i32
      %dma_start3A_78 = arith.constant 0 : i32
      %dma_start3A_79 = tpu.memref_slice %arg12[%dma_start3A_77, %dma_start3A_78] : memref<10112x128xf32, #tpu.memory_space<vmem_shared>> -> memref<10112x128xf32, #tpu.memory_space<vmem_shared>>
      tpu.enqueue_indirect_dma source(%arg11 : memref<120x128xf32, #tpu.memory_space<vmem>>) target(%dma_start3A_79 : memref<10112x128xf32, #tpu.memory_space<vmem_shared>>) offsets(%dma_start3A_76 : memref<120xi32, #tpu.memory_space<vmem>>) semaphore(%run_scoped3A_73 : memref<!tpu.dma_semaphore, #tpu.memory_space<semaphore_mem>>) {add = true}
      %dma_wait3A_80 = arith.constant 0 : i32
      %dma_wait3A_81 = tpu.memref_slice %arg8[%run_scoped3A_67, %dma_wait3A_80] : memref<2x120xi32, #tpu.memory_space<vmem>> -> memref<1x120xi32, #tpu.memory_space<vmem>>
      %dma_wait3A_82 = tpu.memref_squeeze %dma_wait3A_81 : memref<1x120xi32, #tpu.memory_space<vmem>> -> memref<120xi32, #tpu.memory_space<vmem>>
      %dma_wait3A_83 = arith.constant 0 : i32
      %dma_wait3A_84 = arith.constant 0 : i32
      %dma_wait3A_85 = tpu.memref_slice %arg12[%dma_wait3A_83, %dma_wait3A_84] : memref<10112x128xf32, #tpu.memory_space<vmem_shared>> -> memref<10112x128xf32, #tpu.memory_space<vmem_shared>>
      tpu.wait_indirect_dma semaphore(%run_scoped3A_73 : memref<!tpu.dma_semaphore, #tpu.memory_space<semaphore_mem>>) src(%arg11 : memref<120x128xf32, #tpu.memory_space<vmem>>) dst(%dma_wait3A_85 : memref<10112x128xf32, #tpu.memory_space<vmem_shared>>)
      tpu.yield
    }) : () -> ()
    %barrier3A_68 = arith.constant 0 : index
    tpu.barrier barrier_id(%barrier3A_68)
    %mul3A_69 = arith.constant 632 : i32
    %mul3A_70 = arith.muli %arg1, %mul3A_69 : i32
    %mul3A_71 = arith.constant 632 : i32
    %mul3A_72 = arith.muli %arg1, %mul3A_71 : i32
    "tpu.region"() ({
      %run_scoped3A_73 = tpu.sem_alloc : memref<!tpu.dma_semaphore, #tpu.memory_space<semaphore_mem>>
      %dma_start3A_74 = arith.constant 0 : i32
      %dma_start3A_75 = tpu.memref_slice %arg5[%arg0, %mul3A_72, %dma_start3A_74] : memref<2x10112x128xf32, #tpu.memory_space<hbm>> -> memref<1x632x128xf32, #tpu.memory_space<hbm>>
      %dma_start3A_76 = tpu.memref_squeeze %dma_start3A_75 : memref<1x632x128xf32, #tpu.memory_space<hbm>> -> memref<632x128xf32, #tpu.memory_space<hbm>>
      %dma_start3A_77 = arith.constant 0 : i32
      %dma_start3A_78 = tpu.memref_slice %arg12[%mul3A_70, %dma_start3A_77] : memref<10112x128xf32, #tpu.memory_space<vmem_shared>> -> memref<632x128xf32, #tpu.memory_space<vmem_shared>>
      tpu.enqueue_dma source(%dma_start3A_78 : memref<632x128xf32, #tpu.memory_space<vmem_shared>>) target(%dma_start3A_76 : memref<632x128xf32, #tpu.memory_space<hbm>>) target_semaphore(%run_scoped3A_73 : memref<!tpu.dma_semaphore, #tpu.memory_space<semaphore_mem>>)
      %dma_wait3A_79 = arith.constant 0 : i32
      %dma_wait3A_80 = tpu.memref_slice %arg5[%arg0, %mul3A_72, %dma_wait3A_79] : memref<2x10112x128xf32, #tpu.memory_space<hbm>> -> memref<1x632x128xf32, #tpu.memory_space<hbm>>
      %dma_wait3A_81 = tpu.memref_squeeze %dma_wait3A_80 : memref<1x632x128xf32, #tpu.memory_space<hbm>> -> memref<632x128xf32, #tpu.memory_space<hbm>>
      %dma_wait3A_82 = arith.constant 0 : i32
      %dma_wait3A_83 = tpu.memref_slice %arg12[%mul3A_70, %dma_wait3A_82] : memref<10112x128xf32, #tpu.memory_space<vmem_shared>> -> memref<632x128xf32, #tpu.memory_space<vmem_shared>>
      tpu.wait_dma2 semaphore(%run_scoped3A_73 : memref<!tpu.dma_semaphore, #tpu.memory_space<semaphore_mem>>) src(%dma_wait3A_83 : memref<632x128xf32, #tpu.memory_space<vmem_shared>>) dst(%dma_wait3A_81 : memref<632x128xf32, #tpu.memory_space<hbm>>)
      tpu.yield
    }) : () -> ()
    return
  }
}

#map = affine_map<(d0, d1) -> (0, 0)>
#map1 = affine_map<(d0, d1) -> (0, 0, 0, 0, 0)>
#map2 = affine_map<(d0, d1) -> (0, 0, 0)>
module attributes {stable_mosaic.version = 14 : i64} {
  func.func @_deg_body(%arg0: i32, %arg1: i32, %arg2: memref<10008x128xf32, #tpu.memory_space<hbm>>, %arg3: memref<2x16x84x2x120xi32, #tpu.memory_space<hbm>>, %arg4: memref<632x128xf32, #tpu.memory_space<hbm>>, %arg5: memref<2x10112x128xf32, #tpu.memory_space<hbm>>, %arg6: memref<2x120xi32, #tpu.memory_space<vmem>>, %arg7: memref<2x120xi32, #tpu.memory_space<vmem>>, %arg8: memref<120x128xf32, #tpu.memory_space<vmem>>, %arg9: memref<10112x128xf32, #tpu.memory_space<vmem_shared>>, %arg10: memref<!tpu.dma_semaphore, #tpu.memory_space<semaphore_mem>>, %arg11: memref<!tpu.dma_semaphore, #tpu.memory_space<semaphore_mem>>) attributes {dimension_semantics = [#tpu.dimension_semantics<core_parallel>, #tpu.dimension_semantics<subcore_parallel>], iteration_bounds = array<i64: 2, 16>, scalar_prefetch = 0 : i64, scratch_operands = 6 : i64, tpu.core_type = #tpu.core_type<sc_vector_subcore>, window_params = [{transform_indices = #map}, {transform_indices = #map1}, {transform_indices = #map}, {transform_indices = #map2}]} {
    %mul3A = arith.constant 632 : i32
    %mul3A_0 = arith.muli %arg1, %mul3A : i32
    "tpu.region"() ({
      %run_scoped3A_50 = tpu.sem_alloc : memref<!tpu.dma_semaphore, #tpu.memory_space<semaphore_mem>>
      %dma_start3A_51 = arith.constant 0 : i32
      %dma_start3A_52 = tpu.memref_slice %arg9[%mul3A_0, %dma_start3A_51] : memref<10112x128xf32, #tpu.memory_space<vmem_shared>> -> memref<632x128xf32, #tpu.memory_space<vmem_shared>>
      tpu.enqueue_dma source(%arg4 : memref<632x128xf32, #tpu.memory_space<hbm>>) target(%dma_start3A_52 : memref<632x128xf32, #tpu.memory_space<vmem_shared>>) target_semaphore(%run_scoped3A_50 : memref<!tpu.dma_semaphore, #tpu.memory_space<semaphore_mem>>)
      %dma_wait3A_53 = arith.constant 0 : i32
      %dma_wait3A_54 = tpu.memref_slice %arg9[%mul3A_0, %dma_wait3A_53] : memref<10112x128xf32, #tpu.memory_space<vmem_shared>> -> memref<632x128xf32, #tpu.memory_space<vmem_shared>>
      tpu.wait_dma2 semaphore(%run_scoped3A_50 : memref<!tpu.dma_semaphore, #tpu.memory_space<semaphore_mem>>) src(%arg4 : memref<632x128xf32, #tpu.memory_space<hbm>>) dst(%dma_wait3A_54 : memref<632x128xf32, #tpu.memory_space<vmem_shared>>)
      tpu.yield
    }) : () -> ()
    "tpu.region"() ({
      %run_scoped3A_50 = tpu.sem_alloc : memref<!tpu.dma_semaphore, #tpu.memory_space<semaphore_mem>>
      %dma_start3A_51 = arith.constant 0 : i32
      %dma_start3A_52 = arith.constant 0 : i32
      %dma_start3A_53 = tpu.memref_slice %arg2[%dma_start3A_51, %dma_start3A_52] : memref<10008x128xf32, #tpu.memory_space<hbm>> -> memref<120x128xf32, #tpu.memory_space<hbm>>
      %dma_start3A_54 = arith.constant 0 : i32
      %dma_start3A_55 = arith.constant 0 : i32
      %dma_start3A_56 = tpu.memref_slice %arg2[%dma_start3A_54, %dma_start3A_55] : memref<10008x128xf32, #tpu.memory_space<hbm>> -> memref<120x128xf32, #tpu.memory_space<hbm>>
      tpu.enqueue_dma source(%dma_start3A_56 : memref<120x128xf32, #tpu.memory_space<hbm>>) target(%arg8 : memref<120x128xf32, #tpu.memory_space<vmem>>) target_semaphore(%run_scoped3A_50 : memref<!tpu.dma_semaphore, #tpu.memory_space<semaphore_mem>>)
      %dma_wait3A_57 = arith.constant 0 : i32
      %dma_wait3A_58 = arith.constant 0 : i32
      %dma_wait3A_59 = tpu.memref_slice %arg2[%dma_wait3A_57, %dma_wait3A_58] : memref<10008x128xf32, #tpu.memory_space<hbm>> -> memref<120x128xf32, #tpu.memory_space<hbm>>
      %dma_wait3A_60 = arith.constant 0 : i32
      %dma_wait3A_61 = arith.constant 0 : i32
      %dma_wait3A_62 = tpu.memref_slice %arg2[%dma_wait3A_60, %dma_wait3A_61] : memref<10008x128xf32, #tpu.memory_space<hbm>> -> memref<120x128xf32, #tpu.memory_space<hbm>>
      tpu.wait_dma2 semaphore(%run_scoped3A_50 : memref<!tpu.dma_semaphore, #tpu.memory_space<semaphore_mem>>) src(%dma_wait3A_62 : memref<120x128xf32, #tpu.memory_space<hbm>>) dst(%arg8 : memref<120x128xf32, #tpu.memory_space<vmem>>)
      tpu.yield
    }) : () -> ()
    %barrier3A = arith.constant 0 : index
    tpu.barrier barrier_id(%barrier3A)
    %run_scoped3A = arith.constant 0 : i32
    "tpu.region"() ({
      %run_scoped3A_50 = tpu.sem_alloc : memref<!tpu.dma_semaphore, #tpu.memory_space<semaphore_mem>>
      %dma_start3A_51 = arith.constant 0 : i32
      %dma_start3A_52 = arith.constant 0 : i32
      %dma_start3A_53 = tpu.memref_slice %arg3[%arg0, %arg1, %run_scoped3A, %dma_start3A_51, %dma_start3A_52] : memref<2x16x84x2x120xi32, #tpu.memory_space<hbm>> -> memref<1x1x1x2x120xi32, #tpu.memory_space<hbm>>
      %dma_start3A_54 = tpu.memref_squeeze %dma_start3A_53 : memref<1x1x1x2x120xi32, #tpu.memory_space<hbm>> -> memref<2x120xi32, #tpu.memory_space<hbm>>
      %dma_start3A_55 = arith.constant 0 : i32
      %dma_start3A_56 = arith.constant 0 : i32
      %dma_start3A_57 = tpu.memref_slice %arg3[%arg0, %arg1, %run_scoped3A, %dma_start3A_55, %dma_start3A_56] : memref<2x16x84x2x120xi32, #tpu.memory_space<hbm>> -> memref<1x1x1x2x120xi32, #tpu.memory_space<hbm>>
      %dma_start3A_58 = tpu.memref_squeeze %dma_start3A_57 : memref<1x1x1x2x120xi32, #tpu.memory_space<hbm>> -> memref<2x120xi32, #tpu.memory_space<hbm>>
      tpu.enqueue_dma source(%dma_start3A_58 : memref<2x120xi32, #tpu.memory_space<hbm>>) target(%arg6 : memref<2x120xi32, #tpu.memory_space<vmem>>) target_semaphore(%run_scoped3A_50 : memref<!tpu.dma_semaphore, #tpu.memory_space<semaphore_mem>>)
      %dma_wait3A_59 = arith.constant 0 : i32
      %dma_wait3A_60 = arith.constant 0 : i32
      %dma_wait3A_61 = tpu.memref_slice %arg3[%arg0, %arg1, %run_scoped3A, %dma_wait3A_59, %dma_wait3A_60] : memref<2x16x84x2x120xi32, #tpu.memory_space<hbm>> -> memref<1x1x1x2x120xi32, #tpu.memory_space<hbm>>
      %dma_wait3A_62 = tpu.memref_squeeze %dma_wait3A_61 : memref<1x1x1x2x120xi32, #tpu.memory_space<hbm>> -> memref<2x120xi32, #tpu.memory_space<hbm>>
      %dma_wait3A_63 = arith.constant 0 : i32
      %dma_wait3A_64 = arith.constant 0 : i32
      %dma_wait3A_65 = tpu.memref_slice %arg3[%arg0, %arg1, %run_scoped3A, %dma_wait3A_63, %dma_wait3A_64] : memref<2x16x84x2x120xi32, #tpu.memory_space<hbm>> -> memref<1x1x1x2x120xi32, #tpu.memory_space<hbm>>
      %dma_wait3A_66 = tpu.memref_squeeze %dma_wait3A_65 : memref<1x1x1x2x120xi32, #tpu.memory_space<hbm>> -> memref<2x120xi32, #tpu.memory_space<hbm>>
      tpu.wait_dma2 semaphore(%run_scoped3A_50 : memref<!tpu.dma_semaphore, #tpu.memory_space<semaphore_mem>>) src(%dma_wait3A_66 : memref<2x120xi32, #tpu.memory_space<hbm>>) dst(%arg6 : memref<2x120xi32, #tpu.memory_space<vmem>>)
      tpu.yield
    }) : () -> ()
    %dma_start3A = arith.constant 1 : i32
    %dma_start3A_1 = arith.constant 0 : i32
    %dma_start3A_2 = arith.constant 0 : i32
    %dma_start3A_3 = tpu.memref_slice %arg3[%arg0, %arg1, %dma_start3A, %dma_start3A_1, %dma_start3A_2] : memref<2x16x84x2x120xi32, #tpu.memory_space<hbm>> -> memref<1x1x1x2x120xi32, #tpu.memory_space<hbm>>
    %dma_start3A_4 = tpu.memref_squeeze %dma_start3A_3 : memref<1x1x1x2x120xi32, #tpu.memory_space<hbm>> -> memref<2x120xi32, #tpu.memory_space<hbm>>
    %dma_start3A_5 = arith.constant 0 : i32
    %dma_start3A_6 = arith.constant 0 : i32
    %dma_start3A_7 = tpu.memref_slice %arg3[%arg0, %arg1, %dma_start3A, %dma_start3A_5, %dma_start3A_6] : memref<2x16x84x2x120xi32, #tpu.memory_space<hbm>> -> memref<1x1x1x2x120xi32, #tpu.memory_space<hbm>>
    %dma_start3A_8 = tpu.memref_squeeze %dma_start3A_7 : memref<1x1x1x2x120xi32, #tpu.memory_space<hbm>> -> memref<2x120xi32, #tpu.memory_space<hbm>>
    tpu.enqueue_dma source(%dma_start3A_8 : memref<2x120xi32, #tpu.memory_space<hbm>>) target(%arg7 : memref<2x120xi32, #tpu.memory_space<vmem>>) target_semaphore(%arg11 : memref<!tpu.dma_semaphore, #tpu.memory_space<semaphore_mem>>)
    %scan3A = arith.constant 0 : i32
    %scan3A_9 = arith.constant 0 : i32
    %scan3A_10 = arith.constant 40 : i32
    %scan3A_11 = arith.addi %scan3A_9, %scan3A_10 : i32
    %scan3A_12 = arith.constant 1 : i32
    scf.for %scan3A_50 = %scan3A_9 to %scan3A_11 step %scan3A_12  : i32 {
      %mul3A_51 = arith.constant 2 : i32
      %mul3A_52 = arith.muli %scan3A_50, %mul3A_51 : i32
      %run_scoped3A_53 = arith.constant 1 : i32
      "tpu.region"() ({
        %run_scoped3A_94 = tpu.sem_alloc : memref<!tpu.dma_semaphore, #tpu.memory_space<semaphore_mem>>
        %dma_start3A_95 = arith.constant 0 : i32
        %dma_start3A_96 = tpu.memref_slice %arg6[%run_scoped3A_53, %dma_start3A_95] : memref<2x120xi32, #tpu.memory_space<vmem>> -> memref<1x120xi32, #tpu.memory_space<vmem>>
        %dma_start3A_97 = tpu.memref_squeeze %dma_start3A_96 : memref<1x120xi32, #tpu.memory_space<vmem>> -> memref<120xi32, #tpu.memory_space<vmem>>
        %dma_start3A_98 = arith.constant 0 : i32
        %dma_start3A_99 = arith.constant 0 : i32
        %dma_start3A_100 = tpu.memref_slice %arg9[%dma_start3A_98, %dma_start3A_99] : memref<10112x128xf32, #tpu.memory_space<vmem_shared>> -> memref<10112x128xf32, #tpu.memory_space<vmem_shared>>
        tpu.enqueue_indirect_dma source(%arg8 : memref<120x128xf32, #tpu.memory_space<vmem>>) target(%dma_start3A_100 : memref<10112x128xf32, #tpu.memory_space<vmem_shared>>) offsets(%dma_start3A_97 : memref<120xi32, #tpu.memory_space<vmem>>) semaphore(%run_scoped3A_94 : memref<!tpu.dma_semaphore, #tpu.memory_space<semaphore_mem>>) {add = true}
        %dma_wait3A_101 = arith.constant 0 : i32
        %dma_wait3A_102 = tpu.memref_slice %arg6[%run_scoped3A_53, %dma_wait3A_101] : memref<2x120xi32, #tpu.memory_space<vmem>> -> memref<1x120xi32, #tpu.memory_space<vmem>>
        %dma_wait3A_103 = tpu.memref_squeeze %dma_wait3A_102 : memref<1x120xi32, #tpu.memory_space<vmem>> -> memref<120xi32, #tpu.memory_space<vmem>>
        %dma_wait3A_104 = arith.constant 0 : i32
        %dma_wait3A_105 = arith.constant 0 : i32
        %dma_wait3A_106 = tpu.memref_slice %arg9[%dma_wait3A_104, %dma_wait3A_105] : memref<10112x128xf32, #tpu.memory_space<vmem_shared>> -> memref<10112x128xf32, #tpu.memory_space<vmem_shared>>
        tpu.wait_indirect_dma semaphore(%run_scoped3A_94 : memref<!tpu.dma_semaphore, #tpu.memory_space<semaphore_mem>>) src(%arg8 : memref<120x128xf32, #tpu.memory_space<vmem>>) dst(%dma_wait3A_106 : memref<10112x128xf32, #tpu.memory_space<vmem_shared>>)
        tpu.yield
      }) : () -> ()
      %add3A = arith.constant 2 : i32
      %add3A_54 = arith.addi %mul3A_52, %add3A : i32
      %dma_start3A_55 = arith.constant 0 : i32
      %dma_start3A_56 = arith.constant 0 : i32
      %dma_start3A_57 = tpu.memref_slice %arg3[%arg0, %arg1, %add3A_54, %dma_start3A_55, %dma_start3A_56] : memref<2x16x84x2x120xi32, #tpu.memory_space<hbm>> -> memref<1x1x1x2x120xi32, #tpu.memory_space<hbm>>
      %dma_start3A_58 = tpu.memref_squeeze %dma_start3A_57 : memref<1x1x1x2x120xi32, #tpu.memory_space<hbm>> -> memref<2x120xi32, #tpu.memory_space<hbm>>
      %dma_start3A_59 = arith.constant 0 : i32
      %dma_start3A_60 = arith.constant 0 : i32
      %dma_start3A_61 = tpu.memref_slice %arg3[%arg0, %arg1, %add3A_54, %dma_start3A_59, %dma_start3A_60] : memref<2x16x84x2x120xi32, #tpu.memory_space<hbm>> -> memref<1x1x1x2x120xi32, #tpu.memory_space<hbm>>
      %dma_start3A_62 = tpu.memref_squeeze %dma_start3A_61 : memref<1x1x1x2x120xi32, #tpu.memory_space<hbm>> -> memref<2x120xi32, #tpu.memory_space<hbm>>
      tpu.enqueue_dma source(%dma_start3A_62 : memref<2x120xi32, #tpu.memory_space<hbm>>) target(%arg6 : memref<2x120xi32, #tpu.memory_space<vmem>>) target_semaphore(%arg10 : memref<!tpu.dma_semaphore, #tpu.memory_space<semaphore_mem>>)
      %add3A_63 = arith.constant 1 : i32
      %add3A_64 = arith.addi %mul3A_52, %add3A_63 : i32
      %dma_wait3A_65 = arith.constant 0 : i32
      %dma_wait3A_66 = arith.constant 0 : i32
      %dma_wait3A_67 = tpu.memref_slice %arg3[%arg0, %arg1, %add3A_64, %dma_wait3A_65, %dma_wait3A_66] : memref<2x16x84x2x120xi32, #tpu.memory_space<hbm>> -> memref<1x1x1x2x120xi32, #tpu.memory_space<hbm>>
      %dma_wait3A_68 = tpu.memref_squeeze %dma_wait3A_67 : memref<1x1x1x2x120xi32, #tpu.memory_space<hbm>> -> memref<2x120xi32, #tpu.memory_space<hbm>>
      %dma_wait3A_69 = arith.constant 0 : i32
      %dma_wait3A_70 = arith.constant 0 : i32
      %dma_wait3A_71 = tpu.memref_slice %arg3[%arg0, %arg1, %add3A_64, %dma_wait3A_69, %dma_wait3A_70] : memref<2x16x84x2x120xi32, #tpu.memory_space<hbm>> -> memref<1x1x1x2x120xi32, #tpu.memory_space<hbm>>
      %dma_wait3A_72 = tpu.memref_squeeze %dma_wait3A_71 : memref<1x1x1x2x120xi32, #tpu.memory_space<hbm>> -> memref<2x120xi32, #tpu.memory_space<hbm>>
      tpu.wait_dma2 semaphore(%arg11 : memref<!tpu.dma_semaphore, #tpu.memory_space<semaphore_mem>>) src(%dma_wait3A_72 : memref<2x120xi32, #tpu.memory_space<hbm>>) dst(%arg7 : memref<2x120xi32, #tpu.memory_space<vmem>>)
      %run_scoped3A_73 = arith.constant 1 : i32
      "tpu.region"() ({
        %run_scoped3A_94 = tpu.sem_alloc : memref<!tpu.dma_semaphore, #tpu.memory_space<semaphore_mem>>
        %dma_start3A_95 = arith.constant 0 : i32
        %dma_start3A_96 = tpu.memref_slice %arg7[%run_scoped3A_73, %dma_start3A_95] : memref<2x120xi32, #tpu.memory_space<vmem>> -> memref<1x120xi32, #tpu.memory_space<vmem>>
        %dma_start3A_97 = tpu.memref_squeeze %dma_start3A_96 : memref<1x120xi32, #tpu.memory_space<vmem>> -> memref<120xi32, #tpu.memory_space<vmem>>
        %dma_start3A_98 = arith.constant 0 : i32
        %dma_start3A_99 = arith.constant 0 : i32
        %dma_start3A_100 = tpu.memref_slice %arg9[%dma_start3A_98, %dma_start3A_99] : memref<10112x128xf32, #tpu.memory_space<vmem_shared>> -> memref<10112x128xf32, #tpu.memory_space<vmem_shared>>
        tpu.enqueue_indirect_dma source(%arg8 : memref<120x128xf32, #tpu.memory_space<vmem>>) target(%dma_start3A_100 : memref<10112x128xf32, #tpu.memory_space<vmem_shared>>) offsets(%dma_start3A_97 : memref<120xi32, #tpu.memory_space<vmem>>) semaphore(%run_scoped3A_94 : memref<!tpu.dma_semaphore, #tpu.memory_space<semaphore_mem>>) {add = true}
        %dma_wait3A_101 = arith.constant 0 : i32
        %dma_wait3A_102 = tpu.memref_slice %arg7[%run_scoped3A_73, %dma_wait3A_101] : memref<2x120xi32, #tpu.memory_space<vmem>> -> memref<1x120xi32, #tpu.memory_space<vmem>>
        %dma_wait3A_103 = tpu.memref_squeeze %dma_wait3A_102 : memref<1x120xi32, #tpu.memory_space<vmem>> -> memref<120xi32, #tpu.memory_space<vmem>>
        %dma_wait3A_104 = arith.constant 0 : i32
        %dma_wait3A_105 = arith.constant 0 : i32
        %dma_wait3A_106 = tpu.memref_slice %arg9[%dma_wait3A_104, %dma_wait3A_105] : memref<10112x128xf32, #tpu.memory_space<vmem_shared>> -> memref<10112x128xf32, #tpu.memory_space<vmem_shared>>
        tpu.wait_indirect_dma semaphore(%run_scoped3A_94 : memref<!tpu.dma_semaphore, #tpu.memory_space<semaphore_mem>>) src(%arg8 : memref<120x128xf32, #tpu.memory_space<vmem>>) dst(%dma_wait3A_106 : memref<10112x128xf32, #tpu.memory_space<vmem_shared>>)
        tpu.yield
      }) : () -> ()
      %add3A_74 = arith.constant 3 : i32
      %add3A_75 = arith.addi %mul3A_52, %add3A_74 : i32
      %dma_start3A_76 = arith.constant 0 : i32
      %dma_start3A_77 = arith.constant 0 : i32
      %dma_start3A_78 = tpu.memref_slice %arg3[%arg0, %arg1, %add3A_75, %dma_start3A_76, %dma_start3A_77] : memref<2x16x84x2x120xi32, #tpu.memory_space<hbm>> -> memref<1x1x1x2x120xi32, #tpu.memory_space<hbm>>
      %dma_start3A_79 = tpu.memref_squeeze %dma_start3A_78 : memref<1x1x1x2x120xi32, #tpu.memory_space<hbm>> -> memref<2x120xi32, #tpu.memory_space<hbm>>
      %dma_start3A_80 = arith.constant 0 : i32
      %dma_start3A_81 = arith.constant 0 : i32
      %dma_start3A_82 = tpu.memref_slice %arg3[%arg0, %arg1, %add3A_75, %dma_start3A_80, %dma_start3A_81] : memref<2x16x84x2x120xi32, #tpu.memory_space<hbm>> -> memref<1x1x1x2x120xi32, #tpu.memory_space<hbm>>
      %dma_start3A_83 = tpu.memref_squeeze %dma_start3A_82 : memref<1x1x1x2x120xi32, #tpu.memory_space<hbm>> -> memref<2x120xi32, #tpu.memory_space<hbm>>
      tpu.enqueue_dma source(%dma_start3A_83 : memref<2x120xi32, #tpu.memory_space<hbm>>) target(%arg7 : memref<2x120xi32, #tpu.memory_space<vmem>>) target_semaphore(%arg11 : memref<!tpu.dma_semaphore, #tpu.memory_space<semaphore_mem>>)
      %add3A_84 = arith.constant 2 : i32
      %add3A_85 = arith.addi %mul3A_52, %add3A_84 : i32
      %dma_wait3A_86 = arith.constant 0 : i32
      %dma_wait3A_87 = arith.constant 0 : i32
      %dma_wait3A_88 = tpu.memref_slice %arg3[%arg0, %arg1, %add3A_85, %dma_wait3A_86, %dma_wait3A_87] : memref<2x16x84x2x120xi32, #tpu.memory_space<hbm>> -> memref<1x1x1x2x120xi32, #tpu.memory_space<hbm>>
      %dma_wait3A_89 = tpu.memref_squeeze %dma_wait3A_88 : memref<1x1x1x2x120xi32, #tpu.memory_space<hbm>> -> memref<2x120xi32, #tpu.memory_space<hbm>>
      %dma_wait3A_90 = arith.constant 0 : i32
      %dma_wait3A_91 = arith.constant 0 : i32
      %dma_wait3A_92 = tpu.memref_slice %arg3[%arg0, %arg1, %add3A_85, %dma_wait3A_90, %dma_wait3A_91] : memref<2x16x84x2x120xi32, #tpu.memory_space<hbm>> -> memref<1x1x1x2x120xi32, #tpu.memory_space<hbm>>
      %dma_wait3A_93 = tpu.memref_squeeze %dma_wait3A_92 : memref<1x1x1x2x120xi32, #tpu.memory_space<hbm>> -> memref<2x120xi32, #tpu.memory_space<hbm>>
      tpu.wait_dma2 semaphore(%arg10 : memref<!tpu.dma_semaphore, #tpu.memory_space<semaphore_mem>>) src(%dma_wait3A_93 : memref<2x120xi32, #tpu.memory_space<hbm>>) dst(%arg6 : memref<2x120xi32, #tpu.memory_space<vmem>>)
    }
    %scan3A_13 = arith.constant 40 : i32
    %run_scoped3A_14 = arith.constant 1 : i32
    "tpu.region"() ({
      %run_scoped3A_50 = tpu.sem_alloc : memref<!tpu.dma_semaphore, #tpu.memory_space<semaphore_mem>>
      %dma_start3A_51 = arith.constant 0 : i32
      %dma_start3A_52 = tpu.memref_slice %arg6[%run_scoped3A_14, %dma_start3A_51] : memref<2x120xi32, #tpu.memory_space<vmem>> -> memref<1x120xi32, #tpu.memory_space<vmem>>
      %dma_start3A_53 = tpu.memref_squeeze %dma_start3A_52 : memref<1x120xi32, #tpu.memory_space<vmem>> -> memref<120xi32, #tpu.memory_space<vmem>>
      %dma_start3A_54 = arith.constant 0 : i32
      %dma_start3A_55 = arith.constant 0 : i32
      %dma_start3A_56 = tpu.memref_slice %arg9[%dma_start3A_54, %dma_start3A_55] : memref<10112x128xf32, #tpu.memory_space<vmem_shared>> -> memref<10112x128xf32, #tpu.memory_space<vmem_shared>>
      tpu.enqueue_indirect_dma source(%arg8 : memref<120x128xf32, #tpu.memory_space<vmem>>) target(%dma_start3A_56 : memref<10112x128xf32, #tpu.memory_space<vmem_shared>>) offsets(%dma_start3A_53 : memref<120xi32, #tpu.memory_space<vmem>>) semaphore(%run_scoped3A_50 : memref<!tpu.dma_semaphore, #tpu.memory_space<semaphore_mem>>) {add = true}
      %dma_wait3A_57 = arith.constant 0 : i32
      %dma_wait3A_58 = tpu.memref_slice %arg6[%run_scoped3A_14, %dma_wait3A_57] : memref<2x120xi32, #tpu.memory_space<vmem>> -> memref<1x120xi32, #tpu.memory_space<vmem>>
      %dma_wait3A_59 = tpu.memref_squeeze %dma_wait3A_58 : memref<1x120xi32, #tpu.memory_space<vmem>> -> memref<120xi32, #tpu.memory_space<vmem>>
      %dma_wait3A_60 = arith.constant 0 : i32
      %dma_wait3A_61 = arith.constant 0 : i32
      %dma_wait3A_62 = tpu.memref_slice %arg9[%dma_wait3A_60, %dma_wait3A_61] : memref<10112x128xf32, #tpu.memory_space<vmem_shared>> -> memref<10112x128xf32, #tpu.memory_space<vmem_shared>>
      tpu.wait_indirect_dma semaphore(%run_scoped3A_50 : memref<!tpu.dma_semaphore, #tpu.memory_space<semaphore_mem>>) src(%arg8 : memref<120x128xf32, #tpu.memory_space<vmem>>) dst(%dma_wait3A_62 : memref<10112x128xf32, #tpu.memory_space<vmem_shared>>)
      tpu.yield
    }) : () -> ()
    %dma_start3A_15 = arith.constant 82 : i32
    %dma_start3A_16 = arith.constant 0 : i32
    %dma_start3A_17 = arith.constant 0 : i32
    %dma_start3A_18 = tpu.memref_slice %arg3[%arg0, %arg1, %dma_start3A_15, %dma_start3A_16, %dma_start3A_17] : memref<2x16x84x2x120xi32, #tpu.memory_space<hbm>> -> memref<1x1x1x2x120xi32, #tpu.memory_space<hbm>>
    %dma_start3A_19 = tpu.memref_squeeze %dma_start3A_18 : memref<1x1x1x2x120xi32, #tpu.memory_space<hbm>> -> memref<2x120xi32, #tpu.memory_space<hbm>>
    %dma_start3A_20 = arith.constant 0 : i32
    %dma_start3A_21 = arith.constant 0 : i32
    %dma_start3A_22 = tpu.memref_slice %arg3[%arg0, %arg1, %dma_start3A_15, %dma_start3A_20, %dma_start3A_21] : memref<2x16x84x2x120xi32, #tpu.memory_space<hbm>> -> memref<1x1x1x2x120xi32, #tpu.memory_space<hbm>>
    %dma_start3A_23 = tpu.memref_squeeze %dma_start3A_22 : memref<1x1x1x2x120xi32, #tpu.memory_space<hbm>> -> memref<2x120xi32, #tpu.memory_space<hbm>>
    tpu.enqueue_dma source(%dma_start3A_23 : memref<2x120xi32, #tpu.memory_space<hbm>>) target(%arg6 : memref<2x120xi32, #tpu.memory_space<vmem>>) target_semaphore(%arg10 : memref<!tpu.dma_semaphore, #tpu.memory_space<semaphore_mem>>)
    %dma_wait3A = arith.constant 81 : i32
    %dma_wait3A_24 = arith.constant 0 : i32
    %dma_wait3A_25 = arith.constant 0 : i32
    %dma_wait3A_26 = tpu.memref_slice %arg3[%arg0, %arg1, %dma_wait3A, %dma_wait3A_24, %dma_wait3A_25] : memref<2x16x84x2x120xi32, #tpu.memory_space<hbm>> -> memref<1x1x1x2x120xi32, #tpu.memory_space<hbm>>
    %dma_wait3A_27 = tpu.memref_squeeze %dma_wait3A_26 : memref<1x1x1x2x120xi32, #tpu.memory_space<hbm>> -> memref<2x120xi32, #tpu.memory_space<hbm>>
    %dma_wait3A_28 = arith.constant 0 : i32
    %dma_wait3A_29 = arith.constant 0 : i32
    %dma_wait3A_30 = tpu.memref_slice %arg3[%arg0, %arg1, %dma_wait3A, %dma_wait3A_28, %dma_wait3A_29] : memref<2x16x84x2x120xi32, #tpu.memory_space<hbm>> -> memref<1x1x1x2x120xi32, #tpu.memory_space<hbm>>
    %dma_wait3A_31 = tpu.memref_squeeze %dma_wait3A_30 : memref<1x1x1x2x120xi32, #tpu.memory_space<hbm>> -> memref<2x120xi32, #tpu.memory_space<hbm>>
    tpu.wait_dma2 semaphore(%arg11 : memref<!tpu.dma_semaphore, #tpu.memory_space<semaphore_mem>>) src(%dma_wait3A_31 : memref<2x120xi32, #tpu.memory_space<hbm>>) dst(%arg7 : memref<2x120xi32, #tpu.memory_space<vmem>>)
    %run_scoped3A_32 = arith.constant 1 : i32
    "tpu.region"() ({
      %run_scoped3A_50 = tpu.sem_alloc : memref<!tpu.dma_semaphore, #tpu.memory_space<semaphore_mem>>
      %dma_start3A_51 = arith.constant 0 : i32
      %dma_start3A_52 = tpu.memref_slice %arg7[%run_scoped3A_32, %dma_start3A_51] : memref<2x120xi32, #tpu.memory_space<vmem>> -> memref<1x120xi32, #tpu.memory_space<vmem>>
      %dma_start3A_53 = tpu.memref_squeeze %dma_start3A_52 : memref<1x120xi32, #tpu.memory_space<vmem>> -> memref<120xi32, #tpu.memory_space<vmem>>
      %dma_start3A_54 = arith.constant 0 : i32
      %dma_start3A_55 = arith.constant 0 : i32
      %dma_start3A_56 = tpu.memref_slice %arg9[%dma_start3A_54, %dma_start3A_55] : memref<10112x128xf32, #tpu.memory_space<vmem_shared>> -> memref<10112x128xf32, #tpu.memory_space<vmem_shared>>
      tpu.enqueue_indirect_dma source(%arg8 : memref<120x128xf32, #tpu.memory_space<vmem>>) target(%dma_start3A_56 : memref<10112x128xf32, #tpu.memory_space<vmem_shared>>) offsets(%dma_start3A_53 : memref<120xi32, #tpu.memory_space<vmem>>) semaphore(%run_scoped3A_50 : memref<!tpu.dma_semaphore, #tpu.memory_space<semaphore_mem>>) {add = true}
      %dma_wait3A_57 = arith.constant 0 : i32
      %dma_wait3A_58 = tpu.memref_slice %arg7[%run_scoped3A_32, %dma_wait3A_57] : memref<2x120xi32, #tpu.memory_space<vmem>> -> memref<1x120xi32, #tpu.memory_space<vmem>>
      %dma_wait3A_59 = tpu.memref_squeeze %dma_wait3A_58 : memref<1x120xi32, #tpu.memory_space<vmem>> -> memref<120xi32, #tpu.memory_space<vmem>>
      %dma_wait3A_60 = arith.constant 0 : i32
      %dma_wait3A_61 = arith.constant 0 : i32
      %dma_wait3A_62 = tpu.memref_slice %arg9[%dma_wait3A_60, %dma_wait3A_61] : memref<10112x128xf32, #tpu.memory_space<vmem_shared>> -> memref<10112x128xf32, #tpu.memory_space<vmem_shared>>
      tpu.wait_indirect_dma semaphore(%run_scoped3A_50 : memref<!tpu.dma_semaphore, #tpu.memory_space<semaphore_mem>>) src(%arg8 : memref<120x128xf32, #tpu.memory_space<vmem>>) dst(%dma_wait3A_62 : memref<10112x128xf32, #tpu.memory_space<vmem_shared>>)
      tpu.yield
    }) : () -> ()
    %dma_wait3A_33 = arith.constant 82 : i32
    %dma_wait3A_34 = arith.constant 0 : i32
    %dma_wait3A_35 = arith.constant 0 : i32
    %dma_wait3A_36 = tpu.memref_slice %arg3[%arg0, %arg1, %dma_wait3A_33, %dma_wait3A_34, %dma_wait3A_35] : memref<2x16x84x2x120xi32, #tpu.memory_space<hbm>> -> memref<1x1x1x2x120xi32, #tpu.memory_space<hbm>>
    %dma_wait3A_37 = tpu.memref_squeeze %dma_wait3A_36 : memref<1x1x1x2x120xi32, #tpu.memory_space<hbm>> -> memref<2x120xi32, #tpu.memory_space<hbm>>
    %dma_wait3A_38 = arith.constant 0 : i32
    %dma_wait3A_39 = arith.constant 0 : i32
    %dma_wait3A_40 = tpu.memref_slice %arg3[%arg0, %arg1, %dma_wait3A_33, %dma_wait3A_38, %dma_wait3A_39] : memref<2x16x84x2x120xi32, #tpu.memory_space<hbm>> -> memref<1x1x1x2x120xi32, #tpu.memory_space<hbm>>
    %dma_wait3A_41 = tpu.memref_squeeze %dma_wait3A_40 : memref<1x1x1x2x120xi32, #tpu.memory_space<hbm>> -> memref<2x120xi32, #tpu.memory_space<hbm>>
    tpu.wait_dma2 semaphore(%arg10 : memref<!tpu.dma_semaphore, #tpu.memory_space<semaphore_mem>>) src(%dma_wait3A_41 : memref<2x120xi32, #tpu.memory_space<hbm>>) dst(%arg6 : memref<2x120xi32, #tpu.memory_space<vmem>>)
    %run_scoped3A_42 = arith.constant 1 : i32
    "tpu.region"() ({
      %run_scoped3A_50 = tpu.sem_alloc : memref<!tpu.dma_semaphore, #tpu.memory_space<semaphore_mem>>
      %dma_start3A_51 = arith.constant 0 : i32
      %dma_start3A_52 = tpu.memref_slice %arg6[%run_scoped3A_42, %dma_start3A_51] : memref<2x120xi32, #tpu.memory_space<vmem>> -> memref<1x120xi32, #tpu.memory_space<vmem>>
      %dma_start3A_53 = tpu.memref_squeeze %dma_start3A_52 : memref<1x120xi32, #tpu.memory_space<vmem>> -> memref<120xi32, #tpu.memory_space<vmem>>
      %dma_start3A_54 = arith.constant 0 : i32
      %dma_start3A_55 = arith.constant 0 : i32
      %dma_start3A_56 = tpu.memref_slice %arg9[%dma_start3A_54, %dma_start3A_55] : memref<10112x128xf32, #tpu.memory_space<vmem_shared>> -> memref<10112x128xf32, #tpu.memory_space<vmem_shared>>
      tpu.enqueue_indirect_dma source(%arg8 : memref<120x128xf32, #tpu.memory_space<vmem>>) target(%dma_start3A_56 : memref<10112x128xf32, #tpu.memory_space<vmem_shared>>) offsets(%dma_start3A_53 : memref<120xi32, #tpu.memory_space<vmem>>) semaphore(%run_scoped3A_50 : memref<!tpu.dma_semaphore, #tpu.memory_space<semaphore_mem>>) {add = true}
      %dma_wait3A_57 = arith.constant 0 : i32
      %dma_wait3A_58 = tpu.memref_slice %arg6[%run_scoped3A_42, %dma_wait3A_57] : memref<2x120xi32, #tpu.memory_space<vmem>> -> memref<1x120xi32, #tpu.memory_space<vmem>>
      %dma_wait3A_59 = tpu.memref_squeeze %dma_wait3A_58 : memref<1x120xi32, #tpu.memory_space<vmem>> -> memref<120xi32, #tpu.memory_space<vmem>>
      %dma_wait3A_60 = arith.constant 0 : i32
      %dma_wait3A_61 = arith.constant 0 : i32
      %dma_wait3A_62 = tpu.memref_slice %arg9[%dma_wait3A_60, %dma_wait3A_61] : memref<10112x128xf32, #tpu.memory_space<vmem_shared>> -> memref<10112x128xf32, #tpu.memory_space<vmem_shared>>
      tpu.wait_indirect_dma semaphore(%run_scoped3A_50 : memref<!tpu.dma_semaphore, #tpu.memory_space<semaphore_mem>>) src(%arg8 : memref<120x128xf32, #tpu.memory_space<vmem>>) dst(%dma_wait3A_62 : memref<10112x128xf32, #tpu.memory_space<vmem_shared>>)
      tpu.yield
    }) : () -> ()
    %run_scoped3A_43 = arith.constant 83 : i32
    "tpu.region"() ({
      %run_scoped3A_50 = tpu.sem_alloc : memref<!tpu.dma_semaphore, #tpu.memory_space<semaphore_mem>>
      %dma_start3A_51 = arith.constant 0 : i32
      %dma_start3A_52 = arith.constant 0 : i32
      %dma_start3A_53 = tpu.memref_slice %arg3[%arg0, %arg1, %run_scoped3A_43, %dma_start3A_51, %dma_start3A_52] : memref<2x16x84x2x120xi32, #tpu.memory_space<hbm>> -> memref<1x1x1x2x120xi32, #tpu.memory_space<hbm>>
      %dma_start3A_54 = tpu.memref_squeeze %dma_start3A_53 : memref<1x1x1x2x120xi32, #tpu.memory_space<hbm>> -> memref<2x120xi32, #tpu.memory_space<hbm>>
      %dma_start3A_55 = arith.constant 0 : i32
      %dma_start3A_56 = arith.constant 0 : i32
      %dma_start3A_57 = tpu.memref_slice %arg3[%arg0, %arg1, %run_scoped3A_43, %dma_start3A_55, %dma_start3A_56] : memref<2x16x84x2x120xi32, #tpu.memory_space<hbm>> -> memref<1x1x1x2x120xi32, #tpu.memory_space<hbm>>
      %dma_start3A_58 = tpu.memref_squeeze %dma_start3A_57 : memref<1x1x1x2x120xi32, #tpu.memory_space<hbm>> -> memref<2x120xi32, #tpu.memory_space<hbm>>
      tpu.enqueue_dma source(%dma_start3A_58 : memref<2x120xi32, #tpu.memory_space<hbm>>) target(%arg7 : memref<2x120xi32, #tpu.memory_space<vmem>>) target_semaphore(%run_scoped3A_50 : memref<!tpu.dma_semaphore, #tpu.memory_space<semaphore_mem>>)
      %dma_wait3A_59 = arith.constant 0 : i32
      %dma_wait3A_60 = arith.constant 0 : i32
      %dma_wait3A_61 = tpu.memref_slice %arg3[%arg0, %arg1, %run_scoped3A_43, %dma_wait3A_59, %dma_wait3A_60] : memref<2x16x84x2x120xi32, #tpu.memory_space<hbm>> -> memref<1x1x1x2x120xi32, #tpu.memory_space<hbm>>
      %dma_wait3A_62 = tpu.memref_squeeze %dma_wait3A_61 : memref<1x1x1x2x120xi32, #tpu.memory_space<hbm>> -> memref<2x120xi32, #tpu.memory_space<hbm>>
      %dma_wait3A_63 = arith.constant 0 : i32
      %dma_wait3A_64 = arith.constant 0 : i32
      %dma_wait3A_65 = tpu.memref_slice %arg3[%arg0, %arg1, %run_scoped3A_43, %dma_wait3A_63, %dma_wait3A_64] : memref<2x16x84x2x120xi32, #tpu.memory_space<hbm>> -> memref<1x1x1x2x120xi32, #tpu.memory_space<hbm>>
      %dma_wait3A_66 = tpu.memref_squeeze %dma_wait3A_65 : memref<1x1x1x2x120xi32, #tpu.memory_space<hbm>> -> memref<2x120xi32, #tpu.memory_space<hbm>>
      tpu.wait_dma2 semaphore(%run_scoped3A_50 : memref<!tpu.dma_semaphore, #tpu.memory_space<semaphore_mem>>) src(%dma_wait3A_66 : memref<2x120xi32, #tpu.memory_space<hbm>>) dst(%arg7 : memref<2x120xi32, #tpu.memory_space<vmem>>)
      tpu.yield
    }) : () -> ()
    %run_scoped3A_44 = arith.constant 1 : i32
    "tpu.region"() ({
      %run_scoped3A_50 = tpu.sem_alloc : memref<!tpu.dma_semaphore, #tpu.memory_space<semaphore_mem>>
      %dma_start3A_51 = arith.constant 0 : i32
      %dma_start3A_52 = tpu.memref_slice %arg7[%run_scoped3A_44, %dma_start3A_51] : memref<2x120xi32, #tpu.memory_space<vmem>> -> memref<1x120xi32, #tpu.memory_space<vmem>>
      %dma_start3A_53 = tpu.memref_squeeze %dma_start3A_52 : memref<1x120xi32, #tpu.memory_space<vmem>> -> memref<120xi32, #tpu.memory_space<vmem>>
      %dma_start3A_54 = arith.constant 0 : i32
      %dma_start3A_55 = arith.constant 0 : i32
      %dma_start3A_56 = tpu.memref_slice %arg9[%dma_start3A_54, %dma_start3A_55] : memref<10112x128xf32, #tpu.memory_space<vmem_shared>> -> memref<10112x128xf32, #tpu.memory_space<vmem_shared>>
      tpu.enqueue_indirect_dma source(%arg8 : memref<120x128xf32, #tpu.memory_space<vmem>>) target(%dma_start3A_56 : memref<10112x128xf32, #tpu.memory_space<vmem_shared>>) offsets(%dma_start3A_53 : memref<120xi32, #tpu.memory_space<vmem>>) semaphore(%run_scoped3A_50 : memref<!tpu.dma_semaphore, #tpu.memory_space<semaphore_mem>>) {add = true}
      %dma_wait3A_57 = arith.constant 0 : i32
      %dma_wait3A_58 = tpu.memref_slice %arg7[%run_scoped3A_44, %dma_wait3A_57] : memref<2x120xi32, #tpu.memory_space<vmem>> -> memref<1x120xi32, #tpu.memory_space<vmem>>
      %dma_wait3A_59 = tpu.memref_squeeze %dma_wait3A_58 : memref<1x120xi32, #tpu.memory_space<vmem>> -> memref<120xi32, #tpu.memory_space<vmem>>
      %dma_wait3A_60 = arith.constant 0 : i32
      %dma_wait3A_61 = arith.constant 0 : i32
      %dma_wait3A_62 = tpu.memref_slice %arg9[%dma_wait3A_60, %dma_wait3A_61] : memref<10112x128xf32, #tpu.memory_space<vmem_shared>> -> memref<10112x128xf32, #tpu.memory_space<vmem_shared>>
      tpu.wait_indirect_dma semaphore(%run_scoped3A_50 : memref<!tpu.dma_semaphore, #tpu.memory_space<semaphore_mem>>) src(%arg8 : memref<120x128xf32, #tpu.memory_space<vmem>>) dst(%dma_wait3A_62 : memref<10112x128xf32, #tpu.memory_space<vmem_shared>>)
      tpu.yield
    }) : () -> ()
    %barrier3A_45 = arith.constant 0 : index
    tpu.barrier barrier_id(%barrier3A_45)
    %mul3A_46 = arith.constant 632 : i32
    %mul3A_47 = arith.muli %arg1, %mul3A_46 : i32
    %mul3A_48 = arith.constant 632 : i32
    %mul3A_49 = arith.muli %arg1, %mul3A_48 : i32
    "tpu.region"() ({
      %run_scoped3A_50 = tpu.sem_alloc : memref<!tpu.dma_semaphore, #tpu.memory_space<semaphore_mem>>
      %dma_start3A_51 = arith.constant 0 : i32
      %dma_start3A_52 = tpu.memref_slice %arg5[%arg0, %mul3A_49, %dma_start3A_51] : memref<2x10112x128xf32, #tpu.memory_space<hbm>> -> memref<1x632x128xf32, #tpu.memory_space<hbm>>
      %dma_start3A_53 = tpu.memref_squeeze %dma_start3A_52 : memref<1x632x128xf32, #tpu.memory_space<hbm>> -> memref<632x128xf32, #tpu.memory_space<hbm>>
      %dma_start3A_54 = arith.constant 0 : i32
      %dma_start3A_55 = tpu.memref_slice %arg9[%mul3A_47, %dma_start3A_54] : memref<10112x128xf32, #tpu.memory_space<vmem_shared>> -> memref<632x128xf32, #tpu.memory_space<vmem_shared>>
      tpu.enqueue_dma source(%dma_start3A_55 : memref<632x128xf32, #tpu.memory_space<vmem_shared>>) target(%dma_start3A_53 : memref<632x128xf32, #tpu.memory_space<hbm>>) target_semaphore(%run_scoped3A_50 : memref<!tpu.dma_semaphore, #tpu.memory_space<semaphore_mem>>)
      %dma_wait3A_56 = arith.constant 0 : i32
      %dma_wait3A_57 = tpu.memref_slice %arg5[%arg0, %mul3A_49, %dma_wait3A_56] : memref<2x10112x128xf32, #tpu.memory_space<hbm>> -> memref<1x632x128xf32, #tpu.memory_space<hbm>>
      %dma_wait3A_58 = tpu.memref_squeeze %dma_wait3A_57 : memref<1x632x128xf32, #tpu.memory_space<hbm>> -> memref<632x128xf32, #tpu.memory_space<hbm>>
      %dma_wait3A_59 = arith.constant 0 : i32
      %dma_wait3A_60 = tpu.memref_slice %arg9[%mul3A_47, %dma_wait3A_59] : memref<10112x128xf32, #tpu.memory_space<vmem_shared>> -> memref<632x128xf32, #tpu.memory_space<vmem_shared>>
      tpu.wait_dma2 semaphore(%run_scoped3A_50 : memref<!tpu.dma_semaphore, #tpu.memory_space<semaphore_mem>>) src(%dma_wait3A_60 : memref<632x128xf32, #tpu.memory_space<vmem_shared>>) dst(%dma_wait3A_58 : memref<632x128xf32, #tpu.memory_space<hbm>>)
      tpu.yield
    }) : () -> ()
    return
  }
}

#map = affine_map<(d0, d1) -> (0, 0)>
#map1 = affine_map<(d0, d1) -> (0, 0, 0, 0, 0)>
#map2 = affine_map<(d0, d1) -> (0, 0, 0)>
module attributes {stable_mosaic.version = 14 : i64} {
  func.func @_scatter_body(%arg0: i32, %arg1: i32, %arg2: memref<10008x128xf32, #tpu.memory_space<hbm>>, %arg3: memref<2x16x84x2x120xi32, #tpu.memory_space<hbm>>, %arg4: memref<632x128xf32, #tpu.memory_space<hbm>>, %arg5: memref<2x10112x128xf32, #tpu.memory_space<hbm>>, %arg6: memref<2x120xi32, #tpu.memory_space<vmem>>, %arg7: memref<2x120xi32, #tpu.memory_space<vmem>>, %arg8: memref<2x120xi32, #tpu.memory_space<vmem>>, %arg9: memref<120x128xf32, #tpu.memory_space<vmem>>, %arg10: memref<120x128xf32, #tpu.memory_space<vmem>>, %arg11: memref<120x128xf32, #tpu.memory_space<vmem>>, %arg12: memref<10112x128xf32, #tpu.memory_space<vmem_shared>>, %arg13: memref<!tpu.dma_semaphore, #tpu.memory_space<semaphore_mem>>, %arg14: memref<!tpu.dma_semaphore, #tpu.memory_space<semaphore_mem>>, %arg15: memref<!tpu.dma_semaphore, #tpu.memory_space<semaphore_mem>>, %arg16: memref<!tpu.dma_semaphore, #tpu.memory_space<semaphore_mem>>, %arg17: memref<!tpu.dma_semaphore, #tpu.memory_space<semaphore_mem>>, %arg18: memref<!tpu.dma_semaphore, #tpu.memory_space<semaphore_mem>>) attributes {dimension_semantics = [#tpu.dimension_semantics<core_parallel>, #tpu.dimension_semantics<subcore_parallel>], iteration_bounds = array<i64: 2, 16>, scalar_prefetch = 0 : i64, scratch_operands = 13 : i64, tpu.core_type = #tpu.core_type<sc_vector_subcore>, window_params = [{transform_indices = #map}, {transform_indices = #map1}, {transform_indices = #map}, {transform_indices = #map2}]} {
    %mul3A = arith.constant 632 : i32
    %mul3A_0 = arith.muli %arg1, %mul3A : i32
    "tpu.region"() ({
      %run_scoped3A_73 = tpu.sem_alloc : memref<!tpu.dma_semaphore, #tpu.memory_space<semaphore_mem>>
      %dma_start3A_74 = arith.constant 0 : i32
      %dma_start3A_75 = tpu.memref_slice %arg12[%mul3A_0, %dma_start3A_74] : memref<10112x128xf32, #tpu.memory_space<vmem_shared>> -> memref<632x128xf32, #tpu.memory_space<vmem_shared>>
      tpu.enqueue_dma source(%arg4 : memref<632x128xf32, #tpu.memory_space<hbm>>) target(%dma_start3A_75 : memref<632x128xf32, #tpu.memory_space<vmem_shared>>) target_semaphore(%run_scoped3A_73 : memref<!tpu.dma_semaphore, #tpu.memory_space<semaphore_mem>>)
      %dma_wait3A_76 = arith.constant 0 : i32
      %dma_wait3A_77 = tpu.memref_slice %arg12[%mul3A_0, %dma_wait3A_76] : memref<10112x128xf32, #tpu.memory_space<vmem_shared>> -> memref<632x128xf32, #tpu.memory_space<vmem_shared>>
      tpu.wait_dma2 semaphore(%run_scoped3A_73 : memref<!tpu.dma_semaphore, #tpu.memory_space<semaphore_mem>>) src(%arg4 : memref<632x128xf32, #tpu.memory_space<hbm>>) dst(%dma_wait3A_77 : memref<632x128xf32, #tpu.memory_space<vmem_shared>>)
      tpu.yield
    }) : () -> ()
    %barrier3A = arith.constant 0 : index
    tpu.barrier barrier_id(%barrier3A)
    %run_scoped3A = arith.constant 0 : i32
    "tpu.region"() ({
      %run_scoped3A_73 = tpu.sem_alloc : memref<!tpu.dma_semaphore, #tpu.memory_space<semaphore_mem>>
      %dma_start3A_74 = arith.constant 0 : i32
      %dma_start3A_75 = arith.constant 0 : i32
      %dma_start3A_76 = tpu.memref_slice %arg3[%arg0, %arg1, %run_scoped3A, %dma_start3A_74, %dma_start3A_75] : memref<2x16x84x2x120xi32, #tpu.memory_space<hbm>> -> memref<1x1x1x2x120xi32, #tpu.memory_space<hbm>>
      %dma_start3A_77 = tpu.memref_squeeze %dma_start3A_76 : memref<1x1x1x2x120xi32, #tpu.memory_space<hbm>> -> memref<2x120xi32, #tpu.memory_space<hbm>>
      %dma_start3A_78 = arith.constant 0 : i32
      %dma_start3A_79 = arith.constant 0 : i32
      %dma_start3A_80 = tpu.memref_slice %arg3[%arg0, %arg1, %run_scoped3A, %dma_start3A_78, %dma_start3A_79] : memref<2x16x84x2x120xi32, #tpu.memory_space<hbm>> -> memref<1x1x1x2x120xi32, #tpu.memory_space<hbm>>
      %dma_start3A_81 = tpu.memref_squeeze %dma_start3A_80 : memref<1x1x1x2x120xi32, #tpu.memory_space<hbm>> -> memref<2x120xi32, #tpu.memory_space<hbm>>
      tpu.enqueue_dma source(%dma_start3A_81 : memref<2x120xi32, #tpu.memory_space<hbm>>) target(%arg6 : memref<2x120xi32, #tpu.memory_space<vmem>>) target_semaphore(%run_scoped3A_73 : memref<!tpu.dma_semaphore, #tpu.memory_space<semaphore_mem>>)
      %dma_wait3A_82 = arith.constant 0 : i32
      %dma_wait3A_83 = arith.constant 0 : i32
      %dma_wait3A_84 = tpu.memref_slice %arg3[%arg0, %arg1, %run_scoped3A, %dma_wait3A_82, %dma_wait3A_83] : memref<2x16x84x2x120xi32, #tpu.memory_space<hbm>> -> memref<1x1x1x2x120xi32, #tpu.memory_space<hbm>>
      %dma_wait3A_85 = tpu.memref_squeeze %dma_wait3A_84 : memref<1x1x1x2x120xi32, #tpu.memory_space<hbm>> -> memref<2x120xi32, #tpu.memory_space<hbm>>
      %dma_wait3A_86 = arith.constant 0 : i32
      %dma_wait3A_87 = arith.constant 0 : i32
      %dma_wait3A_88 = tpu.memref_slice %arg3[%arg0, %arg1, %run_scoped3A, %dma_wait3A_86, %dma_wait3A_87] : memref<2x16x84x2x120xi32, #tpu.memory_space<hbm>> -> memref<1x1x1x2x120xi32, #tpu.memory_space<hbm>>
      %dma_wait3A_89 = tpu.memref_squeeze %dma_wait3A_88 : memref<1x1x1x2x120xi32, #tpu.memory_space<hbm>> -> memref<2x120xi32, #tpu.memory_space<hbm>>
      tpu.wait_dma2 semaphore(%run_scoped3A_73 : memref<!tpu.dma_semaphore, #tpu.memory_space<semaphore_mem>>) src(%dma_wait3A_89 : memref<2x120xi32, #tpu.memory_space<hbm>>) dst(%arg6 : memref<2x120xi32, #tpu.memory_space<vmem>>)
      tpu.yield
    }) : () -> ()
    %dma_start3A = arith.constant 0 : i32
    %dma_start3A_1 = arith.constant 0 : i32
    %dma_start3A_2 = tpu.memref_slice %arg6[%dma_start3A, %dma_start3A_1] : memref<2x120xi32, #tpu.memory_space<vmem>> -> memref<1x120xi32, #tpu.memory_space<vmem>>
    %dma_start3A_3 = tpu.memref_squeeze %dma_start3A_2 : memref<1x120xi32, #tpu.memory_space<vmem>> -> memref<120xi32, #tpu.memory_space<vmem>>
    %dma_start3A_4 = arith.constant 0 : i32
    %dma_start3A_5 = arith.constant 0 : i32
    %dma_start3A_6 = tpu.memref_slice %arg2[%dma_start3A_4, %dma_start3A_5] : memref<10008x128xf32, #tpu.memory_space<hbm>> -> memref<10008x128xf32, #tpu.memory_space<hbm>>
    tpu.enqueue_indirect_dma source(%dma_start3A_6 : memref<10008x128xf32, #tpu.memory_space<hbm>>) target(%arg9 : memref<120x128xf32, #tpu.memory_space<vmem>>) offsets(%dma_start3A_3 : memref<120xi32, #tpu.memory_space<vmem>>) semaphore(%arg16 : memref<!tpu.dma_semaphore, #tpu.memory_space<semaphore_mem>>)
    %run_scoped3A_7 = arith.constant 1 : i32
    "tpu.region"() ({
      %run_scoped3A_73 = tpu.sem_alloc : memref<!tpu.dma_semaphore, #tpu.memory_space<semaphore_mem>>
      %dma_start3A_74 = arith.constant 0 : i32
      %dma_start3A_75 = arith.constant 0 : i32
      %dma_start3A_76 = tpu.memref_slice %arg3[%arg0, %arg1, %run_scoped3A_7, %dma_start3A_74, %dma_start3A_75] : memref<2x16x84x2x120xi32, #tpu.memory_space<hbm>> -> memref<1x1x1x2x120xi32, #tpu.memory_space<hbm>>
      %dma_start3A_77 = tpu.memref_squeeze %dma_start3A_76 : memref<1x1x1x2x120xi32, #tpu.memory_space<hbm>> -> memref<2x120xi32, #tpu.memory_space<hbm>>
      %dma_start3A_78 = arith.constant 0 : i32
      %dma_start3A_79 = arith.constant 0 : i32
      %dma_start3A_80 = tpu.memref_slice %arg3[%arg0, %arg1, %run_scoped3A_7, %dma_start3A_78, %dma_start3A_79] : memref<2x16x84x2x120xi32, #tpu.memory_space<hbm>> -> memref<1x1x1x2x120xi32, #tpu.memory_space<hbm>>
      %dma_start3A_81 = tpu.memref_squeeze %dma_start3A_80 : memref<1x1x1x2x120xi32, #tpu.memory_space<hbm>> -> memref<2x120xi32, #tpu.memory_space<hbm>>
      tpu.enqueue_dma source(%dma_start3A_81 : memref<2x120xi32, #tpu.memory_space<hbm>>) target(%arg7 : memref<2x120xi32, #tpu.memory_space<vmem>>) target_semaphore(%run_scoped3A_73 : memref<!tpu.dma_semaphore, #tpu.memory_space<semaphore_mem>>)
      %dma_wait3A_82 = arith.constant 0 : i32
      %dma_wait3A_83 = arith.constant 0 : i32
      %dma_wait3A_84 = tpu.memref_slice %arg3[%arg0, %arg1, %run_scoped3A_7, %dma_wait3A_82, %dma_wait3A_83] : memref<2x16x84x2x120xi32, #tpu.memory_space<hbm>> -> memref<1x1x1x2x120xi32, #tpu.memory_space<hbm>>
      %dma_wait3A_85 = tpu.memref_squeeze %dma_wait3A_84 : memref<1x1x1x2x120xi32, #tpu.memory_space<hbm>> -> memref<2x120xi32, #tpu.memory_space<hbm>>
      %dma_wait3A_86 = arith.constant 0 : i32
      %dma_wait3A_87 = arith.constant 0 : i32
      %dma_wait3A_88 = tpu.memref_slice %arg3[%arg0, %arg1, %run_scoped3A_7, %dma_wait3A_86, %dma_wait3A_87] : memref<2x16x84x2x120xi32, #tpu.memory_space<hbm>> -> memref<1x1x1x2x120xi32, #tpu.memory_space<hbm>>
      %dma_wait3A_89 = tpu.memref_squeeze %dma_wait3A_88 : memref<1x1x1x2x120xi32, #tpu.memory_space<hbm>> -> memref<2x120xi32, #tpu.memory_space<hbm>>
      tpu.wait_dma2 semaphore(%run_scoped3A_73 : memref<!tpu.dma_semaphore, #tpu.memory_space<semaphore_mem>>) src(%dma_wait3A_89 : memref<2x120xi32, #tpu.memory_space<hbm>>) dst(%arg7 : memref<2x120xi32, #tpu.memory_space<vmem>>)
      tpu.yield
    }) : () -> ()
    %dma_start3A_8 = arith.constant 0 : i32
    %dma_start3A_9 = arith.constant 0 : i32
    %dma_start3A_10 = tpu.memref_slice %arg7[%dma_start3A_8, %dma_start3A_9] : memref<2x120xi32, #tpu.memory_space<vmem>> -> memref<1x120xi32, #tpu.memory_space<vmem>>
    %dma_start3A_11 = tpu.memref_squeeze %dma_start3A_10 : memref<1x120xi32, #tpu.memory_space<vmem>> -> memref<120xi32, #tpu.memory_space<vmem>>
    %dma_start3A_12 = arith.constant 0 : i32
    %dma_start3A_13 = arith.constant 0 : i32
    %dma_start3A_14 = tpu.memref_slice %arg2[%dma_start3A_12, %dma_start3A_13] : memref<10008x128xf32, #tpu.memory_space<hbm>> -> memref<10008x128xf32, #tpu.memory_space<hbm>>
    tpu.enqueue_indirect_dma source(%dma_start3A_14 : memref<10008x128xf32, #tpu.memory_space<hbm>>) target(%arg10 : memref<120x128xf32, #tpu.memory_space<vmem>>) offsets(%dma_start3A_11 : memref<120xi32, #tpu.memory_space<vmem>>) semaphore(%arg17 : memref<!tpu.dma_semaphore, #tpu.memory_space<semaphore_mem>>)
    %dma_start3A_15 = arith.constant 2 : i32
    %dma_start3A_16 = arith.constant 0 : i32
    %dma_start3A_17 = arith.constant 0 : i32
    %dma_start3A_18 = tpu.memref_slice %arg3[%arg0, %arg1, %dma_start3A_15, %dma_start3A_16, %dma_start3A_17] : memref<2x16x84x2x120xi32, #tpu.memory_space<hbm>> -> memref<1x1x1x2x120xi32, #tpu.memory_space<hbm>>
    %dma_start3A_19 = tpu.memref_squeeze %dma_start3A_18 : memref<1x1x1x2x120xi32, #tpu.memory_space<hbm>> -> memref<2x120xi32, #tpu.memory_space<hbm>>
    %dma_start3A_20 = arith.constant 0 : i32
    %dma_start3A_21 = arith.constant 0 : i32
    %dma_start3A_22 = tpu.memref_slice %arg3[%arg0, %arg1, %dma_start3A_15, %dma_start3A_20, %dma_start3A_21] : memref<2x16x84x2x120xi32, #tpu.memory_space<hbm>> -> memref<1x1x1x2x120xi32, #tpu.memory_space<hbm>>
    %dma_start3A_23 = tpu.memref_squeeze %dma_start3A_22 : memref<1x1x1x2x120xi32, #tpu.memory_space<hbm>> -> memref<2x120xi32, #tpu.memory_space<hbm>>
    tpu.enqueue_dma source(%dma_start3A_23 : memref<2x120xi32, #tpu.memory_space<hbm>>) target(%arg8 : memref<2x120xi32, #tpu.memory_space<vmem>>) target_semaphore(%arg15 : memref<!tpu.dma_semaphore, #tpu.memory_space<semaphore_mem>>)
    %scan3A = arith.constant 0 : i32
    %scan3A_24 = arith.constant 0 : i32
    %scan3A_25 = arith.constant 27 : i32
    %scan3A_26 = arith.addi %scan3A_24, %scan3A_25 : i32
    %scan3A_27 = arith.constant 1 : i32
    scf.for %scan3A_73 = %scan3A_24 to %scan3A_26 step %scan3A_27  : i32 {
      %mul3A_74 = arith.constant 3 : i32
      %mul3A_75 = arith.muli %scan3A_73, %mul3A_74 : i32
      %add3A = arith.constant 2 : i32
      %add3A_76 = arith.addi %mul3A_75, %add3A : i32
      %dma_wait3A_77 = arith.constant 0 : i32
      %dma_wait3A_78 = arith.constant 0 : i32
      %dma_wait3A_79 = tpu.memref_slice %arg3[%arg0, %arg1, %add3A_76, %dma_wait3A_77, %dma_wait3A_78] : memref<2x16x84x2x120xi32, #tpu.memory_space<hbm>> -> memref<1x1x1x2x120xi32, #tpu.memory_space<hbm>>
      %dma_wait3A_80 = tpu.memref_squeeze %dma_wait3A_79 : memref<1x1x1x2x120xi32, #tpu.memory_space<hbm>> -> memref<2x120xi32, #tpu.memory_space<hbm>>
      %dma_wait3A_81 = arith.constant 0 : i32
      %dma_wait3A_82 = arith.constant 0 : i32
      %dma_wait3A_83 = tpu.memref_slice %arg3[%arg0, %arg1, %add3A_76, %dma_wait3A_81, %dma_wait3A_82] : memref<2x16x84x2x120xi32, #tpu.memory_space<hbm>> -> memref<1x1x1x2x120xi32, #tpu.memory_space<hbm>>
      %dma_wait3A_84 = tpu.memref_squeeze %dma_wait3A_83 : memref<1x1x1x2x120xi32, #tpu.memory_space<hbm>> -> memref<2x120xi32, #tpu.memory_space<hbm>>
      tpu.wait_dma2 semaphore(%arg15 : memref<!tpu.dma_semaphore, #tpu.memory_space<semaphore_mem>>) src(%dma_wait3A_84 : memref<2x120xi32, #tpu.memory_space<hbm>>) dst(%arg8 : memref<2x120xi32, #tpu.memory_space<vmem>>)
      %dma_start3A_85 = arith.constant 0 : i32
      %dma_start3A_86 = arith.constant 0 : i32
      %dma_start3A_87 = tpu.memref_slice %arg8[%dma_start3A_85, %dma_start3A_86] : memref<2x120xi32, #tpu.memory_space<vmem>> -> memref<1x120xi32, #tpu.memory_space<vmem>>
      %dma_start3A_88 = tpu.memref_squeeze %dma_start3A_87 : memref<1x120xi32, #tpu.memory_space<vmem>> -> memref<120xi32, #tpu.memory_space<vmem>>
      %dma_start3A_89 = arith.constant 0 : i32
      %dma_start3A_90 = arith.constant 0 : i32
      %dma_start3A_91 = tpu.memref_slice %arg2[%dma_start3A_89, %dma_start3A_90] : memref<10008x128xf32, #tpu.memory_space<hbm>> -> memref<10008x128xf32, #tpu.memory_space<hbm>>
      tpu.enqueue_indirect_dma source(%dma_start3A_91 : memref<10008x128xf32, #tpu.memory_space<hbm>>) target(%arg11 : memref<120x128xf32, #tpu.memory_space<vmem>>) offsets(%dma_start3A_88 : memref<120xi32, #tpu.memory_space<vmem>>) semaphore(%arg18 : memref<!tpu.dma_semaphore, #tpu.memory_space<semaphore_mem>>)
      %dma_wait3A_92 = arith.constant 0 : i32
      %dma_wait3A_93 = arith.constant 0 : i32
      %dma_wait3A_94 = tpu.memref_slice %arg6[%dma_wait3A_92, %dma_wait3A_93] : memref<2x120xi32, #tpu.memory_space<vmem>> -> memref<1x120xi32, #tpu.memory_space<vmem>>
      %dma_wait3A_95 = tpu.memref_squeeze %dma_wait3A_94 : memref<1x120xi32, #tpu.memory_space<vmem>> -> memref<120xi32, #tpu.memory_space<vmem>>
      %dma_wait3A_96 = arith.constant 0 : i32
      %dma_wait3A_97 = arith.constant 0 : i32
      %dma_wait3A_98 = tpu.memref_slice %arg2[%dma_wait3A_96, %dma_wait3A_97] : memref<10008x128xf32, #tpu.memory_space<hbm>> -> memref<10008x128xf32, #tpu.memory_space<hbm>>
      tpu.wait_indirect_dma semaphore(%arg16 : memref<!tpu.dma_semaphore, #tpu.memory_space<semaphore_mem>>) src(%dma_wait3A_98 : memref<10008x128xf32, #tpu.memory_space<hbm>>) dst(%arg9 : memref<120x128xf32, #tpu.memory_space<vmem>>)
      %run_scoped3A_99 = arith.constant 1 : i32
      "tpu.region"() ({
        %run_scoped3A_180 = tpu.sem_alloc : memref<!tpu.dma_semaphore, #tpu.memory_space<semaphore_mem>>
        %dma_start3A_181 = arith.constant 0 : i32
        %dma_start3A_182 = tpu.memref_slice %arg6[%run_scoped3A_99, %dma_start3A_181] : memref<2x120xi32, #tpu.memory_space<vmem>> -> memref<1x120xi32, #tpu.memory_space<vmem>>
        %dma_start3A_183 = tpu.memref_squeeze %dma_start3A_182 : memref<1x120xi32, #tpu.memory_space<vmem>> -> memref<120xi32, #tpu.memory_space<vmem>>
        %dma_start3A_184 = arith.constant 0 : i32
        %dma_start3A_185 = arith.constant 0 : i32
        %dma_start3A_186 = tpu.memref_slice %arg12[%dma_start3A_184, %dma_start3A_185] : memref<10112x128xf32, #tpu.memory_space<vmem_shared>> -> memref<10112x128xf32, #tpu.memory_space<vmem_shared>>
        tpu.enqueue_indirect_dma source(%arg9 : memref<120x128xf32, #tpu.memory_space<vmem>>) target(%dma_start3A_186 : memref<10112x128xf32, #tpu.memory_space<vmem_shared>>) offsets(%dma_start3A_183 : memref<120xi32, #tpu.memory_space<vmem>>) semaphore(%run_scoped3A_180 : memref<!tpu.dma_semaphore, #tpu.memory_space<semaphore_mem>>) {add = true}
        %dma_wait3A_187 = arith.constant 0 : i32
        %dma_wait3A_188 = tpu.memref_slice %arg6[%run_scoped3A_99, %dma_wait3A_187] : memref<2x120xi32, #tpu.memory_space<vmem>> -> memref<1x120xi32, #tpu.memory_space<vmem>>
        %dma_wait3A_189 = tpu.memref_squeeze %dma_wait3A_188 : memref<1x120xi32, #tpu.memory_space<vmem>> -> memref<120xi32, #tpu.memory_space<vmem>>
        %dma_wait3A_190 = arith.constant 0 : i32
        %dma_wait3A_191 = arith.constant 0 : i32
        %dma_wait3A_192 = tpu.memref_slice %arg12[%dma_wait3A_190, %dma_wait3A_191] : memref<10112x128xf32, #tpu.memory_space<vmem_shared>> -> memref<10112x128xf32, #tpu.memory_space<vmem_shared>>
        tpu.wait_indirect_dma semaphore(%run_scoped3A_180 : memref<!tpu.dma_semaphore, #tpu.memory_space<semaphore_mem>>) src(%arg9 : memref<120x128xf32, #tpu.memory_space<vmem>>) dst(%dma_wait3A_192 : memref<10112x128xf32, #tpu.memory_space<vmem_shared>>)
        tpu.yield
      }) : () -> ()
      %add3A_100 = arith.constant 3 : i32
      %add3A_101 = arith.addi %mul3A_75, %add3A_100 : i32
      %dma_start3A_102 = arith.constant 0 : i32
      %dma_start3A_103 = arith.constant 0 : i32
      %dma_start3A_104 = tpu.memref_slice %arg3[%arg0, %arg1, %add3A_101, %dma_start3A_102, %dma_start3A_103] : memref<2x16x84x2x120xi32, #tpu.memory_space<hbm>> -> memref<1x1x1x2x120xi32, #tpu.memory_space<hbm>>
      %dma_start3A_105 = tpu.memref_squeeze %dma_start3A_104 : memref<1x1x1x2x120xi32, #tpu.memory_space<hbm>> -> memref<2x120xi32, #tpu.memory_space<hbm>>
      %dma_start3A_106 = arith.constant 0 : i32
      %dma_start3A_107 = arith.constant 0 : i32
      %dma_start3A_108 = tpu.memref_slice %arg3[%arg0, %arg1, %add3A_101, %dma_start3A_106, %dma_start3A_107] : memref<2x16x84x2x120xi32, #tpu.memory_space<hbm>> -> memref<1x1x1x2x120xi32, #tpu.memory_space<hbm>>
      %dma_start3A_109 = tpu.memref_squeeze %dma_start3A_108 : memref<1x1x1x2x120xi32, #tpu.memory_space<hbm>> -> memref<2x120xi32, #tpu.memory_space<hbm>>
      tpu.enqueue_dma source(%dma_start3A_109 : memref<2x120xi32, #tpu.memory_space<hbm>>) target(%arg6 : memref<2x120xi32, #tpu.memory_space<vmem>>) target_semaphore(%arg13 : memref<!tpu.dma_semaphore, #tpu.memory_space<semaphore_mem>>)
      %add3A_110 = arith.constant 3 : i32
      %add3A_111 = arith.addi %mul3A_75, %add3A_110 : i32
      %dma_wait3A_112 = arith.constant 0 : i32
      %dma_wait3A_113 = arith.constant 0 : i32
      %dma_wait3A_114 = tpu.memref_slice %arg3[%arg0, %arg1, %add3A_111, %dma_wait3A_112, %dma_wait3A_113] : memref<2x16x84x2x120xi32, #tpu.memory_space<hbm>> -> memref<1x1x1x2x120xi32, #tpu.memory_space<hbm>>
      %dma_wait3A_115 = tpu.memref_squeeze %dma_wait3A_114 : memref<1x1x1x2x120xi32, #tpu.memory_space<hbm>> -> memref<2x120xi32, #tpu.memory_space<hbm>>
      %dma_wait3A_116 = arith.constant 0 : i32
      %dma_wait3A_117 = arith.constant 0 : i32
      %dma_wait3A_118 = tpu.memref_slice %arg3[%arg0, %arg1, %add3A_111, %dma_wait3A_116, %dma_wait3A_117] : memref<2x16x84x2x120xi32, #tpu.memory_space<hbm>> -> memref<1x1x1x2x120xi32, #tpu.memory_space<hbm>>
      %dma_wait3A_119 = tpu.memref_squeeze %dma_wait3A_118 : memref<1x1x1x2x120xi32, #tpu.memory_space<hbm>> -> memref<2x120xi32, #tpu.memory_space<hbm>>
      tpu.wait_dma2 semaphore(%arg13 : memref<!tpu.dma_semaphore, #tpu.memory_space<semaphore_mem>>) src(%dma_wait3A_119 : memref<2x120xi32, #tpu.memory_space<hbm>>) dst(%arg6 : memref<2x120xi32, #tpu.memory_space<vmem>>)
      %dma_start3A_120 = arith.constant 0 : i32
      %dma_start3A_121 = arith.constant 0 : i32
      %dma_start3A_122 = tpu.memref_slice %arg6[%dma_start3A_120, %dma_start3A_121] : memref<2x120xi32, #tpu.memory_space<vmem>> -> memref<1x120xi32, #tpu.memory_space<vmem>>
      %dma_start3A_123 = tpu.memref_squeeze %dma_start3A_122 : memref<1x120xi32, #tpu.memory_space<vmem>> -> memref<120xi32, #tpu.memory_space<vmem>>
      %dma_start3A_124 = arith.constant 0 : i32
      %dma_start3A_125 = arith.constant 0 : i32
      %dma_start3A_126 = tpu.memref_slice %arg2[%dma_start3A_124, %dma_start3A_125] : memref<10008x128xf32, #tpu.memory_space<hbm>> -> memref<10008x128xf32, #tpu.memory_space<hbm>>
      tpu.enqueue_indirect_dma source(%dma_start3A_126 : memref<10008x128xf32, #tpu.memory_space<hbm>>) target(%arg9 : memref<120x128xf32, #tpu.memory_space<vmem>>) offsets(%dma_start3A_123 : memref<120xi32, #tpu.memory_space<vmem>>) semaphore(%arg16 : memref<!tpu.dma_semaphore, #tpu.memory_space<semaphore_mem>>)
      %dma_wait3A_127 = arith.constant 0 : i32
      %dma_wait3A_128 = arith.constant 0 : i32
      %dma_wait3A_129 = tpu.memref_slice %arg7[%dma_wait3A_127, %dma_wait3A_128] : memref<2x120xi32, #tpu.memory_space<vmem>> -> memref<1x120xi32, #tpu.memory_space<vmem>>
      %dma_wait3A_130 = tpu.memref_squeeze %dma_wait3A_129 : memref<1x120xi32, #tpu.memory_space<vmem>> -> memref<120xi32, #tpu.memory_space<vmem>>
      %dma_wait3A_131 = arith.constant 0 : i32
      %dma_wait3A_132 = arith.constant 0 : i32
      %dma_wait3A_133 = tpu.memref_slice %arg2[%dma_wait3A_131, %dma_wait3A_132] : memref<10008x128xf32, #tpu.memory_space<hbm>> -> memref<10008x128xf32, #tpu.memory_space<hbm>>
      tpu.wait_indirect_dma semaphore(%arg17 : memref<!tpu.dma_semaphore, #tpu.memory_space<semaphore_mem>>) src(%dma_wait3A_133 : memref<10008x128xf32, #tpu.memory_space<hbm>>) dst(%arg10 : memref<120x128xf32, #tpu.memory_space<vmem>>)
      %run_scoped3A_134 = arith.constant 1 : i32
      "tpu.region"() ({
        %run_scoped3A_180 = tpu.sem_alloc : memref<!tpu.dma_semaphore, #tpu.memory_space<semaphore_mem>>
        %dma_start3A_181 = arith.constant 0 : i32
        %dma_start3A_182 = tpu.memref_slice %arg7[%run_scoped3A_134, %dma_start3A_181] : memref<2x120xi32, #tpu.memory_space<vmem>> -> memref<1x120xi32, #tpu.memory_space<vmem>>
        %dma_start3A_183 = tpu.memref_squeeze %dma_start3A_182 : memref<1x120xi32, #tpu.memory_space<vmem>> -> memref<120xi32, #tpu.memory_space<vmem>>
        %dma_start3A_184 = arith.constant 0 : i32
        %dma_start3A_185 = arith.constant 0 : i32
        %dma_start3A_186 = tpu.memref_slice %arg12[%dma_start3A_184, %dma_start3A_185] : memref<10112x128xf32, #tpu.memory_space<vmem_shared>> -> memref<10112x128xf32, #tpu.memory_space<vmem_shared>>
        tpu.enqueue_indirect_dma source(%arg10 : memref<120x128xf32, #tpu.memory_space<vmem>>) target(%dma_start3A_186 : memref<10112x128xf32, #tpu.memory_space<vmem_shared>>) offsets(%dma_start3A_183 : memref<120xi32, #tpu.memory_space<vmem>>) semaphore(%run_scoped3A_180 : memref<!tpu.dma_semaphore, #tpu.memory_space<semaphore_mem>>) {add = true}
        %dma_wait3A_187 = arith.constant 0 : i32
        %dma_wait3A_188 = tpu.memref_slice %arg7[%run_scoped3A_134, %dma_wait3A_187] : memref<2x120xi32, #tpu.memory_space<vmem>> -> memref<1x120xi32, #tpu.memory_space<vmem>>
        %dma_wait3A_189 = tpu.memref_squeeze %dma_wait3A_188 : memref<1x120xi32, #tpu.memory_space<vmem>> -> memref<120xi32, #tpu.memory_space<vmem>>
        %dma_wait3A_190 = arith.constant 0 : i32
        %dma_wait3A_191 = arith.constant 0 : i32
        %dma_wait3A_192 = tpu.memref_slice %arg12[%dma_wait3A_190, %dma_wait3A_191] : memref<10112x128xf32, #tpu.memory_space<vmem_shared>> -> memref<10112x128xf32, #tpu.memory_space<vmem_shared>>
        tpu.wait_indirect_dma semaphore(%run_scoped3A_180 : memref<!tpu.dma_semaphore, #tpu.memory_space<semaphore_mem>>) src(%arg10 : memref<120x128xf32, #tpu.memory_space<vmem>>) dst(%dma_wait3A_192 : memref<10112x128xf32, #tpu.memory_space<vmem_shared>>)
        tpu.yield
      }) : () -> ()
      %add3A_135 = arith.constant 4 : i32
      %add3A_136 = arith.addi %mul3A_75, %add3A_135 : i32
      %dma_start3A_137 = arith.constant 0 : i32
      %dma_start3A_138 = arith.constant 0 : i32
      %dma_start3A_139 = tpu.memref_slice %arg3[%arg0, %arg1, %add3A_136, %dma_start3A_137, %dma_start3A_138] : memref<2x16x84x2x120xi32, #tpu.memory_space<hbm>> -> memref<1x1x1x2x120xi32, #tpu.memory_space<hbm>>
      %dma_start3A_140 = tpu.memref_squeeze %dma_start3A_139 : memref<1x1x1x2x120xi32, #tpu.memory_space<hbm>> -> memref<2x120xi32, #tpu.memory_space<hbm>>
      %dma_start3A_141 = arith.constant 0 : i32
      %dma_start3A_142 = arith.constant 0 : i32
      %dma_start3A_143 = tpu.memref_slice %arg3[%arg0, %arg1, %add3A_136, %dma_start3A_141, %dma_start3A_142] : memref<2x16x84x2x120xi32, #tpu.memory_space<hbm>> -> memref<1x1x1x2x120xi32, #tpu.memory_space<hbm>>
      %dma_start3A_144 = tpu.memref_squeeze %dma_start3A_143 : memref<1x1x1x2x120xi32, #tpu.memory_space<hbm>> -> memref<2x120xi32, #tpu.memory_space<hbm>>
      tpu.enqueue_dma source(%dma_start3A_144 : memref<2x120xi32, #tpu.memory_space<hbm>>) target(%arg7 : memref<2x120xi32, #tpu.memory_space<vmem>>) target_semaphore(%arg14 : memref<!tpu.dma_semaphore, #tpu.memory_space<semaphore_mem>>)
      %add3A_145 = arith.constant 4 : i32
      %add3A_146 = arith.addi %mul3A_75, %add3A_145 : i32
      %dma_wait3A_147 = arith.constant 0 : i32
      %dma_wait3A_148 = arith.constant 0 : i32
      %dma_wait3A_149 = tpu.memref_slice %arg3[%arg0, %arg1, %add3A_146, %dma_wait3A_147, %dma_wait3A_148] : memref<2x16x84x2x120xi32, #tpu.memory_space<hbm>> -> memref<1x1x1x2x120xi32, #tpu.memory_space<hbm>>
      %dma_wait3A_150 = tpu.memref_squeeze %dma_wait3A_149 : memref<1x1x1x2x120xi32, #tpu.memory_space<hbm>> -> memref<2x120xi32, #tpu.memory_space<hbm>>
      %dma_wait3A_151 = arith.constant 0 : i32
      %dma_wait3A_152 = arith.constant 0 : i32
      %dma_wait3A_153 = tpu.memref_slice %arg3[%arg0, %arg1, %add3A_146, %dma_wait3A_151, %dma_wait3A_152] : memref<2x16x84x2x120xi32, #tpu.memory_space<hbm>> -> memref<1x1x1x2x120xi32, #tpu.memory_space<hbm>>
      %dma_wait3A_154 = tpu.memref_squeeze %dma_wait3A_153 : memref<1x1x1x2x120xi32, #tpu.memory_space<hbm>> -> memref<2x120xi32, #tpu.memory_space<hbm>>
      tpu.wait_dma2 semaphore(%arg14 : memref<!tpu.dma_semaphore, #tpu.memory_space<semaphore_mem>>) src(%dma_wait3A_154 : memref<2x120xi32, #tpu.memory_space<hbm>>) dst(%arg7 : memref<2x120xi32, #tpu.memory_space<vmem>>)
      %dma_start3A_155 = arith.constant 0 : i32
      %dma_start3A_156 = arith.constant 0 : i32
      %dma_start3A_157 = tpu.memref_slice %arg7[%dma_start3A_155, %dma_start3A_156] : memref<2x120xi32, #tpu.memory_space<vmem>> -> memref<1x120xi32, #tpu.memory_space<vmem>>
      %dma_start3A_158 = tpu.memref_squeeze %dma_start3A_157 : memref<1x120xi32, #tpu.memory_space<vmem>> -> memref<120xi32, #tpu.memory_space<vmem>>
      %dma_start3A_159 = arith.constant 0 : i32
      %dma_start3A_160 = arith.constant 0 : i32
      %dma_start3A_161 = tpu.memref_slice %arg2[%dma_start3A_159, %dma_start3A_160] : memref<10008x128xf32, #tpu.memory_space<hbm>> -> memref<10008x128xf32, #tpu.memory_space<hbm>>
      tpu.enqueue_indirect_dma source(%dma_start3A_161 : memref<10008x128xf32, #tpu.memory_space<hbm>>) target(%arg10 : memref<120x128xf32, #tpu.memory_space<vmem>>) offsets(%dma_start3A_158 : memref<120xi32, #tpu.memory_space<vmem>>) semaphore(%arg17 : memref<!tpu.dma_semaphore, #tpu.memory_space<semaphore_mem>>)
      %dma_wait3A_162 = arith.constant 0 : i32
      %dma_wait3A_163 = arith.constant 0 : i32
      %dma_wait3A_164 = tpu.memref_slice %arg8[%dma_wait3A_162, %dma_wait3A_163] : memref<2x120xi32, #tpu.memory_space<vmem>> -> memref<1x120xi32, #tpu.memory_space<vmem>>
      %dma_wait3A_165 = tpu.memref_squeeze %dma_wait3A_164 : memref<1x120xi32, #tpu.memory_space<vmem>> -> memref<120xi32, #tpu.memory_space<vmem>>
      %dma_wait3A_166 = arith.constant 0 : i32
      %dma_wait3A_167 = arith.constant 0 : i32
      %dma_wait3A_168 = tpu.memref_slice %arg2[%dma_wait3A_166, %dma_wait3A_167] : memref<10008x128xf32, #tpu.memory_space<hbm>> -> memref<10008x128xf32, #tpu.memory_space<hbm>>
      tpu.wait_indirect_dma semaphore(%arg18 : memref<!tpu.dma_semaphore, #tpu.memory_space<semaphore_mem>>) src(%dma_wait3A_168 : memref<10008x128xf32, #tpu.memory_space<hbm>>) dst(%arg11 : memref<120x128xf32, #tpu.memory_space<vmem>>)
      %run_scoped3A_169 = arith.constant 1 : i32
      "tpu.region"() ({
        %run_scoped3A_180 = tpu.sem_alloc : memref<!tpu.dma_semaphore, #tpu.memory_space<semaphore_mem>>
        %dma_start3A_181 = arith.constant 0 : i32
        %dma_start3A_182 = tpu.memref_slice %arg8[%run_scoped3A_169, %dma_start3A_181] : memref<2x120xi32, #tpu.memory_space<vmem>> -> memref<1x120xi32, #tpu.memory_space<vmem>>
        %dma_start3A_183 = tpu.memref_squeeze %dma_start3A_182 : memref<1x120xi32, #tpu.memory_space<vmem>> -> memref<120xi32, #tpu.memory_space<vmem>>
        %dma_start3A_184 = arith.constant 0 : i32
        %dma_start3A_185 = arith.constant 0 : i32
        %dma_start3A_186 = tpu.memref_slice %arg12[%dma_start3A_184, %dma_start3A_185] : memref<10112x128xf32, #tpu.memory_space<vmem_shared>> -> memref<10112x128xf32, #tpu.memory_space<vmem_shared>>
        tpu.enqueue_indirect_dma source(%arg11 : memref<120x128xf32, #tpu.memory_space<vmem>>) target(%dma_start3A_186 : memref<10112x128xf32, #tpu.memory_space<vmem_shared>>) offsets(%dma_start3A_183 : memref<120xi32, #tpu.memory_space<vmem>>) semaphore(%run_scoped3A_180 : memref<!tpu.dma_semaphore, #tpu.memory_space<semaphore_mem>>) {add = true}
        %dma_wait3A_187 = arith.constant 0 : i32
        %dma_wait3A_188 = tpu.memref_slice %arg8[%run_scoped3A_169, %dma_wait3A_187] : memref<2x120xi32, #tpu.memory_space<vmem>> -> memref<1x120xi32, #tpu.memory_space<vmem>>
        %dma_wait3A_189 = tpu.memref_squeeze %dma_wait3A_188 : memref<1x120xi32, #tpu.memory_space<vmem>> -> memref<120xi32, #tpu.memory_space<vmem>>
        %dma_wait3A_190 = arith.constant 0 : i32
        %dma_wait3A_191 = arith.constant 0 : i32
        %dma_wait3A_192 = tpu.memref_slice %arg12[%dma_wait3A_190, %dma_wait3A_191] : memref<10112x128xf32, #tpu.memory_space<vmem_shared>> -> memref<10112x128xf32, #tpu.memory_space<vmem_shared>>
        tpu.wait_indirect_dma semaphore(%run_scoped3A_180 : memref<!tpu.dma_semaphore, #tpu.memory_space<semaphore_mem>>) src(%arg11 : memref<120x128xf32, #tpu.memory_space<vmem>>) dst(%dma_wait3A_192 : memref<10112x128xf32, #tpu.memory_space<vmem_shared>>)
        tpu.yield
      }) : () -> ()
      %add3A_170 = arith.constant 5 : i32
      %add3A_171 = arith.addi %mul3A_75, %add3A_170 : i32
      %dma_start3A_172 = arith.constant 0 : i32
      %dma_start3A_173 = arith.constant 0 : i32
      %dma_start3A_174 = tpu.memref_slice %arg3[%arg0, %arg1, %add3A_171, %dma_start3A_172, %dma_start3A_173] : memref<2x16x84x2x120xi32, #tpu.memory_space<hbm>> -> memref<1x1x1x2x120xi32, #tpu.memory_space<hbm>>
      %dma_start3A_175 = tpu.memref_squeeze %dma_start3A_174 : memref<1x1x1x2x120xi32, #tpu.memory_space<hbm>> -> memref<2x120xi32, #tpu.memory_space<hbm>>
      %dma_start3A_176 = arith.constant 0 : i32
      %dma_start3A_177 = arith.constant 0 : i32
      %dma_start3A_178 = tpu.memref_slice %arg3[%arg0, %arg1, %add3A_171, %dma_start3A_176, %dma_start3A_177] : memref<2x16x84x2x120xi32, #tpu.memory_space<hbm>> -> memref<1x1x1x2x120xi32, #tpu.memory_space<hbm>>
      %dma_start3A_179 = tpu.memref_squeeze %dma_start3A_178 : memref<1x1x1x2x120xi32, #tpu.memory_space<hbm>> -> memref<2x120xi32, #tpu.memory_space<hbm>>
      tpu.enqueue_dma source(%dma_start3A_179 : memref<2x120xi32, #tpu.memory_space<hbm>>) target(%arg8 : memref<2x120xi32, #tpu.memory_space<vmem>>) target_semaphore(%arg15 : memref<!tpu.dma_semaphore, #tpu.memory_space<semaphore_mem>>)
    }
    %scan3A_28 = arith.constant 27 : i32
    %dma_wait3A = arith.constant 83 : i32
    %dma_wait3A_29 = arith.constant 0 : i32
    %dma_wait3A_30 = arith.constant 0 : i32
    %dma_wait3A_31 = tpu.memref_slice %arg3[%arg0, %arg1, %dma_wait3A, %dma_wait3A_29, %dma_wait3A_30] : memref<2x16x84x2x120xi32, #tpu.memory_space<hbm>> -> memref<1x1x1x2x120xi32, #tpu.memory_space<hbm>>
    %dma_wait3A_32 = tpu.memref_squeeze %dma_wait3A_31 : memref<1x1x1x2x120xi32, #tpu.memory_space<hbm>> -> memref<2x120xi32, #tpu.memory_space<hbm>>
    %dma_wait3A_33 = arith.constant 0 : i32
    %dma_wait3A_34 = arith.constant 0 : i32
    %dma_wait3A_35 = tpu.memref_slice %arg3[%arg0, %arg1, %dma_wait3A, %dma_wait3A_33, %dma_wait3A_34] : memref<2x16x84x2x120xi32, #tpu.memory_space<hbm>> -> memref<1x1x1x2x120xi32, #tpu.memory_space<hbm>>
    %dma_wait3A_36 = tpu.memref_squeeze %dma_wait3A_35 : memref<1x1x1x2x120xi32, #tpu.memory_space<hbm>> -> memref<2x120xi32, #tpu.memory_space<hbm>>
    tpu.wait_dma2 semaphore(%arg15 : memref<!tpu.dma_semaphore, #tpu.memory_space<semaphore_mem>>) src(%dma_wait3A_36 : memref<2x120xi32, #tpu.memory_space<hbm>>) dst(%arg8 : memref<2x120xi32, #tpu.memory_space<vmem>>)
    %dma_start3A_37 = arith.constant 0 : i32
    %dma_start3A_38 = arith.constant 0 : i32
    %dma_start3A_39 = tpu.memref_slice %arg8[%dma_start3A_37, %dma_start3A_38] : memref<2x120xi32, #tpu.memory_space<vmem>> -> memref<1x120xi32, #tpu.memory_space<vmem>>
    %dma_start3A_40 = tpu.memref_squeeze %dma_start3A_39 : memref<1x120xi32, #tpu.memory_space<vmem>> -> memref<120xi32, #tpu.memory_space<vmem>>
    %dma_start3A_41 = arith.constant 0 : i32
    %dma_start3A_42 = arith.constant 0 : i32
    %dma_start3A_43 = tpu.memref_slice %arg2[%dma_start3A_41, %dma_start3A_42] : memref<10008x128xf32, #tpu.memory_space<hbm>> -> memref<10008x128xf32, #tpu.memory_space<hbm>>
    tpu.enqueue_indirect_dma source(%dma_start3A_43 : memref<10008x128xf32, #tpu.memory_space<hbm>>) target(%arg11 : memref<120x128xf32, #tpu.memory_space<vmem>>) offsets(%dma_start3A_40 : memref<120xi32, #tpu.memory_space<vmem>>) semaphore(%arg18 : memref<!tpu.dma_semaphore, #tpu.memory_space<semaphore_mem>>)
    %dma_wait3A_44 = arith.constant 0 : i32
    %dma_wait3A_45 = arith.constant 0 : i32
    %dma_wait3A_46 = tpu.memref_slice %arg6[%dma_wait3A_44, %dma_wait3A_45] : memref<2x120xi32, #tpu.memory_space<vmem>> -> memref<1x120xi32, #tpu.memory_space<vmem>>
    %dma_wait3A_47 = tpu.memref_squeeze %dma_wait3A_46 : memref<1x120xi32, #tpu.memory_space<vmem>> -> memref<120xi32, #tpu.memory_space<vmem>>
    %dma_wait3A_48 = arith.constant 0 : i32
    %dma_wait3A_49 = arith.constant 0 : i32
    %dma_wait3A_50 = tpu.memref_slice %arg2[%dma_wait3A_48, %dma_wait3A_49] : memref<10008x128xf32, #tpu.memory_space<hbm>> -> memref<10008x128xf32, #tpu.memory_space<hbm>>
    tpu.wait_indirect_dma semaphore(%arg16 : memref<!tpu.dma_semaphore, #tpu.memory_space<semaphore_mem>>) src(%dma_wait3A_50 : memref<10008x128xf32, #tpu.memory_space<hbm>>) dst(%arg9 : memref<120x128xf32, #tpu.memory_space<vmem>>)
    %run_scoped3A_51 = arith.constant 1 : i32
    "tpu.region"() ({
      %run_scoped3A_73 = tpu.sem_alloc : memref<!tpu.dma_semaphore, #tpu.memory_space<semaphore_mem>>
      %dma_start3A_74 = arith.constant 0 : i32
      %dma_start3A_75 = tpu.memref_slice %arg6[%run_scoped3A_51, %dma_start3A_74] : memref<2x120xi32, #tpu.memory_space<vmem>> -> memref<1x120xi32, #tpu.memory_space<vmem>>
      %dma_start3A_76 = tpu.memref_squeeze %dma_start3A_75 : memref<1x120xi32, #tpu.memory_space<vmem>> -> memref<120xi32, #tpu.memory_space<vmem>>
      %dma_start3A_77 = arith.constant 0 : i32
      %dma_start3A_78 = arith.constant 0 : i32
      %dma_start3A_79 = tpu.memref_slice %arg12[%dma_start3A_77, %dma_start3A_78] : memref<10112x128xf32, #tpu.memory_space<vmem_shared>> -> memref<10112x128xf32, #tpu.memory_space<vmem_shared>>
      tpu.enqueue_indirect_dma source(%arg9 : memref<120x128xf32, #tpu.memory_space<vmem>>) target(%dma_start3A_79 : memref<10112x128xf32, #tpu.memory_space<vmem_shared>>) offsets(%dma_start3A_76 : memref<120xi32, #tpu.memory_space<vmem>>) semaphore(%run_scoped3A_73 : memref<!tpu.dma_semaphore, #tpu.memory_space<semaphore_mem>>) {add = true}
      %dma_wait3A_80 = arith.constant 0 : i32
      %dma_wait3A_81 = tpu.memref_slice %arg6[%run_scoped3A_51, %dma_wait3A_80] : memref<2x120xi32, #tpu.memory_space<vmem>> -> memref<1x120xi32, #tpu.memory_space<vmem>>
      %dma_wait3A_82 = tpu.memref_squeeze %dma_wait3A_81 : memref<1x120xi32, #tpu.memory_space<vmem>> -> memref<120xi32, #tpu.memory_space<vmem>>
      %dma_wait3A_83 = arith.constant 0 : i32
      %dma_wait3A_84 = arith.constant 0 : i32
      %dma_wait3A_85 = tpu.memref_slice %arg12[%dma_wait3A_83, %dma_wait3A_84] : memref<10112x128xf32, #tpu.memory_space<vmem_shared>> -> memref<10112x128xf32, #tpu.memory_space<vmem_shared>>
      tpu.wait_indirect_dma semaphore(%run_scoped3A_73 : memref<!tpu.dma_semaphore, #tpu.memory_space<semaphore_mem>>) src(%arg9 : memref<120x128xf32, #tpu.memory_space<vmem>>) dst(%dma_wait3A_85 : memref<10112x128xf32, #tpu.memory_space<vmem_shared>>)
      tpu.yield
    }) : () -> ()
    %dma_wait3A_52 = arith.constant 0 : i32
    %dma_wait3A_53 = arith.constant 0 : i32
    %dma_wait3A_54 = tpu.memref_slice %arg7[%dma_wait3A_52, %dma_wait3A_53] : memref<2x120xi32, #tpu.memory_space<vmem>> -> memref<1x120xi32, #tpu.memory_space<vmem>>
    %dma_wait3A_55 = tpu.memref_squeeze %dma_wait3A_54 : memref<1x120xi32, #tpu.memory_space<vmem>> -> memref<120xi32, #tpu.memory_space<vmem>>
    %dma_wait3A_56 = arith.constant 0 : i32
    %dma_wait3A_57 = arith.constant 0 : i32
    %dma_wait3A_58 = tpu.memref_slice %arg2[%dma_wait3A_56, %dma_wait3A_57] : memref<10008x128xf32, #tpu.memory_space<hbm>> -> memref<10008x128xf32, #tpu.memory_space<hbm>>
    tpu.wait_indirect_dma semaphore(%arg17 : memref<!tpu.dma_semaphore, #tpu.memory_space<semaphore_mem>>) src(%dma_wait3A_58 : memref<10008x128xf32, #tpu.memory_space<hbm>>) dst(%arg10 : memref<120x128xf32, #tpu.memory_space<vmem>>)
    %run_scoped3A_59 = arith.constant 1 : i32
    "tpu.region"() ({
      %run_scoped3A_73 = tpu.sem_alloc : memref<!tpu.dma_semaphore, #tpu.memory_space<semaphore_mem>>
      %dma_start3A_74 = arith.constant 0 : i32
      %dma_start3A_75 = tpu.memref_slice %arg7[%run_scoped3A_59, %dma_start3A_74] : memref<2x120xi32, #tpu.memory_space<vmem>> -> memref<1x120xi32, #tpu.memory_space<vmem>>
      %dma_start3A_76 = tpu.memref_squeeze %dma_start3A_75 : memref<1x120xi32, #tpu.memory_space<vmem>> -> memref<120xi32, #tpu.memory_space<vmem>>
      %dma_start3A_77 = arith.constant 0 : i32
      %dma_start3A_78 = arith.constant 0 : i32
      %dma_start3A_79 = tpu.memref_slice %arg12[%dma_start3A_77, %dma_start3A_78] : memref<10112x128xf32, #tpu.memory_space<vmem_shared>> -> memref<10112x128xf32, #tpu.memory_space<vmem_shared>>
      tpu.enqueue_indirect_dma source(%arg10 : memref<120x128xf32, #tpu.memory_space<vmem>>) target(%dma_start3A_79 : memref<10112x128xf32, #tpu.memory_space<vmem_shared>>) offsets(%dma_start3A_76 : memref<120xi32, #tpu.memory_space<vmem>>) semaphore(%run_scoped3A_73 : memref<!tpu.dma_semaphore, #tpu.memory_space<semaphore_mem>>) {add = true}
      %dma_wait3A_80 = arith.constant 0 : i32
      %dma_wait3A_81 = tpu.memref_slice %arg7[%run_scoped3A_59, %dma_wait3A_80] : memref<2x120xi32, #tpu.memory_space<vmem>> -> memref<1x120xi32, #tpu.memory_space<vmem>>
      %dma_wait3A_82 = tpu.memref_squeeze %dma_wait3A_81 : memref<1x120xi32, #tpu.memory_space<vmem>> -> memref<120xi32, #tpu.memory_space<vmem>>
      %dma_wait3A_83 = arith.constant 0 : i32
      %dma_wait3A_84 = arith.constant 0 : i32
      %dma_wait3A_85 = tpu.memref_slice %arg12[%dma_wait3A_83, %dma_wait3A_84] : memref<10112x128xf32, #tpu.memory_space<vmem_shared>> -> memref<10112x128xf32, #tpu.memory_space<vmem_shared>>
      tpu.wait_indirect_dma semaphore(%run_scoped3A_73 : memref<!tpu.dma_semaphore, #tpu.memory_space<semaphore_mem>>) src(%arg10 : memref<120x128xf32, #tpu.memory_space<vmem>>) dst(%dma_wait3A_85 : memref<10112x128xf32, #tpu.memory_space<vmem_shared>>)
      tpu.yield
    }) : () -> ()
    %dma_wait3A_60 = arith.constant 0 : i32
    %dma_wait3A_61 = arith.constant 0 : i32
    %dma_wait3A_62 = tpu.memref_slice %arg8[%dma_wait3A_60, %dma_wait3A_61] : memref<2x120xi32, #tpu.memory_space<vmem>> -> memref<1x120xi32, #tpu.memory_space<vmem>>
    %dma_wait3A_63 = tpu.memref_squeeze %dma_wait3A_62 : memref<1x120xi32, #tpu.memory_space<vmem>> -> memref<120xi32, #tpu.memory_space<vmem>>
    %dma_wait3A_64 = arith.constant 0 : i32
    %dma_wait3A_65 = arith.constant 0 : i32
    %dma_wait3A_66 = tpu.memref_slice %arg2[%dma_wait3A_64, %dma_wait3A_65] : memref<10008x128xf32, #tpu.memory_space<hbm>> -> memref<10008x128xf32, #tpu.memory_space<hbm>>
    tpu.wait_indirect_dma semaphore(%arg18 : memref<!tpu.dma_semaphore, #tpu.memory_space<semaphore_mem>>) src(%dma_wait3A_66 : memref<10008x128xf32, #tpu.memory_space<hbm>>) dst(%arg11 : memref<120x128xf32, #tpu.memory_space<vmem>>)
    %run_scoped3A_67 = arith.constant 1 : i32
    "tpu.region"() ({
      %run_scoped3A_73 = tpu.sem_alloc : memref<!tpu.dma_semaphore, #tpu.memory_space<semaphore_mem>>
      %dma_start3A_74 = arith.constant 0 : i32
      %dma_start3A_75 = tpu.memref_slice %arg8[%run_scoped3A_67, %dma_start3A_74] : memref<2x120xi32, #tpu.memory_space<vmem>> -> memref<1x120xi32, #tpu.memory_space<vmem>>
      %dma_start3A_76 = tpu.memref_squeeze %dma_start3A_75 : memref<1x120xi32, #tpu.memory_space<vmem>> -> memref<120xi32, #tpu.memory_space<vmem>>
      %dma_start3A_77 = arith.constant 0 : i32
      %dma_start3A_78 = arith.constant 0 : i32
      %dma_start3A_79 = tpu.memref_slice %arg12[%dma_start3A_77, %dma_start3A_78] : memref<10112x128xf32, #tpu.memory_space<vmem_shared>> -> memref<10112x128xf32, #tpu.memory_space<vmem_shared>>
      tpu.enqueue_indirect_dma source(%arg11 : memref<120x128xf32, #tpu.memory_space<vmem>>) target(%dma_start3A_79 : memref<10112x128xf32, #tpu.memory_space<vmem_shared>>) offsets(%dma_start3A_76 : memref<120xi32, #tpu.memory_space<vmem>>) semaphore(%run_scoped3A_73 : memref<!tpu.dma_semaphore, #tpu.memory_space<semaphore_mem>>) {add = true}
      %dma_wait3A_80 = arith.constant 0 : i32
      %dma_wait3A_81 = tpu.memref_slice %arg8[%run_scoped3A_67, %dma_wait3A_80] : memref<2x120xi32, #tpu.memory_space<vmem>> -> memref<1x120xi32, #tpu.memory_space<vmem>>
      %dma_wait3A_82 = tpu.memref_squeeze %dma_wait3A_81 : memref<1x120xi32, #tpu.memory_space<vmem>> -> memref<120xi32, #tpu.memory_space<vmem>>
      %dma_wait3A_83 = arith.constant 0 : i32
      %dma_wait3A_84 = arith.constant 0 : i32
      %dma_wait3A_85 = tpu.memref_slice %arg12[%dma_wait3A_83, %dma_wait3A_84] : memref<10112x128xf32, #tpu.memory_space<vmem_shared>> -> memref<10112x128xf32, #tpu.memory_space<vmem_shared>>
      tpu.wait_indirect_dma semaphore(%run_scoped3A_73 : memref<!tpu.dma_semaphore, #tpu.memory_space<semaphore_mem>>) src(%arg11 : memref<120x128xf32, #tpu.memory_space<vmem>>) dst(%dma_wait3A_85 : memref<10112x128xf32, #tpu.memory_space<vmem_shared>>)
      tpu.yield
    }) : () -> ()
    %barrier3A_68 = arith.constant 0 : index
    tpu.barrier barrier_id(%barrier3A_68)
    %mul3A_69 = arith.constant 632 : i32
    %mul3A_70 = arith.muli %arg1, %mul3A_69 : i32
    %mul3A_71 = arith.constant 632 : i32
    %mul3A_72 = arith.muli %arg1, %mul3A_71 : i32
    "tpu.region"() ({
      %run_scoped3A_73 = tpu.sem_alloc : memref<!tpu.dma_semaphore, #tpu.memory_space<semaphore_mem>>
      %dma_start3A_74 = arith.constant 0 : i32
      %dma_start3A_75 = tpu.memref_slice %arg5[%arg0, %mul3A_72, %dma_start3A_74] : memref<2x10112x128xf32, #tpu.memory_space<hbm>> -> memref<1x632x128xf32, #tpu.memory_space<hbm>>
      %dma_start3A_76 = tpu.memref_squeeze %dma_start3A_75 : memref<1x632x128xf32, #tpu.memory_space<hbm>> -> memref<632x128xf32, #tpu.memory_space<hbm>>
      %dma_start3A_77 = arith.constant 0 : i32
      %dma_start3A_78 = tpu.memref_slice %arg12[%mul3A_70, %dma_start3A_77] : memref<10112x128xf32, #tpu.memory_space<vmem_shared>> -> memref<632x128xf32, #tpu.memory_space<vmem_shared>>
      tpu.enqueue_dma source(%dma_start3A_78 : memref<632x128xf32, #tpu.memory_space<vmem_shared>>) target(%dma_start3A_76 : memref<632x128xf32, #tpu.memory_space<hbm>>) target_semaphore(%run_scoped3A_73 : memref<!tpu.dma_semaphore, #tpu.memory_space<semaphore_mem>>)
      %dma_wait3A_79 = arith.constant 0 : i32
      %dma_wait3A_80 = tpu.memref_slice %arg5[%arg0, %mul3A_72, %dma_wait3A_79] : memref<2x10112x128xf32, #tpu.memory_space<hbm>> -> memref<1x632x128xf32, #tpu.memory_space<hbm>>
      %dma_wait3A_81 = tpu.memref_squeeze %dma_wait3A_80 : memref<1x632x128xf32, #tpu.memory_space<hbm>> -> memref<632x128xf32, #tpu.memory_space<hbm>>
      %dma_wait3A_82 = arith.constant 0 : i32
      %dma_wait3A_83 = tpu.memref_slice %arg12[%mul3A_70, %dma_wait3A_82] : memref<10112x128xf32, #tpu.memory_space<vmem_shared>> -> memref<632x128xf32, #tpu.memory_space<vmem_shared>>
      tpu.wait_dma2 semaphore(%run_scoped3A_73 : memref<!tpu.dma_semaphore, #tpu.memory_space<semaphore_mem>>) src(%dma_wait3A_83 : memref<632x128xf32, #tpu.memory_space<vmem_shared>>) dst(%dma_wait3A_81 : memref<632x128xf32, #tpu.memory_space<hbm>>)
      tpu.yield
    }) : () -> ()
    return
  }
}

#map = affine_map<(d0, d1) -> (0, 0)>
#map1 = affine_map<(d0, d1) -> (0, 0, 0, 0, 0)>
#map2 = affine_map<(d0, d1) -> (0, 0, 0)>
module attributes {stable_mosaic.version = 14 : i64} {
  func.func @_scatter_body(%arg0: i32, %arg1: i32, %arg2: memref<10008x128xf32, #tpu.memory_space<hbm>>, %arg3: memref<2x16x84x2x120xi32, #tpu.memory_space<hbm>>, %arg4: memref<632x128xf32, #tpu.memory_space<hbm>>, %arg5: memref<2x10112x128xf32, #tpu.memory_space<hbm>>, %arg6: memref<2x120xi32, #tpu.memory_space<vmem>>, %arg7: memref<2x120xi32, #tpu.memory_space<vmem>>, %arg8: memref<2x120xi32, #tpu.memory_space<vmem>>, %arg9: memref<120x128xf32, #tpu.memory_space<vmem>>, %arg10: memref<120x128xf32, #tpu.memory_space<vmem>>, %arg11: memref<120x128xf32, #tpu.memory_space<vmem>>, %arg12: memref<10112x128xf32, #tpu.memory_space<vmem_shared>>, %arg13: memref<!tpu.dma_semaphore, #tpu.memory_space<semaphore_mem>>, %arg14: memref<!tpu.dma_semaphore, #tpu.memory_space<semaphore_mem>>, %arg15: memref<!tpu.dma_semaphore, #tpu.memory_space<semaphore_mem>>, %arg16: memref<!tpu.dma_semaphore, #tpu.memory_space<semaphore_mem>>, %arg17: memref<!tpu.dma_semaphore, #tpu.memory_space<semaphore_mem>>, %arg18: memref<!tpu.dma_semaphore, #tpu.memory_space<semaphore_mem>>) attributes {dimension_semantics = [#tpu.dimension_semantics<core_parallel>, #tpu.dimension_semantics<subcore_parallel>], iteration_bounds = array<i64: 2, 16>, scalar_prefetch = 0 : i64, scratch_operands = 13 : i64, tpu.core_type = #tpu.core_type<sc_vector_subcore>, window_params = [{transform_indices = #map}, {transform_indices = #map1}, {transform_indices = #map}, {transform_indices = #map2}]} {
    %mul3A = arith.constant 632 : i32
    %mul3A_0 = arith.muli %arg1, %mul3A : i32
    "tpu.region"() ({
      %run_scoped3A_73 = tpu.sem_alloc : memref<!tpu.dma_semaphore, #tpu.memory_space<semaphore_mem>>
      %dma_start3A_74 = arith.constant 0 : i32
      %dma_start3A_75 = tpu.memref_slice %arg12[%mul3A_0, %dma_start3A_74] : memref<10112x128xf32, #tpu.memory_space<vmem_shared>> -> memref<632x128xf32, #tpu.memory_space<vmem_shared>>
      tpu.enqueue_dma source(%arg4 : memref<632x128xf32, #tpu.memory_space<hbm>>) target(%dma_start3A_75 : memref<632x128xf32, #tpu.memory_space<vmem_shared>>) target_semaphore(%run_scoped3A_73 : memref<!tpu.dma_semaphore, #tpu.memory_space<semaphore_mem>>)
      %dma_wait3A_76 = arith.constant 0 : i32
      %dma_wait3A_77 = tpu.memref_slice %arg12[%mul3A_0, %dma_wait3A_76] : memref<10112x128xf32, #tpu.memory_space<vmem_shared>> -> memref<632x128xf32, #tpu.memory_space<vmem_shared>>
      tpu.wait_dma2 semaphore(%run_scoped3A_73 : memref<!tpu.dma_semaphore, #tpu.memory_space<semaphore_mem>>) src(%arg4 : memref<632x128xf32, #tpu.memory_space<hbm>>) dst(%dma_wait3A_77 : memref<632x128xf32, #tpu.memory_space<vmem_shared>>)
      tpu.yield
    }) : () -> ()
    %barrier3A = arith.constant 0 : index
    tpu.barrier barrier_id(%barrier3A)
    %run_scoped3A = arith.constant 0 : i32
    "tpu.region"() ({
      %run_scoped3A_73 = tpu.sem_alloc : memref<!tpu.dma_semaphore, #tpu.memory_space<semaphore_mem>>
      %dma_start3A_74 = arith.constant 0 : i32
      %dma_start3A_75 = arith.constant 0 : i32
      %dma_start3A_76 = tpu.memref_slice %arg3[%arg0, %arg1, %run_scoped3A, %dma_start3A_74, %dma_start3A_75] : memref<2x16x84x2x120xi32, #tpu.memory_space<hbm>> -> memref<1x1x1x2x120xi32, #tpu.memory_space<hbm>>
      %dma_start3A_77 = tpu.memref_squeeze %dma_start3A_76 : memref<1x1x1x2x120xi32, #tpu.memory_space<hbm>> -> memref<2x120xi32, #tpu.memory_space<hbm>>
      %dma_start3A_78 = arith.constant 0 : i32
      %dma_start3A_79 = arith.constant 0 : i32
      %dma_start3A_80 = tpu.memref_slice %arg3[%arg0, %arg1, %run_scoped3A, %dma_start3A_78, %dma_start3A_79] : memref<2x16x84x2x120xi32, #tpu.memory_space<hbm>> -> memref<1x1x1x2x120xi32, #tpu.memory_space<hbm>>
      %dma_start3A_81 = tpu.memref_squeeze %dma_start3A_80 : memref<1x1x1x2x120xi32, #tpu.memory_space<hbm>> -> memref<2x120xi32, #tpu.memory_space<hbm>>
      tpu.enqueue_dma source(%dma_start3A_81 : memref<2x120xi32, #tpu.memory_space<hbm>>) target(%arg6 : memref<2x120xi32, #tpu.memory_space<vmem>>) target_semaphore(%run_scoped3A_73 : memref<!tpu.dma_semaphore, #tpu.memory_space<semaphore_mem>>)
      %dma_wait3A_82 = arith.constant 0 : i32
      %dma_wait3A_83 = arith.constant 0 : i32
      %dma_wait3A_84 = tpu.memref_slice %arg3[%arg0, %arg1, %run_scoped3A, %dma_wait3A_82, %dma_wait3A_83] : memref<2x16x84x2x120xi32, #tpu.memory_space<hbm>> -> memref<1x1x1x2x120xi32, #tpu.memory_space<hbm>>
      %dma_wait3A_85 = tpu.memref_squeeze %dma_wait3A_84 : memref<1x1x1x2x120xi32, #tpu.memory_space<hbm>> -> memref<2x120xi32, #tpu.memory_space<hbm>>
      %dma_wait3A_86 = arith.constant 0 : i32
      %dma_wait3A_87 = arith.constant 0 : i32
      %dma_wait3A_88 = tpu.memref_slice %arg3[%arg0, %arg1, %run_scoped3A, %dma_wait3A_86, %dma_wait3A_87] : memref<2x16x84x2x120xi32, #tpu.memory_space<hbm>> -> memref<1x1x1x2x120xi32, #tpu.memory_space<hbm>>
      %dma_wait3A_89 = tpu.memref_squeeze %dma_wait3A_88 : memref<1x1x1x2x120xi32, #tpu.memory_space<hbm>> -> memref<2x120xi32, #tpu.memory_space<hbm>>
      tpu.wait_dma2 semaphore(%run_scoped3A_73 : memref<!tpu.dma_semaphore, #tpu.memory_space<semaphore_mem>>) src(%dma_wait3A_89 : memref<2x120xi32, #tpu.memory_space<hbm>>) dst(%arg6 : memref<2x120xi32, #tpu.memory_space<vmem>>)
      tpu.yield
    }) : () -> ()
    %dma_start3A = arith.constant 0 : i32
    %dma_start3A_1 = arith.constant 0 : i32
    %dma_start3A_2 = tpu.memref_slice %arg6[%dma_start3A, %dma_start3A_1] : memref<2x120xi32, #tpu.memory_space<vmem>> -> memref<1x120xi32, #tpu.memory_space<vmem>>
    %dma_start3A_3 = tpu.memref_squeeze %dma_start3A_2 : memref<1x120xi32, #tpu.memory_space<vmem>> -> memref<120xi32, #tpu.memory_space<vmem>>
    %dma_start3A_4 = arith.constant 0 : i32
    %dma_start3A_5 = arith.constant 0 : i32
    %dma_start3A_6 = tpu.memref_slice %arg2[%dma_start3A_4, %dma_start3A_5] : memref<10008x128xf32, #tpu.memory_space<hbm>> -> memref<10008x128xf32, #tpu.memory_space<hbm>>
    tpu.enqueue_indirect_dma source(%dma_start3A_6 : memref<10008x128xf32, #tpu.memory_space<hbm>>) target(%arg9 : memref<120x128xf32, #tpu.memory_space<vmem>>) offsets(%dma_start3A_3 : memref<120xi32, #tpu.memory_space<vmem>>) semaphore(%arg16 : memref<!tpu.dma_semaphore, #tpu.memory_space<semaphore_mem>>)
    %run_scoped3A_7 = arith.constant 1 : i32
    "tpu.region"() ({
      %run_scoped3A_73 = tpu.sem_alloc : memref<!tpu.dma_semaphore, #tpu.memory_space<semaphore_mem>>
      %dma_start3A_74 = arith.constant 0 : i32
      %dma_start3A_75 = arith.constant 0 : i32
      %dma_start3A_76 = tpu.memref_slice %arg3[%arg0, %arg1, %run_scoped3A_7, %dma_start3A_74, %dma_start3A_75] : memref<2x16x84x2x120xi32, #tpu.memory_space<hbm>> -> memref<1x1x1x2x120xi32, #tpu.memory_space<hbm>>
      %dma_start3A_77 = tpu.memref_squeeze %dma_start3A_76 : memref<1x1x1x2x120xi32, #tpu.memory_space<hbm>> -> memref<2x120xi32, #tpu.memory_space<hbm>>
      %dma_start3A_78 = arith.constant 0 : i32
      %dma_start3A_79 = arith.constant 0 : i32
      %dma_start3A_80 = tpu.memref_slice %arg3[%arg0, %arg1, %run_scoped3A_7, %dma_start3A_78, %dma_start3A_79] : memref<2x16x84x2x120xi32, #tpu.memory_space<hbm>> -> memref<1x1x1x2x120xi32, #tpu.memory_space<hbm>>
      %dma_start3A_81 = tpu.memref_squeeze %dma_start3A_80 : memref<1x1x1x2x120xi32, #tpu.memory_space<hbm>> -> memref<2x120xi32, #tpu.memory_space<hbm>>
      tpu.enqueue_dma source(%dma_start3A_81 : memref<2x120xi32, #tpu.memory_space<hbm>>) target(%arg7 : memref<2x120xi32, #tpu.memory_space<vmem>>) target_semaphore(%run_scoped3A_73 : memref<!tpu.dma_semaphore, #tpu.memory_space<semaphore_mem>>)
      %dma_wait3A_82 = arith.constant 0 : i32
      %dma_wait3A_83 = arith.constant 0 : i32
      %dma_wait3A_84 = tpu.memref_slice %arg3[%arg0, %arg1, %run_scoped3A_7, %dma_wait3A_82, %dma_wait3A_83] : memref<2x16x84x2x120xi32, #tpu.memory_space<hbm>> -> memref<1x1x1x2x120xi32, #tpu.memory_space<hbm>>
      %dma_wait3A_85 = tpu.memref_squeeze %dma_wait3A_84 : memref<1x1x1x2x120xi32, #tpu.memory_space<hbm>> -> memref<2x120xi32, #tpu.memory_space<hbm>>
      %dma_wait3A_86 = arith.constant 0 : i32
      %dma_wait3A_87 = arith.constant 0 : i32
      %dma_wait3A_88 = tpu.memref_slice %arg3[%arg0, %arg1, %run_scoped3A_7, %dma_wait3A_86, %dma_wait3A_87] : memref<2x16x84x2x120xi32, #tpu.memory_space<hbm>> -> memref<1x1x1x2x120xi32, #tpu.memory_space<hbm>>
      %dma_wait3A_89 = tpu.memref_squeeze %dma_wait3A_88 : memref<1x1x1x2x120xi32, #tpu.memory_space<hbm>> -> memref<2x120xi32, #tpu.memory_space<hbm>>
      tpu.wait_dma2 semaphore(%run_scoped3A_73 : memref<!tpu.dma_semaphore, #tpu.memory_space<semaphore_mem>>) src(%dma_wait3A_89 : memref<2x120xi32, #tpu.memory_space<hbm>>) dst(%arg7 : memref<2x120xi32, #tpu.memory_space<vmem>>)
      tpu.yield
    }) : () -> ()
    %dma_start3A_8 = arith.constant 0 : i32
    %dma_start3A_9 = arith.constant 0 : i32
    %dma_start3A_10 = tpu.memref_slice %arg7[%dma_start3A_8, %dma_start3A_9] : memref<2x120xi32, #tpu.memory_space<vmem>> -> memref<1x120xi32, #tpu.memory_space<vmem>>
    %dma_start3A_11 = tpu.memref_squeeze %dma_start3A_10 : memref<1x120xi32, #tpu.memory_space<vmem>> -> memref<120xi32, #tpu.memory_space<vmem>>
    %dma_start3A_12 = arith.constant 0 : i32
    %dma_start3A_13 = arith.constant 0 : i32
    %dma_start3A_14 = tpu.memref_slice %arg2[%dma_start3A_12, %dma_start3A_13] : memref<10008x128xf32, #tpu.memory_space<hbm>> -> memref<10008x128xf32, #tpu.memory_space<hbm>>
    tpu.enqueue_indirect_dma source(%dma_start3A_14 : memref<10008x128xf32, #tpu.memory_space<hbm>>) target(%arg10 : memref<120x128xf32, #tpu.memory_space<vmem>>) offsets(%dma_start3A_11 : memref<120xi32, #tpu.memory_space<vmem>>) semaphore(%arg17 : memref<!tpu.dma_semaphore, #tpu.memory_space<semaphore_mem>>)
    %dma_start3A_15 = arith.constant 2 : i32
    %dma_start3A_16 = arith.constant 0 : i32
    %dma_start3A_17 = arith.constant 0 : i32
    %dma_start3A_18 = tpu.memref_slice %arg3[%arg0, %arg1, %dma_start3A_15, %dma_start3A_16, %dma_start3A_17] : memref<2x16x84x2x120xi32, #tpu.memory_space<hbm>> -> memref<1x1x1x2x120xi32, #tpu.memory_space<hbm>>
    %dma_start3A_19 = tpu.memref_squeeze %dma_start3A_18 : memref<1x1x1x2x120xi32, #tpu.memory_space<hbm>> -> memref<2x120xi32, #tpu.memory_space<hbm>>
    %dma_start3A_20 = arith.constant 0 : i32
    %dma_start3A_21 = arith.constant 0 : i32
    %dma_start3A_22 = tpu.memref_slice %arg3[%arg0, %arg1, %dma_start3A_15, %dma_start3A_20, %dma_start3A_21] : memref<2x16x84x2x120xi32, #tpu.memory_space<hbm>> -> memref<1x1x1x2x120xi32, #tpu.memory_space<hbm>>
    %dma_start3A_23 = tpu.memref_squeeze %dma_start3A_22 : memref<1x1x1x2x120xi32, #tpu.memory_space<hbm>> -> memref<2x120xi32, #tpu.memory_space<hbm>>
    tpu.enqueue_dma source(%dma_start3A_23 : memref<2x120xi32, #tpu.memory_space<hbm>>) target(%arg8 : memref<2x120xi32, #tpu.memory_space<vmem>>) target_semaphore(%arg15 : memref<!tpu.dma_semaphore, #tpu.memory_space<semaphore_mem>>)
    %scan3A = arith.constant 0 : i32
    %scan3A_24 = arith.constant 0 : i32
    %scan3A_25 = arith.constant 27 : i32
    %scan3A_26 = arith.addi %scan3A_24, %scan3A_25 : i32
    %scan3A_27 = arith.constant 1 : i32
    scf.for %scan3A_73 = %scan3A_24 to %scan3A_26 step %scan3A_27  : i32 {
      %mul3A_74 = arith.constant 3 : i32
      %mul3A_75 = arith.muli %scan3A_73, %mul3A_74 : i32
      %add3A = arith.constant 2 : i32
      %add3A_76 = arith.addi %mul3A_75, %add3A : i32
      %dma_wait3A_77 = arith.constant 0 : i32
      %dma_wait3A_78 = arith.constant 0 : i32
      %dma_wait3A_79 = tpu.memref_slice %arg3[%arg0, %arg1, %add3A_76, %dma_wait3A_77, %dma_wait3A_78] : memref<2x16x84x2x120xi32, #tpu.memory_space<hbm>> -> memref<1x1x1x2x120xi32, #tpu.memory_space<hbm>>
      %dma_wait3A_80 = tpu.memref_squeeze %dma_wait3A_79 : memref<1x1x1x2x120xi32, #tpu.memory_space<hbm>> -> memref<2x120xi32, #tpu.memory_space<hbm>>
      %dma_wait3A_81 = arith.constant 0 : i32
      %dma_wait3A_82 = arith.constant 0 : i32
      %dma_wait3A_83 = tpu.memref_slice %arg3[%arg0, %arg1, %add3A_76, %dma_wait3A_81, %dma_wait3A_82] : memref<2x16x84x2x120xi32, #tpu.memory_space<hbm>> -> memref<1x1x1x2x120xi32, #tpu.memory_space<hbm>>
      %dma_wait3A_84 = tpu.memref_squeeze %dma_wait3A_83 : memref<1x1x1x2x120xi32, #tpu.memory_space<hbm>> -> memref<2x120xi32, #tpu.memory_space<hbm>>
      tpu.wait_dma2 semaphore(%arg15 : memref<!tpu.dma_semaphore, #tpu.memory_space<semaphore_mem>>) src(%dma_wait3A_84 : memref<2x120xi32, #tpu.memory_space<hbm>>) dst(%arg8 : memref<2x120xi32, #tpu.memory_space<vmem>>)
      %dma_start3A_85 = arith.constant 0 : i32
      %dma_start3A_86 = arith.constant 0 : i32
      %dma_start3A_87 = tpu.memref_slice %arg8[%dma_start3A_85, %dma_start3A_86] : memref<2x120xi32, #tpu.memory_space<vmem>> -> memref<1x120xi32, #tpu.memory_space<vmem>>
      %dma_start3A_88 = tpu.memref_squeeze %dma_start3A_87 : memref<1x120xi32, #tpu.memory_space<vmem>> -> memref<120xi32, #tpu.memory_space<vmem>>
      %dma_start3A_89 = arith.constant 0 : i32
      %dma_start3A_90 = arith.constant 0 : i32
      %dma_start3A_91 = tpu.memref_slice %arg2[%dma_start3A_89, %dma_start3A_90] : memref<10008x128xf32, #tpu.memory_space<hbm>> -> memref<10008x128xf32, #tpu.memory_space<hbm>>
      tpu.enqueue_indirect_dma source(%dma_start3A_91 : memref<10008x128xf32, #tpu.memory_space<hbm>>) target(%arg11 : memref<120x128xf32, #tpu.memory_space<vmem>>) offsets(%dma_start3A_88 : memref<120xi32, #tpu.memory_space<vmem>>) semaphore(%arg18 : memref<!tpu.dma_semaphore, #tpu.memory_space<semaphore_mem>>)
      %dma_wait3A_92 = arith.constant 0 : i32
      %dma_wait3A_93 = arith.constant 0 : i32
      %dma_wait3A_94 = tpu.memref_slice %arg6[%dma_wait3A_92, %dma_wait3A_93] : memref<2x120xi32, #tpu.memory_space<vmem>> -> memref<1x120xi32, #tpu.memory_space<vmem>>
      %dma_wait3A_95 = tpu.memref_squeeze %dma_wait3A_94 : memref<1x120xi32, #tpu.memory_space<vmem>> -> memref<120xi32, #tpu.memory_space<vmem>>
      %dma_wait3A_96 = arith.constant 0 : i32
      %dma_wait3A_97 = arith.constant 0 : i32
      %dma_wait3A_98 = tpu.memref_slice %arg2[%dma_wait3A_96, %dma_wait3A_97] : memref<10008x128xf32, #tpu.memory_space<hbm>> -> memref<10008x128xf32, #tpu.memory_space<hbm>>
      tpu.wait_indirect_dma semaphore(%arg16 : memref<!tpu.dma_semaphore, #tpu.memory_space<semaphore_mem>>) src(%dma_wait3A_98 : memref<10008x128xf32, #tpu.memory_space<hbm>>) dst(%arg9 : memref<120x128xf32, #tpu.memory_space<vmem>>)
      %run_scoped3A_99 = arith.constant 1 : i32
      "tpu.region"() ({
        %run_scoped3A_180 = tpu.sem_alloc : memref<!tpu.dma_semaphore, #tpu.memory_space<semaphore_mem>>
        %dma_start3A_181 = arith.constant 0 : i32
        %dma_start3A_182 = tpu.memref_slice %arg6[%run_scoped3A_99, %dma_start3A_181] : memref<2x120xi32, #tpu.memory_space<vmem>> -> memref<1x120xi32, #tpu.memory_space<vmem>>
        %dma_start3A_183 = tpu.memref_squeeze %dma_start3A_182 : memref<1x120xi32, #tpu.memory_space<vmem>> -> memref<120xi32, #tpu.memory_space<vmem>>
        %dma_start3A_184 = arith.constant 0 : i32
        %dma_start3A_185 = arith.constant 0 : i32
        %dma_start3A_186 = tpu.memref_slice %arg12[%dma_start3A_184, %dma_start3A_185] : memref<10112x128xf32, #tpu.memory_space<vmem_shared>> -> memref<10112x128xf32, #tpu.memory_space<vmem_shared>>
        tpu.enqueue_indirect_dma source(%arg9 : memref<120x128xf32, #tpu.memory_space<vmem>>) target(%dma_start3A_186 : memref<10112x128xf32, #tpu.memory_space<vmem_shared>>) offsets(%dma_start3A_183 : memref<120xi32, #tpu.memory_space<vmem>>) semaphore(%run_scoped3A_180 : memref<!tpu.dma_semaphore, #tpu.memory_space<semaphore_mem>>) {add = true}
        %dma_wait3A_187 = arith.constant 0 : i32
        %dma_wait3A_188 = tpu.memref_slice %arg6[%run_scoped3A_99, %dma_wait3A_187] : memref<2x120xi32, #tpu.memory_space<vmem>> -> memref<1x120xi32, #tpu.memory_space<vmem>>
        %dma_wait3A_189 = tpu.memref_squeeze %dma_wait3A_188 : memref<1x120xi32, #tpu.memory_space<vmem>> -> memref<120xi32, #tpu.memory_space<vmem>>
        %dma_wait3A_190 = arith.constant 0 : i32
        %dma_wait3A_191 = arith.constant 0 : i32
        %dma_wait3A_192 = tpu.memref_slice %arg12[%dma_wait3A_190, %dma_wait3A_191] : memref<10112x128xf32, #tpu.memory_space<vmem_shared>> -> memref<10112x128xf32, #tpu.memory_space<vmem_shared>>
        tpu.wait_indirect_dma semaphore(%run_scoped3A_180 : memref<!tpu.dma_semaphore, #tpu.memory_space<semaphore_mem>>) src(%arg9 : memref<120x128xf32, #tpu.memory_space<vmem>>) dst(%dma_wait3A_192 : memref<10112x128xf32, #tpu.memory_space<vmem_shared>>)
        tpu.yield
      }) : () -> ()
      %add3A_100 = arith.constant 3 : i32
      %add3A_101 = arith.addi %mul3A_75, %add3A_100 : i32
      %dma_start3A_102 = arith.constant 0 : i32
      %dma_start3A_103 = arith.constant 0 : i32
      %dma_start3A_104 = tpu.memref_slice %arg3[%arg0, %arg1, %add3A_101, %dma_start3A_102, %dma_start3A_103] : memref<2x16x84x2x120xi32, #tpu.memory_space<hbm>> -> memref<1x1x1x2x120xi32, #tpu.memory_space<hbm>>
      %dma_start3A_105 = tpu.memref_squeeze %dma_start3A_104 : memref<1x1x1x2x120xi32, #tpu.memory_space<hbm>> -> memref<2x120xi32, #tpu.memory_space<hbm>>
      %dma_start3A_106 = arith.constant 0 : i32
      %dma_start3A_107 = arith.constant 0 : i32
      %dma_start3A_108 = tpu.memref_slice %arg3[%arg0, %arg1, %add3A_101, %dma_start3A_106, %dma_start3A_107] : memref<2x16x84x2x120xi32, #tpu.memory_space<hbm>> -> memref<1x1x1x2x120xi32, #tpu.memory_space<hbm>>
      %dma_start3A_109 = tpu.memref_squeeze %dma_start3A_108 : memref<1x1x1x2x120xi32, #tpu.memory_space<hbm>> -> memref<2x120xi32, #tpu.memory_space<hbm>>
      tpu.enqueue_dma source(%dma_start3A_109 : memref<2x120xi32, #tpu.memory_space<hbm>>) target(%arg6 : memref<2x120xi32, #tpu.memory_space<vmem>>) target_semaphore(%arg13 : memref<!tpu.dma_semaphore, #tpu.memory_space<semaphore_mem>>)
      %add3A_110 = arith.constant 3 : i32
      %add3A_111 = arith.addi %mul3A_75, %add3A_110 : i32
      %dma_wait3A_112 = arith.constant 0 : i32
      %dma_wait3A_113 = arith.constant 0 : i32
      %dma_wait3A_114 = tpu.memref_slice %arg3[%arg0, %arg1, %add3A_111, %dma_wait3A_112, %dma_wait3A_113] : memref<2x16x84x2x120xi32, #tpu.memory_space<hbm>> -> memref<1x1x1x2x120xi32, #tpu.memory_space<hbm>>
      %dma_wait3A_115 = tpu.memref_squeeze %dma_wait3A_114 : memref<1x1x1x2x120xi32, #tpu.memory_space<hbm>> -> memref<2x120xi32, #tpu.memory_space<hbm>>
      %dma_wait3A_116 = arith.constant 0 : i32
      %dma_wait3A_117 = arith.constant 0 : i32
      %dma_wait3A_118 = tpu.memref_slice %arg3[%arg0, %arg1, %add3A_111, %dma_wait3A_116, %dma_wait3A_117] : memref<2x16x84x2x120xi32, #tpu.memory_space<hbm>> -> memref<1x1x1x2x120xi32, #tpu.memory_space<hbm>>
      %dma_wait3A_119 = tpu.memref_squeeze %dma_wait3A_118 : memref<1x1x1x2x120xi32, #tpu.memory_space<hbm>> -> memref<2x120xi32, #tpu.memory_space<hbm>>
      tpu.wait_dma2 semaphore(%arg13 : memref<!tpu.dma_semaphore, #tpu.memory_space<semaphore_mem>>) src(%dma_wait3A_119 : memref<2x120xi32, #tpu.memory_space<hbm>>) dst(%arg6 : memref<2x120xi32, #tpu.memory_space<vmem>>)
      %dma_start3A_120 = arith.constant 0 : i32
      %dma_start3A_121 = arith.constant 0 : i32
      %dma_start3A_122 = tpu.memref_slice %arg6[%dma_start3A_120, %dma_start3A_121] : memref<2x120xi32, #tpu.memory_space<vmem>> -> memref<1x120xi32, #tpu.memory_space<vmem>>
      %dma_start3A_123 = tpu.memref_squeeze %dma_start3A_122 : memref<1x120xi32, #tpu.memory_space<vmem>> -> memref<120xi32, #tpu.memory_space<vmem>>
      %dma_start3A_124 = arith.constant 0 : i32
      %dma_start3A_125 = arith.constant 0 : i32
      %dma_start3A_126 = tpu.memref_slice %arg2[%dma_start3A_124, %dma_start3A_125] : memref<10008x128xf32, #tpu.memory_space<hbm>> -> memref<10008x128xf32, #tpu.memory_space<hbm>>
      tpu.enqueue_indirect_dma source(%dma_start3A_126 : memref<10008x128xf32, #tpu.memory_space<hbm>>) target(%arg9 : memref<120x128xf32, #tpu.memory_space<vmem>>) offsets(%dma_start3A_123 : memref<120xi32, #tpu.memory_space<vmem>>) semaphore(%arg16 : memref<!tpu.dma_semaphore, #tpu.memory_space<semaphore_mem>>)
      %dma_wait3A_127 = arith.constant 0 : i32
      %dma_wait3A_128 = arith.constant 0 : i32
      %dma_wait3A_129 = tpu.memref_slice %arg7[%dma_wait3A_127, %dma_wait3A_128] : memref<2x120xi32, #tpu.memory_space<vmem>> -> memref<1x120xi32, #tpu.memory_space<vmem>>
      %dma_wait3A_130 = tpu.memref_squeeze %dma_wait3A_129 : memref<1x120xi32, #tpu.memory_space<vmem>> -> memref<120xi32, #tpu.memory_space<vmem>>
      %dma_wait3A_131 = arith.constant 0 : i32
      %dma_wait3A_132 = arith.constant 0 : i32
      %dma_wait3A_133 = tpu.memref_slice %arg2[%dma_wait3A_131, %dma_wait3A_132] : memref<10008x128xf32, #tpu.memory_space<hbm>> -> memref<10008x128xf32, #tpu.memory_space<hbm>>
      tpu.wait_indirect_dma semaphore(%arg17 : memref<!tpu.dma_semaphore, #tpu.memory_space<semaphore_mem>>) src(%dma_wait3A_133 : memref<10008x128xf32, #tpu.memory_space<hbm>>) dst(%arg10 : memref<120x128xf32, #tpu.memory_space<vmem>>)
      %run_scoped3A_134 = arith.constant 1 : i32
      "tpu.region"() ({
        %run_scoped3A_180 = tpu.sem_alloc : memref<!tpu.dma_semaphore, #tpu.memory_space<semaphore_mem>>
        %dma_start3A_181 = arith.constant 0 : i32
        %dma_start3A_182 = tpu.memref_slice %arg7[%run_scoped3A_134, %dma_start3A_181] : memref<2x120xi32, #tpu.memory_space<vmem>> -> memref<1x120xi32, #tpu.memory_space<vmem>>
        %dma_start3A_183 = tpu.memref_squeeze %dma_start3A_182 : memref<1x120xi32, #tpu.memory_space<vmem>> -> memref<120xi32, #tpu.memory_space<vmem>>
        %dma_start3A_184 = arith.constant 0 : i32
        %dma_start3A_185 = arith.constant 0 : i32
        %dma_start3A_186 = tpu.memref_slice %arg12[%dma_start3A_184, %dma_start3A_185] : memref<10112x128xf32, #tpu.memory_space<vmem_shared>> -> memref<10112x128xf32, #tpu.memory_space<vmem_shared>>
        tpu.enqueue_indirect_dma source(%arg10 : memref<120x128xf32, #tpu.memory_space<vmem>>) target(%dma_start3A_186 : memref<10112x128xf32, #tpu.memory_space<vmem_shared>>) offsets(%dma_start3A_183 : memref<120xi32, #tpu.memory_space<vmem>>) semaphore(%run_scoped3A_180 : memref<!tpu.dma_semaphore, #tpu.memory_space<semaphore_mem>>) {add = true}
        %dma_wait3A_187 = arith.constant 0 : i32
        %dma_wait3A_188 = tpu.memref_slice %arg7[%run_scoped3A_134, %dma_wait3A_187] : memref<2x120xi32, #tpu.memory_space<vmem>> -> memref<1x120xi32, #tpu.memory_space<vmem>>
        %dma_wait3A_189 = tpu.memref_squeeze %dma_wait3A_188 : memref<1x120xi32, #tpu.memory_space<vmem>> -> memref<120xi32, #tpu.memory_space<vmem>>
        %dma_wait3A_190 = arith.constant 0 : i32
        %dma_wait3A_191 = arith.constant 0 : i32
        %dma_wait3A_192 = tpu.memref_slice %arg12[%dma_wait3A_190, %dma_wait3A_191] : memref<10112x128xf32, #tpu.memory_space<vmem_shared>> -> memref<10112x128xf32, #tpu.memory_space<vmem_shared>>
        tpu.wait_indirect_dma semaphore(%run_scoped3A_180 : memref<!tpu.dma_semaphore, #tpu.memory_space<semaphore_mem>>) src(%arg10 : memref<120x128xf32, #tpu.memory_space<vmem>>) dst(%dma_wait3A_192 : memref<10112x128xf32, #tpu.memory_space<vmem_shared>>)
        tpu.yield
      }) : () -> ()
      %add3A_135 = arith.constant 4 : i32
      %add3A_136 = arith.addi %mul3A_75, %add3A_135 : i32
      %dma_start3A_137 = arith.constant 0 : i32
      %dma_start3A_138 = arith.constant 0 : i32
      %dma_start3A_139 = tpu.memref_slice %arg3[%arg0, %arg1, %add3A_136, %dma_start3A_137, %dma_start3A_138] : memref<2x16x84x2x120xi32, #tpu.memory_space<hbm>> -> memref<1x1x1x2x120xi32, #tpu.memory_space<hbm>>
      %dma_start3A_140 = tpu.memref_squeeze %dma_start3A_139 : memref<1x1x1x2x120xi32, #tpu.memory_space<hbm>> -> memref<2x120xi32, #tpu.memory_space<hbm>>
      %dma_start3A_141 = arith.constant 0 : i32
      %dma_start3A_142 = arith.constant 0 : i32
      %dma_start3A_143 = tpu.memref_slice %arg3[%arg0, %arg1, %add3A_136, %dma_start3A_141, %dma_start3A_142] : memref<2x16x84x2x120xi32, #tpu.memory_space<hbm>> -> memref<1x1x1x2x120xi32, #tpu.memory_space<hbm>>
      %dma_start3A_144 = tpu.memref_squeeze %dma_start3A_143 : memref<1x1x1x2x120xi32, #tpu.memory_space<hbm>> -> memref<2x120xi32, #tpu.memory_space<hbm>>
      tpu.enqueue_dma source(%dma_start3A_144 : memref<2x120xi32, #tpu.memory_space<hbm>>) target(%arg7 : memref<2x120xi32, #tpu.memory_space<vmem>>) target_semaphore(%arg14 : memref<!tpu.dma_semaphore, #tpu.memory_space<semaphore_mem>>)
      %add3A_145 = arith.constant 4 : i32
      %add3A_146 = arith.addi %mul3A_75, %add3A_145 : i32
      %dma_wait3A_147 = arith.constant 0 : i32
      %dma_wait3A_148 = arith.constant 0 : i32
      %dma_wait3A_149 = tpu.memref_slice %arg3[%arg0, %arg1, %add3A_146, %dma_wait3A_147, %dma_wait3A_148] : memref<2x16x84x2x120xi32, #tpu.memory_space<hbm>> -> memref<1x1x1x2x120xi32, #tpu.memory_space<hbm>>
      %dma_wait3A_150 = tpu.memref_squeeze %dma_wait3A_149 : memref<1x1x1x2x120xi32, #tpu.memory_space<hbm>> -> memref<2x120xi32, #tpu.memory_space<hbm>>
      %dma_wait3A_151 = arith.constant 0 : i32
      %dma_wait3A_152 = arith.constant 0 : i32
      %dma_wait3A_153 = tpu.memref_slice %arg3[%arg0, %arg1, %add3A_146, %dma_wait3A_151, %dma_wait3A_152] : memref<2x16x84x2x120xi32, #tpu.memory_space<hbm>> -> memref<1x1x1x2x120xi32, #tpu.memory_space<hbm>>
      %dma_wait3A_154 = tpu.memref_squeeze %dma_wait3A_153 : memref<1x1x1x2x120xi32, #tpu.memory_space<hbm>> -> memref<2x120xi32, #tpu.memory_space<hbm>>
      tpu.wait_dma2 semaphore(%arg14 : memref<!tpu.dma_semaphore, #tpu.memory_space<semaphore_mem>>) src(%dma_wait3A_154 : memref<2x120xi32, #tpu.memory_space<hbm>>) dst(%arg7 : memref<2x120xi32, #tpu.memory_space<vmem>>)
      %dma_start3A_155 = arith.constant 0 : i32
      %dma_start3A_156 = arith.constant 0 : i32
      %dma_start3A_157 = tpu.memref_slice %arg7[%dma_start3A_155, %dma_start3A_156] : memref<2x120xi32, #tpu.memory_space<vmem>> -> memref<1x120xi32, #tpu.memory_space<vmem>>
      %dma_start3A_158 = tpu.memref_squeeze %dma_start3A_157 : memref<1x120xi32, #tpu.memory_space<vmem>> -> memref<120xi32, #tpu.memory_space<vmem>>
      %dma_start3A_159 = arith.constant 0 : i32
      %dma_start3A_160 = arith.constant 0 : i32
      %dma_start3A_161 = tpu.memref_slice %arg2[%dma_start3A_159, %dma_start3A_160] : memref<10008x128xf32, #tpu.memory_space<hbm>> -> memref<10008x128xf32, #tpu.memory_space<hbm>>
      tpu.enqueue_indirect_dma source(%dma_start3A_161 : memref<10008x128xf32, #tpu.memory_space<hbm>>) target(%arg10 : memref<120x128xf32, #tpu.memory_space<vmem>>) offsets(%dma_start3A_158 : memref<120xi32, #tpu.memory_space<vmem>>) semaphore(%arg17 : memref<!tpu.dma_semaphore, #tpu.memory_space<semaphore_mem>>)
      %dma_wait3A_162 = arith.constant 0 : i32
      %dma_wait3A_163 = arith.constant 0 : i32
      %dma_wait3A_164 = tpu.memref_slice %arg8[%dma_wait3A_162, %dma_wait3A_163] : memref<2x120xi32, #tpu.memory_space<vmem>> -> memref<1x120xi32, #tpu.memory_space<vmem>>
      %dma_wait3A_165 = tpu.memref_squeeze %dma_wait3A_164 : memref<1x120xi32, #tpu.memory_space<vmem>> -> memref<120xi32, #tpu.memory_space<vmem>>
      %dma_wait3A_166 = arith.constant 0 : i32
      %dma_wait3A_167 = arith.constant 0 : i32
      %dma_wait3A_168 = tpu.memref_slice %arg2[%dma_wait3A_166, %dma_wait3A_167] : memref<10008x128xf32, #tpu.memory_space<hbm>> -> memref<10008x128xf32, #tpu.memory_space<hbm>>
      tpu.wait_indirect_dma semaphore(%arg18 : memref<!tpu.dma_semaphore, #tpu.memory_space<semaphore_mem>>) src(%dma_wait3A_168 : memref<10008x128xf32, #tpu.memory_space<hbm>>) dst(%arg11 : memref<120x128xf32, #tpu.memory_space<vmem>>)
      %run_scoped3A_169 = arith.constant 1 : i32
      "tpu.region"() ({
        %run_scoped3A_180 = tpu.sem_alloc : memref<!tpu.dma_semaphore, #tpu.memory_space<semaphore_mem>>
        %dma_start3A_181 = arith.constant 0 : i32
        %dma_start3A_182 = tpu.memref_slice %arg8[%run_scoped3A_169, %dma_start3A_181] : memref<2x120xi32, #tpu.memory_space<vmem>> -> memref<1x120xi32, #tpu.memory_space<vmem>>
        %dma_start3A_183 = tpu.memref_squeeze %dma_start3A_182 : memref<1x120xi32, #tpu.memory_space<vmem>> -> memref<120xi32, #tpu.memory_space<vmem>>
        %dma_start3A_184 = arith.constant 0 : i32
        %dma_start3A_185 = arith.constant 0 : i32
        %dma_start3A_186 = tpu.memref_slice %arg12[%dma_start3A_184, %dma_start3A_185] : memref<10112x128xf32, #tpu.memory_space<vmem_shared>> -> memref<10112x128xf32, #tpu.memory_space<vmem_shared>>
        tpu.enqueue_indirect_dma source(%arg11 : memref<120x128xf32, #tpu.memory_space<vmem>>) target(%dma_start3A_186 : memref<10112x128xf32, #tpu.memory_space<vmem_shared>>) offsets(%dma_start3A_183 : memref<120xi32, #tpu.memory_space<vmem>>) semaphore(%run_scoped3A_180 : memref<!tpu.dma_semaphore, #tpu.memory_space<semaphore_mem>>) {add = true}
        %dma_wait3A_187 = arith.constant 0 : i32
        %dma_wait3A_188 = tpu.memref_slice %arg8[%run_scoped3A_169, %dma_wait3A_187] : memref<2x120xi32, #tpu.memory_space<vmem>> -> memref<1x120xi32, #tpu.memory_space<vmem>>
        %dma_wait3A_189 = tpu.memref_squeeze %dma_wait3A_188 : memref<1x120xi32, #tpu.memory_space<vmem>> -> memref<120xi32, #tpu.memory_space<vmem>>
        %dma_wait3A_190 = arith.constant 0 : i32
        %dma_wait3A_191 = arith.constant 0 : i32
        %dma_wait3A_192 = tpu.memref_slice %arg12[%dma_wait3A_190, %dma_wait3A_191] : memref<10112x128xf32, #tpu.memory_space<vmem_shared>> -> memref<10112x128xf32, #tpu.memory_space<vmem_shared>>
        tpu.wait_indirect_dma semaphore(%run_scoped3A_180 : memref<!tpu.dma_semaphore, #tpu.memory_space<semaphore_mem>>) src(%arg11 : memref<120x128xf32, #tpu.memory_space<vmem>>) dst(%dma_wait3A_192 : memref<10112x128xf32, #tpu.memory_space<vmem_shared>>)
        tpu.yield
      }) : () -> ()
      %add3A_170 = arith.constant 5 : i32
      %add3A_171 = arith.addi %mul3A_75, %add3A_170 : i32
      %dma_start3A_172 = arith.constant 0 : i32
      %dma_start3A_173 = arith.constant 0 : i32
      %dma_start3A_174 = tpu.memref_slice %arg3[%arg0, %arg1, %add3A_171, %dma_start3A_172, %dma_start3A_173] : memref<2x16x84x2x120xi32, #tpu.memory_space<hbm>> -> memref<1x1x1x2x120xi32, #tpu.memory_space<hbm>>
      %dma_start3A_175 = tpu.memref_squeeze %dma_start3A_174 : memref<1x1x1x2x120xi32, #tpu.memory_space<hbm>> -> memref<2x120xi32, #tpu.memory_space<hbm>>
      %dma_start3A_176 = arith.constant 0 : i32
      %dma_start3A_177 = arith.constant 0 : i32
      %dma_start3A_178 = tpu.memref_slice %arg3[%arg0, %arg1, %add3A_171, %dma_start3A_176, %dma_start3A_177] : memref<2x16x84x2x120xi32, #tpu.memory_space<hbm>> -> memref<1x1x1x2x120xi32, #tpu.memory_space<hbm>>
      %dma_start3A_179 = tpu.memref_squeeze %dma_start3A_178 : memref<1x1x1x2x120xi32, #tpu.memory_space<hbm>> -> memref<2x120xi32, #tpu.memory_space<hbm>>
      tpu.enqueue_dma source(%dma_start3A_179 : memref<2x120xi32, #tpu.memory_space<hbm>>) target(%arg8 : memref<2x120xi32, #tpu.memory_space<vmem>>) target_semaphore(%arg15 : memref<!tpu.dma_semaphore, #tpu.memory_space<semaphore_mem>>)
    }
    %scan3A_28 = arith.constant 27 : i32
    %dma_wait3A = arith.constant 83 : i32
    %dma_wait3A_29 = arith.constant 0 : i32
    %dma_wait3A_30 = arith.constant 0 : i32
    %dma_wait3A_31 = tpu.memref_slice %arg3[%arg0, %arg1, %dma_wait3A, %dma_wait3A_29, %dma_wait3A_30] : memref<2x16x84x2x120xi32, #tpu.memory_space<hbm>> -> memref<1x1x1x2x120xi32, #tpu.memory_space<hbm>>
    %dma_wait3A_32 = tpu.memref_squeeze %dma_wait3A_31 : memref<1x1x1x2x120xi32, #tpu.memory_space<hbm>> -> memref<2x120xi32, #tpu.memory_space<hbm>>
    %dma_wait3A_33 = arith.constant 0 : i32
    %dma_wait3A_34 = arith.constant 0 : i32
    %dma_wait3A_35 = tpu.memref_slice %arg3[%arg0, %arg1, %dma_wait3A, %dma_wait3A_33, %dma_wait3A_34] : memref<2x16x84x2x120xi32, #tpu.memory_space<hbm>> -> memref<1x1x1x2x120xi32, #tpu.memory_space<hbm>>
    %dma_wait3A_36 = tpu.memref_squeeze %dma_wait3A_35 : memref<1x1x1x2x120xi32, #tpu.memory_space<hbm>> -> memref<2x120xi32, #tpu.memory_space<hbm>>
    tpu.wait_dma2 semaphore(%arg15 : memref<!tpu.dma_semaphore, #tpu.memory_space<semaphore_mem>>) src(%dma_wait3A_36 : memref<2x120xi32, #tpu.memory_space<hbm>>) dst(%arg8 : memref<2x120xi32, #tpu.memory_space<vmem>>)
    %dma_start3A_37 = arith.constant 0 : i32
    %dma_start3A_38 = arith.constant 0 : i32
    %dma_start3A_39 = tpu.memref_slice %arg8[%dma_start3A_37, %dma_start3A_38] : memref<2x120xi32, #tpu.memory_space<vmem>> -> memref<1x120xi32, #tpu.memory_space<vmem>>
    %dma_start3A_40 = tpu.memref_squeeze %dma_start3A_39 : memref<1x120xi32, #tpu.memory_space<vmem>> -> memref<120xi32, #tpu.memory_space<vmem>>
    %dma_start3A_41 = arith.constant 0 : i32
    %dma_start3A_42 = arith.constant 0 : i32
    %dma_start3A_43 = tpu.memref_slice %arg2[%dma_start3A_41, %dma_start3A_42] : memref<10008x128xf32, #tpu.memory_space<hbm>> -> memref<10008x128xf32, #tpu.memory_space<hbm>>
    tpu.enqueue_indirect_dma source(%dma_start3A_43 : memref<10008x128xf32, #tpu.memory_space<hbm>>) target(%arg11 : memref<120x128xf32, #tpu.memory_space<vmem>>) offsets(%dma_start3A_40 : memref<120xi32, #tpu.memory_space<vmem>>) semaphore(%arg18 : memref<!tpu.dma_semaphore, #tpu.memory_space<semaphore_mem>>)
    %dma_wait3A_44 = arith.constant 0 : i32
    %dma_wait3A_45 = arith.constant 0 : i32
    %dma_wait3A_46 = tpu.memref_slice %arg6[%dma_wait3A_44, %dma_wait3A_45] : memref<2x120xi32, #tpu.memory_space<vmem>> -> memref<1x120xi32, #tpu.memory_space<vmem>>
    %dma_wait3A_47 = tpu.memref_squeeze %dma_wait3A_46 : memref<1x120xi32, #tpu.memory_space<vmem>> -> memref<120xi32, #tpu.memory_space<vmem>>
    %dma_wait3A_48 = arith.constant 0 : i32
    %dma_wait3A_49 = arith.constant 0 : i32
    %dma_wait3A_50 = tpu.memref_slice %arg2[%dma_wait3A_48, %dma_wait3A_49] : memref<10008x128xf32, #tpu.memory_space<hbm>> -> memref<10008x128xf32, #tpu.memory_space<hbm>>
    tpu.wait_indirect_dma semaphore(%arg16 : memref<!tpu.dma_semaphore, #tpu.memory_space<semaphore_mem>>) src(%dma_wait3A_50 : memref<10008x128xf32, #tpu.memory_space<hbm>>) dst(%arg9 : memref<120x128xf32, #tpu.memory_space<vmem>>)
    %run_scoped3A_51 = arith.constant 1 : i32
    "tpu.region"() ({
      %run_scoped3A_73 = tpu.sem_alloc : memref<!tpu.dma_semaphore, #tpu.memory_space<semaphore_mem>>
      %dma_start3A_74 = arith.constant 0 : i32
      %dma_start3A_75 = tpu.memref_slice %arg6[%run_scoped3A_51, %dma_start3A_74] : memref<2x120xi32, #tpu.memory_space<vmem>> -> memref<1x120xi32, #tpu.memory_space<vmem>>
      %dma_start3A_76 = tpu.memref_squeeze %dma_start3A_75 : memref<1x120xi32, #tpu.memory_space<vmem>> -> memref<120xi32, #tpu.memory_space<vmem>>
      %dma_start3A_77 = arith.constant 0 : i32
      %dma_start3A_78 = arith.constant 0 : i32
      %dma_start3A_79 = tpu.memref_slice %arg12[%dma_start3A_77, %dma_start3A_78] : memref<10112x128xf32, #tpu.memory_space<vmem_shared>> -> memref<10112x128xf32, #tpu.memory_space<vmem_shared>>
      tpu.enqueue_indirect_dma source(%arg9 : memref<120x128xf32, #tpu.memory_space<vmem>>) target(%dma_start3A_79 : memref<10112x128xf32, #tpu.memory_space<vmem_shared>>) offsets(%dma_start3A_76 : memref<120xi32, #tpu.memory_space<vmem>>) semaphore(%run_scoped3A_73 : memref<!tpu.dma_semaphore, #tpu.memory_space<semaphore_mem>>) {add = true}
      %dma_wait3A_80 = arith.constant 0 : i32
      %dma_wait3A_81 = tpu.memref_slice %arg6[%run_scoped3A_51, %dma_wait3A_80] : memref<2x120xi32, #tpu.memory_space<vmem>> -> memref<1x120xi32, #tpu.memory_space<vmem>>
      %dma_wait3A_82 = tpu.memref_squeeze %dma_wait3A_81 : memref<1x120xi32, #tpu.memory_space<vmem>> -> memref<120xi32, #tpu.memory_space<vmem>>
      %dma_wait3A_83 = arith.constant 0 : i32
      %dma_wait3A_84 = arith.constant 0 : i32
      %dma_wait3A_85 = tpu.memref_slice %arg12[%dma_wait3A_83, %dma_wait3A_84] : memref<10112x128xf32, #tpu.memory_space<vmem_shared>> -> memref<10112x128xf32, #tpu.memory_space<vmem_shared>>
      tpu.wait_indirect_dma semaphore(%run_scoped3A_73 : memref<!tpu.dma_semaphore, #tpu.memory_space<semaphore_mem>>) src(%arg9 : memref<120x128xf32, #tpu.memory_space<vmem>>) dst(%dma_wait3A_85 : memref<10112x128xf32, #tpu.memory_space<vmem_shared>>)
      tpu.yield
    }) : () -> ()
    %dma_wait3A_52 = arith.constant 0 : i32
    %dma_wait3A_53 = arith.constant 0 : i32
    %dma_wait3A_54 = tpu.memref_slice %arg7[%dma_wait3A_52, %dma_wait3A_53] : memref<2x120xi32, #tpu.memory_space<vmem>> -> memref<1x120xi32, #tpu.memory_space<vmem>>
    %dma_wait3A_55 = tpu.memref_squeeze %dma_wait3A_54 : memref<1x120xi32, #tpu.memory_space<vmem>> -> memref<120xi32, #tpu.memory_space<vmem>>
    %dma_wait3A_56 = arith.constant 0 : i32
    %dma_wait3A_57 = arith.constant 0 : i32
    %dma_wait3A_58 = tpu.memref_slice %arg2[%dma_wait3A_56, %dma_wait3A_57] : memref<10008x128xf32, #tpu.memory_space<hbm>> -> memref<10008x128xf32, #tpu.memory_space<hbm>>
    tpu.wait_indirect_dma semaphore(%arg17 : memref<!tpu.dma_semaphore, #tpu.memory_space<semaphore_mem>>) src(%dma_wait3A_58 : memref<10008x128xf32, #tpu.memory_space<hbm>>) dst(%arg10 : memref<120x128xf32, #tpu.memory_space<vmem>>)
    %run_scoped3A_59 = arith.constant 1 : i32
    "tpu.region"() ({
      %run_scoped3A_73 = tpu.sem_alloc : memref<!tpu.dma_semaphore, #tpu.memory_space<semaphore_mem>>
      %dma_start3A_74 = arith.constant 0 : i32
      %dma_start3A_75 = tpu.memref_slice %arg7[%run_scoped3A_59, %dma_start3A_74] : memref<2x120xi32, #tpu.memory_space<vmem>> -> memref<1x120xi32, #tpu.memory_space<vmem>>
      %dma_start3A_76 = tpu.memref_squeeze %dma_start3A_75 : memref<1x120xi32, #tpu.memory_space<vmem>> -> memref<120xi32, #tpu.memory_space<vmem>>
      %dma_start3A_77 = arith.constant 0 : i32
      %dma_start3A_78 = arith.constant 0 : i32
      %dma_start3A_79 = tpu.memref_slice %arg12[%dma_start3A_77, %dma_start3A_78] : memref<10112x128xf32, #tpu.memory_space<vmem_shared>> -> memref<10112x128xf32, #tpu.memory_space<vmem_shared>>
      tpu.enqueue_indirect_dma source(%arg10 : memref<120x128xf32, #tpu.memory_space<vmem>>) target(%dma_start3A_79 : memref<10112x128xf32, #tpu.memory_space<vmem_shared>>) offsets(%dma_start3A_76 : memref<120xi32, #tpu.memory_space<vmem>>) semaphore(%run_scoped3A_73 : memref<!tpu.dma_semaphore, #tpu.memory_space<semaphore_mem>>) {add = true}
      %dma_wait3A_80 = arith.constant 0 : i32
      %dma_wait3A_81 = tpu.memref_slice %arg7[%run_scoped3A_59, %dma_wait3A_80] : memref<2x120xi32, #tpu.memory_space<vmem>> -> memref<1x120xi32, #tpu.memory_space<vmem>>
      %dma_wait3A_82 = tpu.memref_squeeze %dma_wait3A_81 : memref<1x120xi32, #tpu.memory_space<vmem>> -> memref<120xi32, #tpu.memory_space<vmem>>
      %dma_wait3A_83 = arith.constant 0 : i32
      %dma_wait3A_84 = arith.constant 0 : i32
      %dma_wait3A_85 = tpu.memref_slice %arg12[%dma_wait3A_83, %dma_wait3A_84] : memref<10112x128xf32, #tpu.memory_space<vmem_shared>> -> memref<10112x128xf32, #tpu.memory_space<vmem_shared>>
      tpu.wait_indirect_dma semaphore(%run_scoped3A_73 : memref<!tpu.dma_semaphore, #tpu.memory_space<semaphore_mem>>) src(%arg10 : memref<120x128xf32, #tpu.memory_space<vmem>>) dst(%dma_wait3A_85 : memref<10112x128xf32, #tpu.memory_space<vmem_shared>>)
      tpu.yield
    }) : () -> ()
    %dma_wait3A_60 = arith.constant 0 : i32
    %dma_wait3A_61 = arith.constant 0 : i32
    %dma_wait3A_62 = tpu.memref_slice %arg8[%dma_wait3A_60, %dma_wait3A_61] : memref<2x120xi32, #tpu.memory_space<vmem>> -> memref<1x120xi32, #tpu.memory_space<vmem>>
    %dma_wait3A_63 = tpu.memref_squeeze %dma_wait3A_62 : memref<1x120xi32, #tpu.memory_space<vmem>> -> memref<120xi32, #tpu.memory_space<vmem>>
    %dma_wait3A_64 = arith.constant 0 : i32
    %dma_wait3A_65 = arith.constant 0 : i32
    %dma_wait3A_66 = tpu.memref_slice %arg2[%dma_wait3A_64, %dma_wait3A_65] : memref<10008x128xf32, #tpu.memory_space<hbm>> -> memref<10008x128xf32, #tpu.memory_space<hbm>>
    tpu.wait_indirect_dma semaphore(%arg18 : memref<!tpu.dma_semaphore, #tpu.memory_space<semaphore_mem>>) src(%dma_wait3A_66 : memref<10008x128xf32, #tpu.memory_space<hbm>>) dst(%arg11 : memref<120x128xf32, #tpu.memory_space<vmem>>)
    %run_scoped3A_67 = arith.constant 1 : i32
    "tpu.region"() ({
      %run_scoped3A_73 = tpu.sem_alloc : memref<!tpu.dma_semaphore, #tpu.memory_space<semaphore_mem>>
      %dma_start3A_74 = arith.constant 0 : i32
      %dma_start3A_75 = tpu.memref_slice %arg8[%run_scoped3A_67, %dma_start3A_74] : memref<2x120xi32, #tpu.memory_space<vmem>> -> memref<1x120xi32, #tpu.memory_space<vmem>>
      %dma_start3A_76 = tpu.memref_squeeze %dma_start3A_75 : memref<1x120xi32, #tpu.memory_space<vmem>> -> memref<120xi32, #tpu.memory_space<vmem>>
      %dma_start3A_77 = arith.constant 0 : i32
      %dma_start3A_78 = arith.constant 0 : i32
      %dma_start3A_79 = tpu.memref_slice %arg12[%dma_start3A_77, %dma_start3A_78] : memref<10112x128xf32, #tpu.memory_space<vmem_shared>> -> memref<10112x128xf32, #tpu.memory_space<vmem_shared>>
      tpu.enqueue_indirect_dma source(%arg11 : memref<120x128xf32, #tpu.memory_space<vmem>>) target(%dma_start3A_79 : memref<10112x128xf32, #tpu.memory_space<vmem_shared>>) offsets(%dma_start3A_76 : memref<120xi32, #tpu.memory_space<vmem>>) semaphore(%run_scoped3A_73 : memref<!tpu.dma_semaphore, #tpu.memory_space<semaphore_mem>>) {add = true}
      %dma_wait3A_80 = arith.constant 0 : i32
      %dma_wait3A_81 = tpu.memref_slice %arg8[%run_scoped3A_67, %dma_wait3A_80] : memref<2x120xi32, #tpu.memory_space<vmem>> -> memref<1x120xi32, #tpu.memory_space<vmem>>
      %dma_wait3A_82 = tpu.memref_squeeze %dma_wait3A_81 : memref<1x120xi32, #tpu.memory_space<vmem>> -> memref<120xi32, #tpu.memory_space<vmem>>
      %dma_wait3A_83 = arith.constant 0 : i32
      %dma_wait3A_84 = arith.constant 0 : i32
      %dma_wait3A_85 = tpu.memref_slice %arg12[%dma_wait3A_83, %dma_wait3A_84] : memref<10112x128xf32, #tpu.memory_space<vmem_shared>> -> memref<10112x128xf32, #tpu.memory_space<vmem_shared>>
      tpu.wait_indirect_dma semaphore(%run_scoped3A_73 : memref<!tpu.dma_semaphore, #tpu.memory_space<semaphore_mem>>) src(%arg11 : memref<120x128xf32, #tpu.memory_space<vmem>>) dst(%dma_wait3A_85 : memref<10112x128xf32, #tpu.memory_space<vmem_shared>>)
      tpu.yield
    }) : () -> ()
    %barrier3A_68 = arith.constant 0 : index
    tpu.barrier barrier_id(%barrier3A_68)
    %mul3A_69 = arith.constant 632 : i32
    %mul3A_70 = arith.muli %arg1, %mul3A_69 : i32
    %mul3A_71 = arith.constant 632 : i32
    %mul3A_72 = arith.muli %arg1, %mul3A_71 : i32
    "tpu.region"() ({
      %run_scoped3A_73 = tpu.sem_alloc : memref<!tpu.dma_semaphore, #tpu.memory_space<semaphore_mem>>
      %dma_start3A_74 = arith.constant 0 : i32
      %dma_start3A_75 = tpu.memref_slice %arg5[%arg0, %mul3A_72, %dma_start3A_74] : memref<2x10112x128xf32, #tpu.memory_space<hbm>> -> memref<1x632x128xf32, #tpu.memory_space<hbm>>
      %dma_start3A_76 = tpu.memref_squeeze %dma_start3A_75 : memref<1x632x128xf32, #tpu.memory_space<hbm>> -> memref<632x128xf32, #tpu.memory_space<hbm>>
      %dma_start3A_77 = arith.constant 0 : i32
      %dma_start3A_78 = tpu.memref_slice %arg12[%mul3A_70, %dma_start3A_77] : memref<10112x128xf32, #tpu.memory_space<vmem_shared>> -> memref<632x128xf32, #tpu.memory_space<vmem_shared>>
      tpu.enqueue_dma source(%dma_start3A_78 : memref<632x128xf32, #tpu.memory_space<vmem_shared>>) target(%dma_start3A_76 : memref<632x128xf32, #tpu.memory_space<hbm>>) target_semaphore(%run_scoped3A_73 : memref<!tpu.dma_semaphore, #tpu.memory_space<semaphore_mem>>)
      %dma_wait3A_79 = arith.constant 0 : i32
      %dma_wait3A_80 = tpu.memref_slice %arg5[%arg0, %mul3A_72, %dma_wait3A_79] : memref<2x10112x128xf32, #tpu.memory_space<hbm>> -> memref<1x632x128xf32, #tpu.memory_space<hbm>>
      %dma_wait3A_81 = tpu.memref_squeeze %dma_wait3A_80 : memref<1x632x128xf32, #tpu.memory_space<hbm>> -> memref<632x128xf32, #tpu.memory_space<hbm>>
      %dma_wait3A_82 = arith.constant 0 : i32
      %dma_wait3A_83 = tpu.memref_slice %arg12[%mul3A_70, %dma_wait3A_82] : memref<10112x128xf32, #tpu.memory_space<vmem_shared>> -> memref<632x128xf32, #tpu.memory_space<vmem_shared>>
      tpu.wait_dma2 semaphore(%run_scoped3A_73 : memref<!tpu.dma_semaphore, #tpu.memory_space<semaphore_mem>>) src(%dma_wait3A_83 : memref<632x128xf32, #tpu.memory_space<vmem_shared>>) dst(%dma_wait3A_81 : memref<632x128xf32, #tpu.memory_space<hbm>>)
      tpu.yield
    }) : () -> ()
    return
  }
}

module attributes {stable_mosaic.version = 14 : i64} {
  func.func @_k1_body(%arg0: memref<10000x128xf32, #tpu.memory_space<vmem>>, %arg1: memref<128x128xf32, #tpu.memory_space<vmem>>, %arg2: memref<2x10112x128xf32, #tpu.memory_space<vmem>>, %arg3: memref<10008x128xf32, #tpu.memory_space<vmem>>) attributes {dimension_semantics = [], scalar_prefetch = 0 : i64, scratch_operands = 0 : i64, tpu.core_type = #tpu.core_type<tc>} {
    %get3A = arith.constant 0 : index
    %get3A_0 = arith.constant 0 : index
    %get3A_1 = arith.constant 0 : index
    %get3A_2 = vector.load %arg2[%get3A, %get3A_0, %get3A_1] : memref<2x10112x128xf32, #tpu.memory_space<vmem>>, vector<1x10112x128xf32>
    %get3A_3 = vector.shape_cast %get3A_2 : vector<1x10112x128xf32> to vector<10112x128xf32>
    %slice3A = vector.extract_strided_slice %get3A_3 {offsets = [0, 0], sizes = [10000, 1], strides = [1, 1]} : vector<10112x128xf32> to vector<10000x1xf32>
    %get3A_4 = arith.constant 1 : index
    %get3A_5 = arith.constant 0 : index
    %get3A_6 = arith.constant 0 : index
    %get3A_7 = vector.load %arg2[%get3A_4, %get3A_5, %get3A_6] : memref<2x10112x128xf32, #tpu.memory_space<vmem>>, vector<1x10112x128xf32>
    %get3A_8 = vector.shape_cast %get3A_7 : vector<1x10112x128xf32> to vector<10112x128xf32>
    %slice3A_9 = vector.extract_strided_slice %get3A_8 {offsets = [0, 0], sizes = [10000, 1], strides = [1, 1]} : vector<10112x128xf32> to vector<10000x1xf32>
    %add3A = arith.addf %slice3A, %slice3A_9 : vector<10000x1xf32>
    %iota3A = tpu.iota {dimensions = array<i32: 0>} : vector<10000x1xi32>
    %lt3A = arith.constant 2560 : i32
    %lt3A_10 = vector.broadcast %lt3A : i32 to vector<10000x1xi32>
    %lt3A_11 = arith.cmpi slt, %iota3A, %lt3A_10 : vector<10000x1xi32>
    %jit3A = arith.constant 1.000000e+00 : f32
    %jit3A_12 = arith.constant 0.000000e+00 : f32
    %broadcast_in_dim3A = vector.broadcast %jit3A : f32 to vector<10000x1xf32>
    %broadcast_in_dim3A_13 = vector.broadcast %jit3A_12 : f32 to vector<10000x1xf32>
    %select_n3A = arith.select %lt3A_11, %broadcast_in_dim3A, %broadcast_in_dim3A_13 : vector<10000x1xi1>, vector<10000x1xf32>
    %sub3A = arith.subf %add3A, %select_n3A : vector<10000x1xf32>
    %add3A_14 = arith.constant 1.000000e+00 : f32
    %add3A_15 = vector.broadcast %add3A_14 : f32 to vector<10000x1xf32>
    %add3A_16 = arith.addf %sub3A, %add3A_15 : vector<10000x1xf32>
    %rsqrt3A = math.rsqrt %add3A_16 : vector<10000x1xf32>
    %get3A_17 = arith.constant 0 : index
    %get3A_18 = arith.constant 0 : index
    %get3A_19 = vector.load %arg0[%get3A_17, %get3A_18] : memref<10000x128xf32, #tpu.memory_space<vmem>>, vector<10000x128xf32>
    %get3A_20 = arith.constant 0 : index
    %get3A_21 = arith.constant 0 : index
    %get3A_22 = vector.load %arg1[%get3A_20, %get3A_21] : memref<128x128xf32, #tpu.memory_space<vmem>>, vector<128x128xf32>
    %dot_general3A = arith.constant dense<0.000000e+00> : vector<10000x128xf32>
    %dot_general3A_23 = tpu.matmul %get3A_19, %get3A_22, %dot_general3A {dimension_numbers = #tpu.dot_dimension_numbers<[1], [0], [0], [1], [0, 0, 1, 1], [], []>, transpose_lhs_hint = false} : vector<10000x128xf32>, vector<128x128xf32>, vector<10000x128xf32> -> vector<10000x128xf32>
    %mul3A = vector.broadcast %rsqrt3A : vector<10000x1xf32> to vector<10000x128xf32>
    %mul3A_24 = arith.mulf %dot_general3A_23, %mul3A : vector<10000x128xf32>
    %swap3A = arith.constant 0 : index
    %swap3A_25 = arith.constant 0 : index
    %swap3A_26 = vector.load %arg3[%swap3A, %swap3A_25] : memref<10008x128xf32, #tpu.memory_space<vmem>>, vector<10000x128xf32>
    tpu.vector_store %arg3[%swap3A, %swap3A_25], %mul3A_24 {strides = array<i32>} : memref<10008x128xf32, #tpu.memory_space<vmem>>, vector<10000x128xf32>,
    %broadcast_in_dim3A_27 = arith.constant 0.000000e+00 : f32
    %broadcast_in_dim3A_28 = vector.broadcast %broadcast_in_dim3A_27 : f32 to vector<8x128xf32>
    %swap3A_29 = arith.constant 10000 : index
    %swap3A_30 = arith.constant 0 : index
    %swap3A_31 = vector.load %arg3[%swap3A_29, %swap3A_30] : memref<10008x128xf32, #tpu.memory_space<vmem>>, vector<8x128xf32>
    tpu.vector_store %arg3[%swap3A_29, %swap3A_30], %broadcast_in_dim3A_28 {strides = array<i32>} : memref<10008x128xf32, #tpu.memory_space<vmem>>, vector<8x128xf32>,
    return
  }
}

module attributes {stable_mosaic.version = 14 : i64} {
  func.func @_mid_body(%arg0: memref<2x10112x128xf32, #tpu.memory_space<vmem>>, %arg1: memref<10008x128xf32, #tpu.memory_space<vmem>>, %arg2: memref<2x10112x128xf32, #tpu.memory_space<vmem>>, %arg3: memref<128x128xf32, #tpu.memory_space<vmem>>, %arg4: memref<1x128xf32, #tpu.memory_space<vmem>>, %arg5: memref<10008x128xf32, #tpu.memory_space<vmem>>) attributes {dimension_semantics = [], scalar_prefetch = 0 : i64, scratch_operands = 0 : i64, tpu.core_type = #tpu.core_type<tc>} {
    %get3A = arith.constant 0 : index
    %get3A_0 = arith.constant 0 : index
    %get3A_1 = arith.constant 0 : index
    %get3A_2 = vector.load %arg2[%get3A, %get3A_0, %get3A_1] : memref<2x10112x128xf32, #tpu.memory_space<vmem>>, vector<1x10112x128xf32>
    %get3A_3 = vector.shape_cast %get3A_2 : vector<1x10112x128xf32> to vector<10112x128xf32>
    %slice3A = vector.extract_strided_slice %get3A_3 {offsets = [0, 0], sizes = [10000, 1], strides = [1, 1]} : vector<10112x128xf32> to vector<10000x1xf32>
    %get3A_4 = arith.constant 1 : index
    %get3A_5 = arith.constant 0 : index
    %get3A_6 = arith.constant 0 : index
    %get3A_7 = vector.load %arg2[%get3A_4, %get3A_5, %get3A_6] : memref<2x10112x128xf32, #tpu.memory_space<vmem>>, vector<1x10112x128xf32>
    %get3A_8 = vector.shape_cast %get3A_7 : vector<1x10112x128xf32> to vector<10112x128xf32>
    %slice3A_9 = vector.extract_strided_slice %get3A_8 {offsets = [0, 0], sizes = [10000, 1], strides = [1, 1]} : vector<10112x128xf32> to vector<10000x1xf32>
    %add3A = arith.addf %slice3A, %slice3A_9 : vector<10000x1xf32>
    %iota3A = tpu.iota {dimensions = array<i32: 0>} : vector<10000x1xi32>
    %lt3A = arith.constant 2560 : i32
    %lt3A_10 = vector.broadcast %lt3A : i32 to vector<10000x1xi32>
    %lt3A_11 = arith.cmpi slt, %iota3A, %lt3A_10 : vector<10000x1xi32>
    %jit3A = arith.constant 1.000000e+00 : f32
    %jit3A_12 = arith.constant 0.000000e+00 : f32
    %broadcast_in_dim3A = vector.broadcast %jit3A : f32 to vector<10000x1xf32>
    %broadcast_in_dim3A_13 = vector.broadcast %jit3A_12 : f32 to vector<10000x1xf32>
    %select_n3A = arith.select %lt3A_11, %broadcast_in_dim3A, %broadcast_in_dim3A_13 : vector<10000x1xi1>, vector<10000x1xf32>
    %sub3A = arith.subf %add3A, %select_n3A : vector<10000x1xf32>
    %add3A_14 = arith.constant 1.000000e+00 : f32
    %add3A_15 = vector.broadcast %add3A_14 : f32 to vector<10000x1xf32>
    %add3A_16 = arith.addf %sub3A, %add3A_15 : vector<10000x1xf32>
    %rsqrt3A = math.rsqrt %add3A_16 : vector<10000x1xf32>
    %get3A_17 = arith.constant 0 : index
    %get3A_18 = arith.constant 0 : index
    %get3A_19 = arith.constant 0 : index
    %get3A_20 = vector.load %arg0[%get3A_17, %get3A_18, %get3A_19] : memref<2x10112x128xf32, #tpu.memory_space<vmem>>, vector<1x10112x128xf32>
    %get3A_21 = vector.shape_cast %get3A_20 : vector<1x10112x128xf32> to vector<10112x128xf32>
    %slice3A_22 = vector.extract_strided_slice %get3A_21 {offsets = [0, 0], sizes = [10000, 128], strides = [1, 1]} : vector<10112x128xf32> to vector<10000x128xf32>
    %get3A_23 = arith.constant 1 : index
    %get3A_24 = arith.constant 0 : index
    %get3A_25 = arith.constant 0 : index
    %get3A_26 = vector.load %arg0[%get3A_23, %get3A_24, %get3A_25] : memref<2x10112x128xf32, #tpu.memory_space<vmem>>, vector<1x10112x128xf32>
    %get3A_27 = vector.shape_cast %get3A_26 : vector<1x10112x128xf32> to vector<10112x128xf32>
    %slice3A_28 = vector.extract_strided_slice %get3A_27 {offsets = [0, 0], sizes = [10000, 128], strides = [1, 1]} : vector<10112x128xf32> to vector<10000x128xf32>
    %add3A_29 = arith.addf %slice3A_22, %slice3A_28 : vector<10000x128xf32>
    %get3A_30 = arith.constant 0 : index
    %get3A_31 = arith.constant 0 : index
    %get3A_32 = vector.load %arg1[%get3A_30, %get3A_31] : memref<10008x128xf32, #tpu.memory_space<vmem>>, vector<10000x128xf32>
    %add3A_33 = arith.addf %add3A_29, %get3A_32 : vector<10000x128xf32>
    %mul3A = vector.broadcast %rsqrt3A : vector<10000x1xf32> to vector<10000x128xf32>
    %mul3A_34 = arith.mulf %mul3A, %add3A_33 : vector<10000x128xf32>
    %get3A_35 = arith.constant 0 : index
    %get3A_36 = arith.constant 0 : index
    %get3A_37 = vector.load %arg4[%get3A_35, %get3A_36] : memref<1x128xf32, #tpu.memory_space<vmem>>, vector<1x128xf32>
    %add3A_38 = vector.broadcast %get3A_37 : vector<1x128xf32> to vector<10000x128xf32>
    %add3A_39 = arith.addf %mul3A_34, %add3A_38 : vector<10000x128xf32>
    %max3A = arith.constant 0.000000e+00 : f32
    %max3A_40 = vector.broadcast %max3A : f32 to vector<10000x128xf32>
    %max3A_41 = arith.maximumf %add3A_39, %max3A_40 : vector<10000x128xf32>
    %get3A_42 = arith.constant 0 : index
    %get3A_43 = arith.constant 0 : index
    %get3A_44 = vector.load %arg3[%get3A_42, %get3A_43] : memref<128x128xf32, #tpu.memory_space<vmem>>, vector<128x128xf32>
    %dot_general3A = arith.constant dense<0.000000e+00> : vector<10000x128xf32>
    %dot_general3A_45 = tpu.matmul %max3A_41, %get3A_44, %dot_general3A {dimension_numbers = #tpu.dot_dimension_numbers<[1], [0], [0], [1], [0, 0, 1, 1], [], []>, transpose_lhs_hint = false} : vector<10000x128xf32>, vector<128x128xf32>, vector<10000x128xf32> -> vector<10000x128xf32>
    %mul3A_46 = vector.broadcast %rsqrt3A : vector<10000x1xf32> to vector<10000x128xf32>
    %mul3A_47 = arith.mulf %mul3A_46, %dot_general3A_45 : vector<10000x128xf32>
    %swap3A = arith.constant 0 : index
    %swap3A_48 = arith.constant 0 : index
    %swap3A_49 = vector.load %arg5[%swap3A, %swap3A_48] : memref<10008x128xf32, #tpu.memory_space<vmem>>, vector<10000x128xf32>
    tpu.vector_store %arg5[%swap3A, %swap3A_48], %mul3A_47 {strides = array<i32>} : memref<10008x128xf32, #tpu.memory_space<vmem>>, vector<10000x128xf32>,
    %broadcast_in_dim3A_50 = arith.constant 0.000000e+00 : f32
    %broadcast_in_dim3A_51 = vector.broadcast %broadcast_in_dim3A_50 : f32 to vector<8x128xf32>
    %swap3A_52 = arith.constant 10000 : index
    %swap3A_53 = arith.constant 0 : index
    %swap3A_54 = vector.load %arg5[%swap3A_52, %swap3A_53] : memref<10008x128xf32, #tpu.memory_space<vmem>>, vector<8x128xf32>
    tpu.vector_store %arg5[%swap3A_52, %swap3A_53], %broadcast_in_dim3A_51 {strides = array<i32>} : memref<10008x128xf32, #tpu.memory_space<vmem>>, vector<8x128xf32>,
    return
  }
}

module attributes {stable_mosaic.version = 14 : i64} {
  func.func @_readout_body(%arg0: memref<2x10112x128xf32, #tpu.memory_space<vmem>>, %arg1: memref<10008x128xf32, #tpu.memory_space<vmem>>, %arg2: memref<2x10112x128xf32, #tpu.memory_space<vmem>>, %arg3: memref<1x128xf32, #tpu.memory_space<vmem>>, %arg4: memref<128x64xf32, #tpu.memory_space<vmem>>, %arg5: memref<1x64xf32, #tpu.memory_space<vmem>>, %arg6: memref<64x1xf32, #tpu.memory_space<vmem>>, %arg7: memref<1x1xf32, #tpu.memory_space<vmem>>, %arg8: memref<10000x1xi32, #tpu.memory_space<vmem>>, %arg9: memref<64x1xf32, #tpu.memory_space<vmem>>) attributes {dimension_semantics = [], scalar_prefetch = 0 : i64, scratch_operands = 0 : i64, tpu.core_type = #tpu.core_type<tc>} {
    %get3A = arith.constant 0 : index
    %get3A_0 = arith.constant 0 : index
    %get3A_1 = arith.constant 0 : index
    %get3A_2 = vector.load %arg2[%get3A, %get3A_0, %get3A_1] : memref<2x10112x128xf32, #tpu.memory_space<vmem>>, vector<1x10112x128xf32>
    %get3A_3 = vector.shape_cast %get3A_2 : vector<1x10112x128xf32> to vector<10112x128xf32>
    %slice3A = vector.extract_strided_slice %get3A_3 {offsets = [0, 0], sizes = [10000, 1], strides = [1, 1]} : vector<10112x128xf32> to vector<10000x1xf32>
    %get3A_4 = arith.constant 1 : index
    %get3A_5 = arith.constant 0 : index
    %get3A_6 = arith.constant 0 : index
    %get3A_7 = vector.load %arg2[%get3A_4, %get3A_5, %get3A_6] : memref<2x10112x128xf32, #tpu.memory_space<vmem>>, vector<1x10112x128xf32>
    %get3A_8 = vector.shape_cast %get3A_7 : vector<1x10112x128xf32> to vector<10112x128xf32>
    %slice3A_9 = vector.extract_strided_slice %get3A_8 {offsets = [0, 0], sizes = [10000, 1], strides = [1, 1]} : vector<10112x128xf32> to vector<10000x1xf32>
    %add3A = arith.addf %slice3A, %slice3A_9 : vector<10000x1xf32>
    %iota3A = tpu.iota {dimensions = array<i32: 0>} : vector<10000x1xi32>
    %lt3A = arith.constant 2560 : i32
    %lt3A_10 = vector.broadcast %lt3A : i32 to vector<10000x1xi32>
    %lt3A_11 = arith.cmpi slt, %iota3A, %lt3A_10 : vector<10000x1xi32>
    %jit3A = arith.constant 1.000000e+00 : f32
    %jit3A_12 = arith.constant 0.000000e+00 : f32
    %broadcast_in_dim3A = vector.broadcast %jit3A : f32 to vector<10000x1xf32>
    %broadcast_in_dim3A_13 = vector.broadcast %jit3A_12 : f32 to vector<10000x1xf32>
    %select_n3A = arith.select %lt3A_11, %broadcast_in_dim3A, %broadcast_in_dim3A_13 : vector<10000x1xi1>, vector<10000x1xf32>
    %sub3A = arith.subf %add3A, %select_n3A : vector<10000x1xf32>
    %add3A_14 = arith.constant 1.000000e+00 : f32
    %add3A_15 = vector.broadcast %add3A_14 : f32 to vector<10000x1xf32>
    %add3A_16 = arith.addf %sub3A, %add3A_15 : vector<10000x1xf32>
    %rsqrt3A = math.rsqrt %add3A_16 : vector<10000x1xf32>
    %get3A_17 = arith.constant 0 : index
    %get3A_18 = arith.constant 0 : index
    %get3A_19 = arith.constant 0 : index
    %get3A_20 = vector.load %arg0[%get3A_17, %get3A_18, %get3A_19] : memref<2x10112x128xf32, #tpu.memory_space<vmem>>, vector<1x10112x128xf32>
    %get3A_21 = vector.shape_cast %get3A_20 : vector<1x10112x128xf32> to vector<10112x128xf32>
    %slice3A_22 = vector.extract_strided_slice %get3A_21 {offsets = [0, 0], sizes = [10000, 128], strides = [1, 1]} : vector<10112x128xf32> to vector<10000x128xf32>
    %get3A_23 = arith.constant 1 : index
    %get3A_24 = arith.constant 0 : index
    %get3A_25 = arith.constant 0 : index
    %get3A_26 = vector.load %arg0[%get3A_23, %get3A_24, %get3A_25] : memref<2x10112x128xf32, #tpu.memory_space<vmem>>, vector<1x10112x128xf32>
    %get3A_27 = vector.shape_cast %get3A_26 : vector<1x10112x128xf32> to vector<10112x128xf32>
    %slice3A_28 = vector.extract_strided_slice %get3A_27 {offsets = [0, 0], sizes = [10000, 128], strides = [1, 1]} : vector<10112x128xf32> to vector<10000x128xf32>
    %add3A_29 = arith.addf %slice3A_22, %slice3A_28 : vector<10000x128xf32>
    %get3A_30 = arith.constant 0 : index
    %get3A_31 = arith.constant 0 : index
    %get3A_32 = vector.load %arg1[%get3A_30, %get3A_31] : memref<10008x128xf32, #tpu.memory_space<vmem>>, vector<10000x128xf32>
    %add3A_33 = arith.addf %add3A_29, %get3A_32 : vector<10000x128xf32>
    %mul3A = vector.broadcast %rsqrt3A : vector<10000x1xf32> to vector<10000x128xf32>
    %mul3A_34 = arith.mulf %mul3A, %add3A_33 : vector<10000x128xf32>
    %get3A_35 = arith.constant 0 : index
    %get3A_36 = arith.constant 0 : index
    %get3A_37 = vector.load %arg3[%get3A_35, %get3A_36] : memref<1x128xf32, #tpu.memory_space<vmem>>, vector<1x128xf32>
    %add3A_38 = vector.broadcast %get3A_37 : vector<1x128xf32> to vector<10000x128xf32>
    %add3A_39 = arith.addf %mul3A_34, %add3A_38 : vector<10000x128xf32>
    %get3A_40 = arith.constant 0 : index
    %get3A_41 = arith.constant 0 : index
    %get3A_42 = vector.load %arg4[%get3A_40, %get3A_41] : memref<128x64xf32, #tpu.memory_space<vmem>>, vector<128x64xf32>
    %dot_general3A = arith.constant dense<0.000000e+00> : vector<10000x64xf32>
    %dot_general3A_43 = tpu.matmul %add3A_39, %get3A_42, %dot_general3A {dimension_numbers = #tpu.dot_dimension_numbers<[1], [0], [0], [1], [0, 0, 1, 1], [], []>, transpose_lhs_hint = false} : vector<10000x128xf32>, vector<128x64xf32>, vector<10000x64xf32> -> vector<10000x64xf32>
    %get3A_44 = arith.constant 0 : index
    %get3A_45 = arith.constant 0 : index
    %get3A_46 = vector.load %arg5[%get3A_44, %get3A_45] : memref<1x64xf32, #tpu.memory_space<vmem>>, vector<1x64xf32>
    %add3A_47 = vector.broadcast %get3A_46 : vector<1x64xf32> to vector<10000x64xf32>
    %add3A_48 = arith.addf %dot_general3A_43, %add3A_47 : vector<10000x64xf32>
    %max3A = arith.constant 0.000000e+00 : f32
    %max3A_49 = vector.broadcast %max3A : f32 to vector<10000x64xf32>
    %max3A_50 = arith.maximumf %add3A_48, %max3A_49 : vector<10000x64xf32>
    %get3A_51 = arith.constant 0 : index
    %get3A_52 = arith.constant 0 : index
    %get3A_53 = vector.load %arg6[%get3A_51, %get3A_52] : memref<64x1xf32, #tpu.memory_space<vmem>>, vector<64x1xf32>
    %dot_general3A_54 = arith.constant dense<0.000000e+00> : vector<10000x1xf32>
    %dot_general3A_55 = tpu.matmul %max3A_50, %get3A_53, %dot_general3A_54 {dimension_numbers = #tpu.dot_dimension_numbers<[1], [0], [0], [1], [0, 0, 1, 1], [], []>, transpose_lhs_hint = false} : vector<10000x64xf32>, vector<64x1xf32>, vector<10000x1xf32> -> vector<10000x1xf32>
    %get3A_56 = arith.constant 0 : index
    %get3A_57 = arith.constant 0 : index
    %get3A_58 = vector.load %arg7[%get3A_56, %get3A_57] : memref<1x1xf32, #tpu.memory_space<vmem>>, vector<1x1xf32>
    %add3A_59 = vector.broadcast %get3A_58 : vector<1x1xf32> to vector<10000x1xf32>
    %add3A_60 = arith.addf %dot_general3A_55, %add3A_59 : vector<10000x1xf32>
    %get3A_61 = arith.constant 0 : index
    %get3A_62 = arith.constant 0 : index
    %get3A_63 = vector.load %arg8[%get3A_61, %get3A_62] : memref<10000x1xi32, #tpu.memory_space<vmem>>, vector<10000x1xi32>
    %iota3A_64 = tpu.iota {dimensions = array<i32: 1>} : vector<10000x64xi32>
    %eq3A = vector.broadcast %get3A_63 : vector<10000x1xi32> to vector<10000x64xi32>
    %eq3A_65 = arith.cmpi eq, %eq3A, %iota3A_64 : vector<10000x64xi32>
    %convert_element_type3A = arith.extui %eq3A_65 : vector<10000x64xi1> to vector<10000x64xi32>
    %convert_element_type3A_66 = arith.sitofp %convert_element_type3A : vector<10000x64xi32> to vector<10000x64xf32>
    %dot_general3A_67 = arith.constant dense<0.000000e+00> : vector<64x1xf32>
    %dot_general3A_68 = tpu.matmul %convert_element_type3A_66, %add3A_60, %dot_general3A_67 {dimension_numbers = #tpu.dot_dimension_numbers<[0], [0], [1], [1], [0, 1, 1, 1], [], []>, transpose_lhs_hint = false} : vector<10000x64xf32>, vector<10000x1xf32>, vector<64x1xf32> -> vector<64x1xf32>
    %broadcast_in_dim3A_69 = arith.constant 1.000000e+00 : f32
    %broadcast_in_dim3A_70 = vector.broadcast %broadcast_in_dim3A_69 : f32 to vector<10000x1xf32>
    %dot_general3A_71 = arith.constant dense<0.000000e+00> : vector<64x1xf32>
    %dot_general3A_72 = tpu.matmul %convert_element_type3A_66, %broadcast_in_dim3A_70, %dot_general3A_71 {dimension_numbers = #tpu.dot_dimension_numbers<[0], [0], [1], [1], [0, 1, 1, 1], [], []>, transpose_lhs_hint = false} : vector<10000x64xf32>, vector<10000x1xf32>, vector<64x1xf32> -> vector<64x1xf32>
    %max3A_73 = arith.constant 1.000000e+00 : f32
    %max3A_74 = vector.broadcast %max3A_73 : f32 to vector<64x1xf32>
    %max3A_75 = arith.maximumf %dot_general3A_72, %max3A_74 : vector<64x1xf32>
    %div3A = arith.divf %dot_general3A_68, %max3A_75 : vector<64x1xf32>
    %swap3A = arith.constant 0 : index
    %swap3A_76 = arith.constant 0 : index
    %swap3A_77 = vector.load %arg9[%swap3A, %swap3A_76] : memref<64x1xf32, #tpu.memory_space<vmem>>, vector<64x1xf32>
    tpu.vector_store %arg9[%swap3A, %swap3A_76], %div3A {strides = array<i32>} : memref<64x1xf32, #tpu.memory_space<vmem>>, vector<64x1xf32>,
    return
  }
}

</mosaic_0001>

<sc_bundles>
// kernel: kernel.10.cloned.1.call-start
scs
__scs_entry_jumppad:
0x0: {  	(pc) =	sbr.rel $0x88, $3  }
0x1: {  	(tag) =	ssettag $0x0;
	lr =	simm.s32 $0x1  }
0x2: {  	[smem:$0x3F94] =	sst lr;
	_ =	strace $0xD0000000  }
0x3: {  	_ = 	snop  }
0x4: {  	_ = 	snop  }
0x5: {  	_ = 	snop  }
0x6: {  	_ = 	snop  }
0x7: {  	_ = 	snop  }
__scs_overlays_trampoline_lowered:
0x8: {  	[smem:$0x3FA3] =	sst s0  }
0x9: {  	[smem:$0x3FA4] =	sst s1  }
0xa: {  	[smem:$0x3FA5] =	sst s2  }
0xb: {  	[smem:$0x3FA6] =	sst s3  }
0xc: {  	[smem:$0x3FA7] =	sst s4  }
0xd: {  	[smem:$0x3FA8] =	sst s5  }
0xe: {  	[smem:$0x3FA9] =	sst s6  }
0xf: {  	[smem:$0x3FAA] =	sst s7  }
0x10: {  	[smem:$0x3FAB] =	sst s8  }
0x11: {  	[smem:$0x3FAC] =	sst s9;
	s0 =	simm.s32 @!p0 $0x0  }
0x12: {  	s1 =	sld [smem:$0x3F92];
	s0 =	simm.s32 @p0 $0x1  }
0x13: {  	[smem:$0x3FAD] =	sst s0;
	s0 =	simm.s32 @!p1 $0x0  }
0x14: {  	s2 =	sld [smem:$0x3F91];
	s0 =	simm.s32 @p1 $0x1  }
0x15: {  	[smem:$0x3FAE] =	sst s0;
	s0 =	simm.s32 @!p2 $0x0  }
0x16: {  	s3 =	sld [smem:$0x3FDB];
	s0 =	simm.s32 @p2 $0x1  }
0x17: {  	s4 =	simm.s32 $0x1BF5;
	[smem:$0x3FB0] =	sst s0  }
0x18: {  	s0 =	sld [smem:$0x3F93];
	_ =	swait.ge [sflag:s4], $0x0  }
0x19: {  	s7 =	sld [smem:$0x3F94]  }
0x1a: {  	s8 =	sadd.s32 $0xFFFFE003, lr  }
0x1b: {  	s9 =	sadd.s32 $0xFFFFFEF7, lr;
	s5 =	simm.s32 $0xFFFFFFFF;
	p2 =	slt.u32 s8, $0xFFFFF086  }
0x1c: {  	p1 =	slt.u32 s9, $0xF7A;
	s5 =	simm.s32 @!p2 $0x0  }
0x1d: {  	s5 =	simm.s32 @p1 $0x1;
	p0 =	seq.s32 s7, s2  }
0x1e: {  	s7 =	smul.u32 @!p0 $0xF7A, s2;
	p2 =	seq.s32 @!p0 s5, $0x0  }
0x1f: {  	s9 =	smul.u32 $0xF7A, s1;
	s8 =	simm.s32 @!p0 $0x1BF5;
	p2 =	por !p2, p0  }
0x20: {  	[sflag:s8] =	ssyncset.s32 @!p0 $0xFFFFF086;
	s6 =	sadd.s32 @!p0 s3, s7;
	s7 =	simm.s32 @!p0 $0x108  }
0x21: {  	s3 =	sadd.s32 s3, s9;
	s6 =	sadd.s32 @!p0 $0x88, s6;
	s7 =	simm.s32 @p2 $0x1082  }
0x22: {  	[simem:s7], [sflag:s8] =	dma.local @!p0 [hbm:s6], $0xF7A  }
0x23: {  	s9 =	sor.u32 $0xD0000000, s2;
	s6 =	simm.s32 $0x108;
	_ =	swait.ge @!p0 [sflag:s8], $0x0  }
0x24: {  	s3 =	sadd.s32 $0x88, s3;
	s6 =	simm.s32 @!p1 $0x1082;
	[sflag:s4] =	ssyncset.s32 $0xFFFFF086  }
0x25: {  	[simem:s6], [sflag:s4] =	dma.local [hbm:s3], $0xF7A  }
0x26: {  	[smem:$0x3F94] =	sst s1;
	(tag) =	ssettag s2;
	_ =	strace s9  }
0x27: {  	s1 =	sld [smem:$0x3FA4]  }
0x28: {  	s2 =	sld [smem:$0x3FA5]  }
0x29: {  	s4 =	sld [smem:$0x3FA7]  }
0x2a: {  	p0 =	seq.s32 s5, $0x0;
	s5 =	sld [smem:$0x3FA8]  }
0x2b: {  	s6 =	sld [smem:$0x3FA9]  }
0x2c: {  	s7 =	sld [smem:$0x3FAA]  }
0x2d: {  	s3 =	simm.s32 $0x108;
	s8 =	sld [smem:$0x3FAB]  }
0x2e: {  	s3 =	simm.s32 @!p0 $0x1082;
	s9 =	sld [smem:$0x3FAC]  }
0x2f: {  	lr =	sadd.s32 s0, s3;
	s0 =	sld [smem:$0x3FA3]  }
0x30: {  	s3 =	sld [smem:$0x3FA6]  }
0x31: {  	[smem:$0x3FAF] =	sst s10  }
0x32: {  	s10 =	sld [smem:$0x3FAD];
	_ =	sdelay $0x3  }
0x33: {  	p0 =	seq.s32 s10, $0x1;
	s10 =	sld [smem:$0x3FAF];
	_ =	sdelay $0x3  }
0x34: {  	[smem:$0x3FAF] =	sst s10  }
0x35: {  	s10 =	sld [smem:$0x3FAE];
	_ =	sdelay $0x3  }
0x36: {  	p1 =	seq.s32 s10, $0x1;
	s10 =	sld [smem:$0x3FAF];
	_ =	sdelay $0x3  }
0x37: {  	[smem:$0x3FAF] =	sst s10  }
0x38: {  	s10 =	sld [smem:$0x3FB0]  }
0x39: {  	_ = 	snop;
	(pc) =	sbr.ind lr, $3  }
0x3a: {  	_ = 	snop  }
0x3b: {  	_ = 	snop  }
0x3c: {  	p2 =	seq.s32 s10, $0x1;
	s10 =	sld [smem:$0x3FAF]  }
0x3d: {  	_ =	shalt  }
0x3e: {  	_ =	shalt  }
0x3f: {  	_ =	shalt  }
0x40: {  	_ =	shalt  }
0x41: {  	_ =	shalt  }
0x42: {  	_ =	shalt  }
0x43: {  	_ =	shalt  }
0x44: {  	_ =	shalt  }
0x45: {  	_ =	shalt  }
0x46: {  	_ =	shalt  }
0x47: {  	_ =	shalt  }
0x48: {  	_ =	shalt  }
0x49: {  	_ =	shalt  }
0x4a: {  	_ =	shalt  }
0x4b: {  	_ =	shalt  }
0x4c: {  	_ =	shalt  }
0x4d: {  	_ =	shalt  }
0x4e: {  	_ =	shalt  }
0x4f: {  	_ =	shalt  }
0x50: {  	_ =	shalt  }
0x51: {  	_ =	shalt  }
0x52: {  	_ =	shalt  }
0x53: {  	_ =	shalt  }
0x54: {  	_ =	shalt  }
0x55: {  	_ =	shalt  }
0x56: {  	_ =	shalt  }
0x57: {  	_ =	shalt  }
0x58: {  	_ =	shalt  }
0x59: {  	_ =	shalt  }
0x5a: {  	_ =	shalt  }
0x5b: {  	_ =	shalt  }
0x5c: {  	_ =	shalt  }
0x5d: {  	_ =	shalt  }
0x5e: {  	_ =	shalt  }
0x5f: {  	_ =	shalt  }
0x60: {  	_ =	shalt  }
0x61: {  	_ =	shalt  }
0x62: {  	_ =	shalt  }
0x63: {  	_ =	shalt  }
0x64: {  	_ =	shalt  }
0x65: {  	_ =	shalt  }
0x66: {  	_ =	shalt  }
0x67: {  	_ =	shalt  }
0x68: {  	_ =	shalt  }
0x69: {  	_ =	shalt  }
0x6a: {  	_ =	shalt  }
0x6b: {  	_ =	shalt  }
0x6c: {  	_ =	shalt  }
0x6d: {  	_ =	shalt  }
0x6e: {  	_ =	shalt  }
0x6f: {  	_ =	shalt  }
0x70: {  	_ =	shalt  }
0x71: {  	_ =	shalt  }
0x72: {  	_ =	shalt  }
0x73: {  	_ =	shalt  }
0x74: {  	_ =	shalt  }
0x75: {  	_ =	shalt  }
0x76: {  	_ =	shalt  }
0x77: {  	_ =	shalt  }
0x78: {  	_ =	shalt  }
0x79: {  	_ =	shalt  }
0x7a: {  	_ =	shalt  }
0x7b: {  	_ =	shalt  }
0x7c: {  	_ =	shalt  }
0x7d: {  	_ =	shalt  }
0x7e: {  	_ =	shalt  }
0x7f: {  	_ =	shalt  }
0x80: {  	_ =	shalt  }
0x81: {  	_ =	shalt  }
0x82: {  	_ =	shalt  }
0x83: {  	_ =	shalt  }
0x84: {  	_ =	shalt  }
0x85: {  	_ =	shalt  }
0x86: {  	_ =	shalt  }
0x87: {  	_ =	shalt  }
.Lfunc_end0:
.L_simem_size_0:
called_computation_lowered:
.L_overlay_start_0:
0x88: {  	s2 =	sld [smem:$0x3FD9]  }
0x89: {  	s3 =	sld [smem:$0x3FFE];
	_ =	sdelay $0x1  }
0x8a: {  	s1 =	srdreg.scid  }
0x8b: {  	s0 =	sand.u32 $0x1, s1  }
0x8c: {  	s16 =	sshll.u32 s0, $0xA;
	s2 =	sadd.s32 s3, s2  }
0x8d: {  	s2 =	sadd.s32 s2, s16  }
0x8e: {  	[smem:$0x3FBB] =	sst s2  }
0x8f: {  	_ = 	snop  }
0x90: {  	(tm) =	ssettm $0x1  }
0x91: {  	s17 =	sld [smem:$0x3FFB];
	_ =	sdelay $0x3  }
0x92: {  	_ =	strace s17  }
0x93: {  	s2 =	sld [smem:$0x3FFC];
	_ =	sdelay $0x3  }
0x94: {  	_ =	strace s2  }
0x95: {  	s2 =	sld [smem:$0x3FFD];
	_ =	sdelay $0x3  }
0x96: {  	_ =	strace s2  }
0x97: {  	_ =	strace $0x8FFFFFFF  }
0x98: {  	s18 =	sld [smem:$0x3FDB];
	_ =	sdelay $0x1  }
0x99: {  	s19 =	simm.s32 $_scs_section_size  }
0x9a: {  	s4 =	simm.s32 $_size__tile_overlayer_lowered;
	s5 =	simm.s32 $_tile_overlayer_lowered  }
0x9b: {  	s22 =	simm.s32 $0x1BFF;
	s21 =	sshll.u32 s5, $0x1;
	s2 =	sadd.s32 s19, s18  }
0x9c: {  	s6 =	simm.s32 $0x0;
	s20 =	sshll.u32 s4, $0x1;
	s4 =	sadd.s32 s21, s2  }
0x9d: {  	[timem:s6], [sflag:s22] =	dma.local [hbm:s4], s20  }
0x9e: {  	_ =	swait.ge [sflag:s22], s20  }
0x9f: {  	s3 =	ssub.s32 $0x0, s20;
	[sflag:s22] =	ssyncset.done $0x0  }
0xa0: {  	[sflag:s22] =	ssyncadd.s32 s3;
	_ =	sdelay $0x1  }
0xa1: {  	s23 =	simm.s32 $0x1B8B  }
0xa2: {  	_ =	swait.ge [sflag:s23], $0x1  }
0xa3: {  	[sflag:s23] =	ssyncset.done $0x0  }
0xa4: {  	s25 =	simm.s32 $0x1B8E;
	s24 =	sld [smem:$0x3FFE];
	[sflag:s23] =	ssyncadd.s32 $0xFFFFFFFF  }
0xa5: {  	s26 =	simm.s32 $execute0_lowered;
	[smem:$0x3FD2] =	sst s25  }
0xa6: {  	s4 =	sshll.u32 s26, $0x1;
	_ =	strace $0x80000046;
	[dreg:$0x1] =	wrdreg $0xFFFFFFFF  }
0xa7: {  	s28 =	simm.s32 $_size_execute0_lowered;
	s2 =	sadd.s32 s2, s4;
	[dreg:$0x0] =	wrdreg $0x0  }
0xa8: {  	s4 =	sshll.u32 s28, $0x1;
	[dreg:$0x2] =	wrdreg s2  }
0xa9: {  	[dreg:$0x3] =	wrdreg s4  }
0xaa: {  	[dreg:$0x4] =	wrdreg $0xC0  }
0xab: {  	_ =	task [dreg:s6], $0x5FFFF  }
0xac: {  	[dreg:$0x1] =	wrdreg $0xFFFFFFFF  }
0xad: {  	[dreg:$0x0] =	wrdreg $0x60  }
0xae: {  	[dreg:$0x2] =	wrdreg s24  }
0xaf: {  	[dreg:$0x3] =	wrdreg $0x3E000  }
0xb0: {  	[dreg:$0x4] =	wrdreg $0x9  }
0xb1: {  	_ =	task.clear_ibuf [dreg:s6], $0x5FFFF;
	_ =	strace $0x90000046  }
0xb2: {  	s29 =	simm.s32 $0x9;
	_ =	strace $0x80000048  }
0xb3: {  	_ =	swait.ge [sflag:s29], $0x1  }
0xb4: {  	[sflag:s29] =	ssyncadd.s32 $0xFFFFFFFF  }
0xb5: {  	_ =	strace $0x90000048  }
0xb6: {  	_ =	sfence  }
0xb7: {  	s30 =	sld [smem:$0x0];
	_ =	sdelay $0x2  }
0xb8: {  	s31 =	sshll.u32 s1, $0xD;
	s1 =	sshrl.u32 s1, $0x2  }
0xb9: {  	s3 =	sand.u32 $0x4000, s31;
	s1 =	sadd.s32 s1, s30  }
0xba: {  	s0 =	sor.u32 s3, s0;
	s1 =	sshll.u32 s1, $0x11  }
0xbb: {  	s0 =	sor.u32 s1, s0  }
0xbc: {  	s0 =	sadd.s32 $0x8F2B, s0  }
0xbd: {  	[sflag:s0] =	ssyncadd.remote.s32 $0x1  }
0xbe: {  	_ =	sfence.sel $0xFFFF  }
0xbf: {  	[dreg:$0x0] =	wrdreg $0xFFFFFFFF;
	(pc) =	sbr.abs _section_cstart, $3  }
0xc0: {  	[dreg:$0x1] =	wrdreg $0xFFFFFFFF  }
0xc1: {  	_ =	task.clear_ibuf [dreg:s6], $0x2FFFF;
	_ =	strace $0x9FFFFFFF  }
0xc2: {  	(tm) =	ssettm $0x7FFFFFFF  }
0xc3: {  	_ =	shalt  }
tec
execute0_lowered:
.L_overlay_start_1:
0x0: {  	(tag) =	ssettag $0x1  }
0x1: {  	s6 =	rddreg [dreg:$0x0]  }
0x2: {  	s1 =	rddreg [dreg:$0x1]  }
0x3: {  	s0 =	rddreg [dreg:$0x2]  }
0x4: {  	s3 =	simm.s32 $0x0;
	s2 =	srdreg.scid;
	s18 =	simm.s32 $0x100  }
0x5: {  	s19 =	simm.s32 $0x78;
	s20 =	simm.s32 $0x80;
	s21 =	simm.s32 $0x2  }
0x6: {  	s22 =	simm.s32 $0x180;
	s23 =	simm.s32 $0x1;
	s7 =	sand.u32 $0x1, s2  }
0x7: {  	s24 =	simm.s32 $0x0;
	s2 =	stileid.u32;
	s8 =	smul.u32 $0x13C000, s7  }
0x8: {  	[smem:$0x7FF] =	sst s3;
	s4 =	sadd.s32 $0x18800, s6;
	s9 =	smul.u32 $0x13C00, s2  }
0x9: {  	s14 =	sadd.s32 $0x3800, s6;
	s5 =	sadd.s32 $0x3FA00, s6;
	s10 =	smul.u32 $0x54000, s7  }
0xa: {  	_ =	strace $0x80000047;
	s7 =	ssub.s32 $0x2, s7;
	s25 =	smul.u32 $0x5400, s2  }
0xb: {  	s12 =	smul.u32 $0x4F000, s2;
	s28 =	sshll.u32 s2, $0x6;
	s11 =	sshrl.u32 s7, $0x1  }
0xc: {  	s8 =	sadd.s32 s9, s8;
	s15 =	ssub.s32 s7, s11;
	s16 =	sadd.s32 s25, s10  }
0xd: {  	s26 =	sshrl.u32 s12, $0x2;
	s8 =	sshrl.u32 s8, $0x3;
	s29 =	sshrl.u32 s16, $0x3  }
0xe: {  	s17 =	sadd.s32 s26, s1;
	s30 =	sor.u32 $0x300, s16;
	s16 =	sor.u32 $0x200, s16  }
0xf: {  	s12 =	smax.u32 s15, $0x1;
	s13 =	sadd.s32 s8, s6;
	s6 =	sor.u32 $0x1C03, s28  }
0x10: {  	s7 =	sadd.s32 s14, s29;
	s31 =	sshrl.u32 s16, $0x3;
	s15 =	sshrl.u32 s17, $0x3  }
0x11: {  	s16 =	simm.s32 $0x3;
	s17 =	simm.s32 $0x200;
	s8 =	sadd.s32 $0x20, s7  }
0x12: {  	s9 =	sadd.s32 $0xA40, s7;
	s11 =	sadd.s32 $0x42200, s13;
	s13 =	sshrl.u32 s30, $0x3  }
0x13: {  	s10 =	sadd.s32 $0xA60, s7;
	s13 =	sadd.s32 s13, s14;
	s14 =	sadd.s32 s31, s14  }
.LBB2_1:
0x14: {  	[spmem:s15], [sflag:s6] =	dma.local [hbm:s5], $0x2780  }
0x15: {  	_ =	swait.ge [sflag:s16], $0x2780  }
0x16: {  	[sflag:s16] =	ssyncset.done $0x0  }
0x17: {  	[sflag:s16] =	ssyncadd.s32 $0xFFFFD880  }
0x18: {  	[tilespmem:s17], [sflag:$0x3] =	stream.linear.gather [hbm4b:s4+s3], $0x3C00, $0x38;
	[tilespmem:$0x17A00] =	vst v63  }
0x19: {  	_ =	swait.ge [sflag:s16], $0x3C00  }
0x1a: {  	[sflag:s16] =	ssyncset.done $0x0  }
0x1b: {  	[sflag:s16] =	ssyncadd.s32 $0xFFFFC400  }
0x1c: {  	[bflag:$0x0] =	sbarrier.arrive $0xFFFF  }
0x1d: {  	[tilespmem:s3], [sflag:$0x3] =	stream.linear.gather [hbm4b:s7+s3], $0x100, $0x38;
	[tilespmem:$0x17A00] =	vst v63  }
0x1e: {  	_ =	swait.ge [sflag:s16], $0x100  }
0x1f: {  	[sflag:s16] =	ssyncset.done $0x0  }
0x20: {  	[sflag:s16] =	ssyncadd.s32 $0xFFFFFF00  }
0x21: {  	[tilespmem:s18], [sflag:$0x2] =	stream.linear.gather [hbm4b:s8+s3], $0x100, $0x38;
	[tilespmem:$0x17A00] =	vst v63  }
0x22: {  	_ = 	snop  }
0x23: {  	[spmem:s1] =	stream.indirect.scatter.add.f32 [tilespmem:s17], [sflag:$0x3], $0x80, s20, s19, $0xb8;
	[tilespmem:$0x17A00] =	vst v63  }
0x24: {  	_ =	swait.ge [sflag:s16], $0x3C00  }
0x25: {  	[sflag:s16] =	ssyncset.done $0x0  }
0x26: {  	s25 =	sadd.s32 $0x0, s14;
	[sflag:s16] =	ssyncadd.s32 $0xFFFFC400  }
0x27: {  	[tilespmem:s3], [sflag:$0x1] =	stream.linear.gather [hbm4b:s25+s3], $0x100, $0x38;
	[tilespmem:$0x17A00] =	vst v63  }
0x28: {  	_ =	swait.ge [sflag:s21], $0x100  }
0x29: {  	[sflag:s21] =	ssyncset.done $0x0  }
0x2a: {  	[sflag:s21] =	ssyncadd.s32 $0xFFFFFF00  }
0x2b: {  	[spmem:s1] =	stream.indirect.scatter.add.f32 [tilespmem:s17], [sflag:$0x3], $0x80, s22, s19, $0xb8;
	[tilespmem:$0x17A00] =	vst v63  }
0x2c: {  	_ =	swait.ge [sflag:s16], $0x3C00  }
0x2d: {  	[sflag:s16] =	ssyncset.done $0x0  }
0x2e: {  	s31 =	sadd.s32 $0x0, s13;
	[sflag:s16] =	ssyncadd.s32 $0xFFFFC400  }
0x2f: {  	[tilespmem:s18], [sflag:$0x2] =	stream.linear.gather [hbm4b:s31+s3], $0x100, $0x38;
	[tilespmem:$0x17A00] =	vst v63  }
0x30: {  	_ =	swait.ge [sflag:s23], $0x100  }
0x31: {  	s25 =	simm.s32 $0x40;
	[sflag:s23] =	ssyncset.done $0x0  }
.LBB2_2:
0x32: {  	p0 =	sne.s32 s25, $0x9C0  }
0x33: {  	[sflag:s23] =	ssyncadd.s32 $0xFFFFFF00;
	s26 =	smov.u32 s25;
	s25 =	sadd.s32 $0x40, s25  }
0x34: {  	[spmem:s1] =	stream.indirect.scatter.add.f32 [tilespmem:s17], [sflag:$0x3], $0x80, s20, s19, $0xb8;
	[tilespmem:$0x17A00] =	vst v63  }
0x35: {  	_ =	swait.ge [sflag:s16], $0x3C00  }
0x36: {  	[sflag:s16] =	ssyncset.done $0x0  }
0x37: {  	s28 =	sadd.s32 s26, s14;
	[sflag:s16] =	ssyncadd.s32 $0xFFFFC400  }
0x38: {  	[tilespmem:s3], [sflag:$0x1] =	stream.linear.gather [hbm4b:s28+s3], $0x100, $0x38;
	[tilespmem:$0x17A00] =	vst v63  }
0x39: {  	_ =	swait.ge [sflag:s21], $0x100  }
0x3a: {  	[sflag:s21] =	ssyncset.done $0x0  }
0x3b: {  	[sflag:s21] =	ssyncadd.s32 $0xFFFFFF00  }
0x3c: {  	[spmem:s1] =	stream.indirect.scatter.add.f32 [tilespmem:s17], [sflag:$0x3], $0x80, s22, s19, $0xb8;
	[tilespmem:$0x17A00] =	vst v63  }
0x3d: {  	_ =	swait.ge [sflag:s16], $0x3C00  }
.Ltmp0:
0x3e: {  	[sflag:s16] =	ssyncset.done $0x0;
	(pc) =	sbr.rel @p0 .LBB2_2-.Ltmp0, $4  }
0x3f: {  	s26 =	sadd.s32 s26, s13;
	[sflag:s16] =	ssyncadd.s32 $0xFFFFC400  }
0x40: {  	[tilespmem:s18], [sflag:$0x2] =	stream.linear.gather [hbm4b:s26+s3], $0x100, $0x38;
	[tilespmem:$0x17A00] =	vst v63  }
0x41: {  	_ =	swait.ge [sflag:s23], $0x100  }
0x42: {  	[sflag:s23] =	ssyncset.done $0x0  }
0x43: {  	[sflag:s23] =	ssyncadd.s32 $0xFFFFFF00  }
0x44: {  	[spmem:s1] =	stream.indirect.scatter.add.f32 [tilespmem:s17], [sflag:$0x3], $0x80, s20, s19, $0xb8;
	[tilespmem:$0x17A00] =	vst v63  }
0x45: {  	_ =	swait.ge [sflag:s16], $0x3C00  }
0x46: {  	[sflag:s16] =	ssyncset.done $0x0  }
0x47: {  	[sflag:s16] =	ssyncadd.s32 $0xFFFFC400  }
0x48: {  	[tilespmem:s3], [sflag:$0x1] =	stream.linear.gather [hbm4b:s9+s3], $0x100, $0x38;
	[tilespmem:$0x17A00] =	vst v63  }
0x49: {  	_ =	swait.ge [sflag:s21], $0x100  }
0x4a: {  	[sflag:s21] =	ssyncset.done $0x0  }
0x4b: {  	[sflag:s21] =	ssyncadd.s32 $0xFFFFFF00  }
0x4c: {  	[spmem:s1] =	stream.indirect.scatter.add.f32 [tilespmem:s17], [sflag:$0x3], $0x80, s22, s19, $0xb8;
	[tilespmem:$0x17A00] =	vst v63  }
0x4d: {  	_ =	swait.ge [sflag:s16], $0x3C00  }
0x4e: {  	[sflag:s16] =	ssyncset.done $0x0  }
0x4f: {  	[sflag:s16] =	ssyncadd.s32 $0xFFFFC400  }
0x50: {  	_ =	swait.ge [sflag:s23], $0x100  }
0x51: {  	[sflag:s23] =	ssyncset.done $0x0  }
0x52: {  	[sflag:s23] =	ssyncadd.s32 $0xFFFFFF00  }
0x53: {  	[spmem:s1] =	stream.indirect.scatter.add.f32 [tilespmem:s17], [sflag:$0x3], $0x80, s20, s19, $0xb8;
	[tilespmem:$0x17A00] =	vst v63  }
0x54: {  	_ =	swait.ge [sflag:s16], $0x3C00  }
0x55: {  	[sflag:s16] =	ssyncset.done $0x0  }
0x56: {  	[sflag:s16] =	ssyncadd.s32 $0xFFFFC400  }
0x57: {  	[tilespmem:s18], [sflag:$0x3] =	stream.linear.gather [hbm4b:s10+s3], $0x100, $0x38;
	[tilespmem:$0x17A00] =	vst v63  }
0x58: {  	_ =	swait.ge [sflag:s16], $0x100  }
0x59: {  	[sflag:s16] =	ssyncset.done $0x0  }
0x5a: {  	[sflag:s16] =	ssyncadd.s32 $0xFFFFFF00  }
0x5b: {  	[spmem:s1] =	stream.indirect.scatter.add.f32 [tilespmem:s17], [sflag:$0x3], $0x80, s22, s19, $0xb8;
	[tilespmem:$0x17A00] =	vst v63  }
0x5c: {  	_ =	swait.ge [sflag:s16], $0x3C00  }
0x5d: {  	s24 =	sadd.s32 $0x1, s24;
	[sflag:s16] =	ssyncset.done $0x0  }
0x5e: {  	p0 =	sne.s32 s24, s12;
	[sflag:s16] =	ssyncadd.s32 $0xFFFFC400  }
.Ltmp1:
0x5f: {  	[bflag:$0x0] =	sbarrier.arrive $0xFFFF;
	(pc) =	sbr.rel @p0 .LBB2_1-.Ltmp1, $4  }
0x60: {  	[hbm:s11], [sflag:s6] =	dma.local [spmem:s15], $0x2780  }
0x61: {  	_ =	swait.ge [sflag:s16], $0x2780  }
0x62: {  	[sflag:s16] =	ssyncset.done $0x0  }
0x63: {  	[sflag:s16] =	ssyncadd.s32 $0xFFFFD880  }
0x64: {  	_ =	sfence.sel $0x180000  }
0x65: {  	[bflag:$0x0] =	sbarrier.arrive $0xFFFF  }
0x66: {  	p0 =	sne.s32 s2, $0x0;
	_ =	strace $0x90000047  }
0x67: {  	s0 =	sadd.s32 @!p0 $0x100000, s0;
	[bflag:$0x2] =	sbarrier.arrive $0xFFFF  }
0x68: {  	[sflag:s0] =	ssyncadd.tile.s32 @!p0 $0x1;
	_ =	shalt  }
.Lfunc_end2:
_tile_overlayer_lowered:
.L_overlay_start_2:
0x69: {  	(tag) =	ssettag $0x2  }
0x6a: {  	s0 =	rddreg [dreg:$0x0];
	s2 =	stileid.u32  }
0x6b: {  	s1 =	rddreg [dreg:$0x1];
	p0 =	sne.s32 s2, $0x0  }
0x6c: {  	s3 =	rddreg [dreg:$0x2];
	[bflag:$0x3] =	sbarrier.arrive $0xFFFF;
	s2 =	simm.s32 @!p0 $0x1C03  }
0x6d: {  	[timem:s3], [sflag:s2] =	dma.local @!p0 [hbm:s0], s1  }
0x6e: {  	s0 =	simm.s32 @!p0 $0x3  }
0x6f: {  	_ =	swait.ge @!p0 [sflag:s0], s1  }
0x70: {  	s1 =	ssub.s32 @!p0 $0x0, s1;
	[sflag:s0] =	ssyncset.done @!p0 $0x0  }
0x71: {  	[sflag:s0] =	ssyncadd.s32 @!p0 s1  }
0x72: {  	[bflag:$0x3] =	sbarrier.arrive $0xFFFF  }
0x73: {  	_ =	shalt  }

// kernel: kernel.13.cloned.1.call-start
scs
__scs_entry_jumppad:
0x0: {  	(pc) =	sbr.rel $0x88, $3  }
0x1: {  	(tag) =	ssettag $0x0;
	lr =	simm.s32 $0x1  }
0x2: {  	[smem:$0x3F94] =	sst lr;
	_ =	strace $0xD0000000  }
0x3: {  	_ = 	snop  }
0x4: {  	_ = 	snop  }
0x5: {  	_ = 	snop  }
0x6: {  	_ = 	snop  }
0x7: {  	_ = 	snop  }
__scs_overlays_trampoline_lowered:
0x8: {  	[smem:$0x3FA3] =	sst s0  }
0x9: {  	[smem:$0x3FA4] =	sst s1  }
0xa: {  	[smem:$0x3FA5] =	sst s2  }
0xb: {  	[smem:$0x3FA6] =	sst s3  }
0xc: {  	[smem:$0x3FA7] =	sst s4  }
0xd: {  	[smem:$0x3FA8] =	sst s5  }
0xe: {  	[smem:$0x3FA9] =	sst s6  }
0xf: {  	[smem:$0x3FAA] =	sst s7  }
0x10: {  	[smem:$0x3FAB] =	sst s8  }
0x11: {  	[smem:$0x3FAC] =	sst s9;
	s0 =	simm.s32 @!p0 $0x0  }
0x12: {  	s1 =	sld [smem:$0x3F92];
	s0 =	simm.s32 @p0 $0x1  }
0x13: {  	[smem:$0x3FAD] =	sst s0;
	s0 =	simm.s32 @!p1 $0x0  }
0x14: {  	s2 =	sld [smem:$0x3F91];
	s0 =	simm.s32 @p1 $0x1  }
0x15: {  	[smem:$0x3FAE] =	sst s0;
	s0 =	simm.s32 @!p2 $0x0  }
0x16: {  	s3 =	sld [smem:$0x3FDB];
	s0 =	simm.s32 @p2 $0x1  }
0x17: {  	s4 =	simm.s32 $0x1BF5;
	[smem:$0x3FB0] =	sst s0  }
0x18: {  	s0 =	sld [smem:$0x3F93];
	_ =	swait.ge [sflag:s4], $0x0  }
0x19: {  	s7 =	sld [smem:$0x3F94]  }
0x1a: {  	s8 =	sadd.s32 $0xFFFFE003, lr  }
0x1b: {  	s9 =	sadd.s32 $0xFFFFFEF7, lr;
	s5 =	simm.s32 $0xFFFFFFFF;
	p2 =	slt.u32 s8, $0xFFFFF086  }
0x1c: {  	p1 =	slt.u32 s9, $0xF7A;
	s5 =	simm.s32 @!p2 $0x0  }
0x1d: {  	s5 =	simm.s32 @p1 $0x1;
	p0 =	seq.s32 s7, s2  }
0x1e: {  	s7 =	smul.u32 @!p0 $0xF7A, s2;
	p2 =	seq.s32 @!p0 s5, $0x0  }
0x1f: {  	s9 =	smul.u32 $0xF7A, s1;
	s8 =	simm.s32 @!p0 $0x1BF5;
	p2 =	por !p2, p0  }
0x20: {  	[sflag:s8] =	ssyncset.s32 @!p0 $0xFFFFF086;
	s6 =	sadd.s32 @!p0 s3, s7;
	s7 =	simm.s32 @!p0 $0x108  }
0x21: {  	s3 =	sadd.s32 s3, s9;
	s6 =	sadd.s32 @!p0 $0x88, s6;
	s7 =	simm.s32 @p2 $0x1082  }
0x22: {  	[simem:s7], [sflag:s8] =	dma.local @!p0 [hbm:s6], $0xF7A  }
0x23: {  	s9 =	sor.u32 $0xD0000000, s2;
	s6 =	simm.s32 $0x108;
	_ =	swait.ge @!p0 [sflag:s8], $0x0  }
0x24: {  	s3 =	sadd.s32 $0x88, s3;
	s6 =	simm.s32 @!p1 $0x1082;
	[sflag:s4] =	ssyncset.s32 $0xFFFFF086  }
0x25: {  	[simem:s6], [sflag:s4] =	dma.local [hbm:s3], $0xF7A  }
0x26: {  	[smem:$0x3F94] =	sst s1;
	(tag) =	ssettag s2;
	_ =	strace s9  }
0x27: {  	s1 =	sld [smem:$0x3FA4]  }
0x28: {  	s2 =	sld [smem:$0x3FA5]  }
0x29: {  	s4 =	sld [smem:$0x3FA7]  }
0x2a: {  	p0 =	seq.s32 s5, $0x0;
	s5 =	sld [smem:$0x3FA8]  }
0x2b: {  	s6 =	sld [smem:$0x3FA9]  }
0x2c: {  	s7 =	sld [smem:$0x3FAA]  }
0x2d: {  	s3 =	simm.s32 $0x108;
	s8 =	sld [smem:$0x3FAB]  }
0x2e: {  	s3 =	simm.s32 @!p0 $0x1082;
	s9 =	sld [smem:$0x3FAC]  }
0x2f: {  	lr =	sadd.s32 s0, s3;
	s0 =	sld [smem:$0x3FA3]  }
0x30: {  	s3 =	sld [smem:$0x3FA6]  }
0x31: {  	[smem:$0x3FAF] =	sst s10  }
0x32: {  	s10 =	sld [smem:$0x3FAD];
	_ =	sdelay $0x3  }
0x33: {  	p0 =	seq.s32 s10, $0x1;
	s10 =	sld [smem:$0x3FAF];
	_ =	sdelay $0x3  }
0x34: {  	[smem:$0x3FAF] =	sst s10  }
0x35: {  	s10 =	sld [smem:$0x3FAE];
	_ =	sdelay $0x3  }
0x36: {  	p1 =	seq.s32 s10, $0x1;
	s10 =	sld [smem:$0x3FAF];
	_ =	sdelay $0x3  }
0x37: {  	[smem:$0x3FAF] =	sst s10  }
0x38: {  	s10 =	sld [smem:$0x3FB0]  }
0x39: {  	_ = 	snop;
	(pc) =	sbr.ind lr, $3  }
0x3a: {  	_ = 	snop  }
0x3b: {  	_ = 	snop  }
0x3c: {  	p2 =	seq.s32 s10, $0x1;
	s10 =	sld [smem:$0x3FAF]  }
0x3d: {  	_ =	shalt  }
0x3e: {  	_ =	shalt  }
0x3f: {  	_ =	shalt  }
0x40: {  	_ =	shalt  }
0x41: {  	_ =	shalt  }
0x42: {  	_ =	shalt  }
0x43: {  	_ =	shalt  }
0x44: {  	_ =	shalt  }
0x45: {  	_ =	shalt  }
0x46: {  	_ =	shalt  }
0x47: {  	_ =	shalt  }
0x48: {  	_ =	shalt  }
0x49: {  	_ =	shalt  }
0x4a: {  	_ =	shalt  }
0x4b: {  	_ =	shalt  }
0x4c: {  	_ =	shalt  }
0x4d: {  	_ =	shalt  }
0x4e: {  	_ =	shalt  }
0x4f: {  	_ =	shalt  }
0x50: {  	_ =	shalt  }
0x51: {  	_ =	shalt  }
0x52: {  	_ =	shalt  }
0x53: {  	_ =	shalt  }
0x54: {  	_ =	shalt  }
0x55: {  	_ =	shalt  }
0x56: {  	_ =	shalt  }
0x57: {  	_ =	shalt  }
0x58: {  	_ =	shalt  }
0x59: {  	_ =	shalt  }
0x5a: {  	_ =	shalt  }
0x5b: {  	_ =	shalt  }
0x5c: {  	_ =	shalt  }
0x5d: {  	_ =	shalt  }
0x5e: {  	_ =	shalt  }
0x5f: {  	_ =	shalt  }
0x60: {  	_ =	shalt  }
0x61: {  	_ =	shalt  }
0x62: {  	_ =	shalt  }
0x63: {  	_ =	shalt  }
0x64: {  	_ =	shalt  }
0x65: {  	_ =	shalt  }
0x66: {  	_ =	shalt  }
0x67: {  	_ =	shalt  }
0x68: {  	_ =	shalt  }
0x69: {  	_ =	shalt  }
0x6a: {  	_ =	shalt  }
0x6b: {  	_ =	shalt  }
0x6c: {  	_ =	shalt  }
0x6d: {  	_ =	shalt  }
0x6e: {  	_ =	shalt  }
0x6f: {  	_ =	shalt  }
0x70: {  	_ =	shalt  }
0x71: {  	_ =	shalt  }
0x72: {  	_ =	shalt  }
0x73: {  	_ =	shalt  }
0x74: {  	_ =	shalt  }
0x75: {  	_ =	shalt  }
0x76: {  	_ =	shalt  }
0x77: {  	_ =	shalt  }
0x78: {  	_ =	shalt  }
0x79: {  	_ =	shalt  }
0x7a: {  	_ =	shalt  }
0x7b: {  	_ =	shalt  }
0x7c: {  	_ =	shalt  }
0x7d: {  	_ =	shalt  }
0x7e: {  	_ =	shalt  }
0x7f: {  	_ =	shalt  }
0x80: {  	_ =	shalt  }
0x81: {  	_ =	shalt  }
0x82: {  	_ =	shalt  }
0x83: {  	_ =	shalt  }
0x84: {  	_ =	shalt  }
0x85: {  	_ =	shalt  }
0x86: {  	_ =	shalt  }
0x87: {  	_ =	shalt  }
.Lfunc_end0:
.L_simem_size_0:
called_computation.1_lowered:
.L_overlay_start_0:
0x88: {  	s2 =	sld [smem:$0x3FD9]  }
0x89: {  	s3 =	sld [smem:$0x3FFE];
	_ =	sdelay $0x1  }
0x8a: {  	s1 =	srdreg.scid  }
0x8b: {  	s0 =	sand.u32 $0x1, s1  }
0x8c: {  	s16 =	sshll.u32 s0, $0xA;
	s2 =	sadd.s32 s3, s2  }
0x8d: {  	s2 =	sadd.s32 s2, s16  }
0x8e: {  	[smem:$0x3FBB] =	sst s2  }
0x8f: {  	_ = 	snop  }
0x90: {  	(tm) =	ssettm $0x1  }
0x91: {  	s17 =	sld [smem:$0x3FFB];
	_ =	sdelay $0x3  }
0x92: {  	_ =	strace s17  }
0x93: {  	s2 =	sld [smem:$0x3FFC];
	_ =	sdelay $0x3  }
0x94: {  	_ =	strace s2  }
0x95: {  	s2 =	sld [smem:$0x3FFD];
	_ =	sdelay $0x3  }
0x96: {  	_ =	strace s2  }
0x97: {  	_ =	strace $0x8FFFFFFF  }
0x98: {  	s18 =	sld [smem:$0x3FDB];
	_ =	sdelay $0x1  }
0x99: {  	s19 =	simm.s32 $_scs_section_size  }
0x9a: {  	s4 =	simm.s32 $_size__tile_overlayer_lowered;
	s5 =	simm.s32 $_tile_overlayer_lowered  }
0x9b: {  	s22 =	simm.s32 $0x1BFF;
	s21 =	sshll.u32 s5, $0x1;
	s2 =	sadd.s32 s19, s18  }
0x9c: {  	s6 =	simm.s32 $0x0;
	s20 =	sshll.u32 s4, $0x1;
	s4 =	sadd.s32 s21, s2  }
0x9d: {  	[timem:s6], [sflag:s22] =	dma.local [hbm:s4], s20  }
0x9e: {  	_ =	swait.ge [sflag:s22], s20  }
0x9f: {  	s3 =	ssub.s32 $0x0, s20;
	[sflag:s22] =	ssyncset.done $0x0  }
0xa0: {  	[sflag:s22] =	ssyncadd.s32 s3;
	_ =	sdelay $0x1  }
0xa1: {  	s23 =	simm.s32 $0x1B8B  }
0xa2: {  	_ =	swait.ge [sflag:s23], $0x1  }
0xa3: {  	[sflag:s23] =	ssyncset.done $0x0  }
0xa4: {  	s25 =	simm.s32 $0x1B8E;
	s24 =	sld [smem:$0x3FFE];
	[sflag:s23] =	ssyncadd.s32 $0xFFFFFFFF  }
0xa5: {  	s26 =	simm.s32 $execute0_lowered;
	[smem:$0x3FD2] =	sst s25  }
0xa6: {  	s4 =	sshll.u32 s26, $0x1;
	_ =	strace $0x80000049;
	[dreg:$0x1] =	wrdreg $0xFFFFFFFF  }
0xa7: {  	s28 =	simm.s32 $_size_execute0_lowered;
	s2 =	sadd.s32 s2, s4;
	[dreg:$0x0] =	wrdreg $0x0  }
0xa8: {  	s4 =	sshll.u32 s28, $0x1;
	[dreg:$0x2] =	wrdreg s2  }
0xa9: {  	[dreg:$0x3] =	wrdreg s4  }
0xaa: {  	[dreg:$0x4] =	wrdreg $0xC0  }
0xab: {  	_ =	task [dreg:s6], $0x5FFFF  }
0xac: {  	[dreg:$0x1] =	wrdreg $0xFFFFFFFF  }
0xad: {  	[dreg:$0x0] =	wrdreg $0x60  }
0xae: {  	[dreg:$0x2] =	wrdreg s24  }
0xaf: {  	[dreg:$0x3] =	wrdreg $0xB7000  }
0xb0: {  	[dreg:$0x4] =	wrdreg $0x9  }
0xb1: {  	_ =	task.clear_ibuf [dreg:s6], $0x5FFFF;
	_ =	strace $0x90000049  }
0xb2: {  	s29 =	simm.s32 $0x9;
	_ =	strace $0x8000004B  }
0xb3: {  	_ =	swait.ge [sflag:s29], $0x1  }
0xb4: {  	[sflag:s29] =	ssyncadd.s32 $0xFFFFFFFF  }
0xb5: {  	_ =	strace $0x9000004B  }
0xb6: {  	_ =	sfence  }
0xb7: {  	s30 =	sld [smem:$0x0];
	_ =	sdelay $0x2  }
0xb8: {  	s31 =	sshll.u32 s1, $0xD;
	s1 =	sshrl.u32 s1, $0x2  }
0xb9: {  	s3 =	sand.u32 $0x4000, s31;
	s1 =	sadd.s32 s1, s30  }
0xba: {  	s0 =	sor.u32 s3, s0;
	s1 =	sshll.u32 s1, $0x11  }
0xbb: {  	s0 =	sor.u32 s1, s0  }
0xbc: {  	s0 =	sadd.s32 $0x8F2B, s0  }
0xbd: {  	[sflag:s0] =	ssyncadd.remote.s32 $0x1  }
0xbe: {  	_ =	sfence.sel $0xFFFF  }
0xbf: {  	[dreg:$0x0] =	wrdreg $0xFFFFFFFF;
	(pc) =	sbr.abs _section_cstart, $3  }
0xc0: {  	[dreg:$0x1] =	wrdreg $0xFFFFFFFF  }
0xc1: {  	_ =	task.clear_ibuf [dreg:s6], $0x2FFFF;
	_ =	strace $0x9FFFFFFF  }
0xc2: {  	(tm) =	ssettm $0x7FFFFFFF  }
0xc3: {  	_ =	shalt  }
tec
execute0_lowered:
.L_overlay_start_1:
0x0: {  	(tag) =	ssettag $0x1  }
0x1: {  	s0 =	rddreg [dreg:$0x0]  }
0x2: {  	s1 =	rddreg [dreg:$0x1];
	s2 =	srdreg.scid  }
0x3: {  	s3 =	simm.s32 $0x0;
	s11 =	stileid.u32;
	s16 =	simm.s32 $0x7  }
0x4: {  	s28 =	simm.s32 $0x5;
	s29 =	simm.s32 $0x180;
	s30 =	simm.s32 $0x2  }
0x5: {  	s31 =	simm.s32 $0x6;
	s2 =	sand.u32 $0x1, s2;
	s6 =	smul.u32 $0x13C00, s11  }
0x6: {  	[smem:$0x7FF] =	sst s3;
	s4 =	sadd.s32 $0x18800, s0;
	s17 =	smul.u32 $0x5400, s11  }
0x7: {  	s8 =	sadd.s32 $0x3800, s0;
	s9 =	sadd.s32 $0x3FA00, s0;
	s10 =	smul.u32 $0x4F000, s11  }
0x8: {  	s21 =	sshll.u32 s11, $0x6;
	s5 =	smul.u32 $0x13C000, s2;
	_ =	strace $0x8000004A  }
0x9: {  	s7 =	smul.u32 $0x54000, s2;
	[dreg:$0x3] =	wrdreg s9;
	s2 =	ssub.s32 $0x2, s2  }
0xa: {  	s18 =	sshrl.u32 s2, $0x1;
	s20 =	sshrl.u32 s10, $0x2;
	s5 =	sadd.s32 s6, s5  }
0xb: {  	s12 =	sadd.s32 s17, s7;
	s2 =	ssub.s32 s2, s18;
	s22 =	sadd.s32 s20, s1  }
0xc: {  	s7 =	sor.u32 $0x1C07, s21;
	s17 =	simm.s32 $0x78;
	s18 =	simm.s32 $0x300  }
0xd: {  	s20 =	simm.s32 $0x3F00;
	s21 =	simm.s32 $0x200;
	s5 =	sshrl.u32 s5, $0x3  }
0xe: {  	s19 =	sshrl.u32 s12, $0x3;
	s11 =	smax.u32 s2, $0x1;
	s25 =	sadd.s32 $0x500, s12  }
0xf: {  	s26 =	sadd.s32 $0x400, s12;
	s12 =	sor.u32 $0x300, s12;
	s15 =	sshrl.u32 s22, $0x3  }
0x10: {  	s22 =	simm.s32 $0x3;
	s0 =	sadd.s32 s5, s0;
	s6 =	sadd.s32 s8, s19  }
0x11: {  	s2 =	sshrl.u32 s26, $0x3;
	s14 =	sshrl.u32 s12, $0x3;
	s19 =	simm.s32 $0x100  }
0x12: {  	s26 =	simm.s32 $0x1;
	s23 =	sadd.s32 $0x20, s6;
	s24 =	sadd.s32 $0x40, s6  }
0x13: {  	s10 =	sadd.s32 $0x91200, s0;
	s0 =	sshrl.u32 s25, $0x3;
	s13 =	sadd.s32 s2, s8  }
0x14: {  	s14 =	sadd.s32 s14, s8;
	s25 =	simm.s32 $0x80;
	[dreg:$0x4] =	wrdreg s23  }
0x15: {  	s2 =	simm.s32 $0x0;
	[dreg:$0x5] =	wrdreg s24;
	s12 =	sadd.s32 s0, s8  }
0x16: {  	s23 =	simm.s32 $0x7B00;
	s24 =	simm.s32 $0x4;
	s0 =	simm.s32 $0x280  }
.LBB2_1:
0x17: {  	s5 =	rddreg [dreg:$0x3]  }
0x18: {  	[spmem:s15], [sflag:s7] =	dma.local [hbm:s5], $0x2780  }
0x19: {  	_ =	swait.ge [sflag:s16], $0x2780  }
0x1a: {  	[sflag:s16] =	ssyncset.done $0x0  }
0x1b: {  	[sflag:s16] =	ssyncadd.s32 $0xFFFFD880  }
0x1c: {  	[bflag:$0x0] =	sbarrier.arrive $0xFFFF  }
0x1d: {  	[tilespmem:s3], [sflag:$0x7] =	stream.linear.gather [hbm4b:s6+s3], $0x100, $0x38;
	[tilespmem:$0x1F300] =	vst v63  }
0x1e: {  	_ =	swait.ge [sflag:s16], $0x100  }
0x1f: {  	[sflag:s16] =	ssyncset.done $0x0  }
0x20: {  	[sflag:s16] =	ssyncadd.s32 $0xFFFFFF00  }
0x21: {  	[tilespmem:s18], [sflag:$0x4] =	stream.indirect.gather [hbm4b:s4+s17], $0x80, s3, s17, $0xb8;
	[tilespmem:$0x1F300] =	vst v63  }
0x22: {  	s8 =	rddreg [dreg:$0x4]  }
0x23: {  	[tilespmem:s19], [sflag:$0x7] =	stream.linear.gather [hbm4b:s8+s3], $0x100, $0x38;
	[tilespmem:$0x1F300] =	vst v63  }
0x24: {  	_ =	swait.ge [sflag:s16], $0x100  }
0x25: {  	[sflag:s16] =	ssyncset.done $0x0  }
0x26: {  	[sflag:s16] =	ssyncadd.s32 $0xFFFFFF00  }
0x27: {  	[tilespmem:s20], [sflag:$0x5] =	stream.indirect.gather [hbm4b:s4+s17], $0x80, s19, s17, $0xb8;
	[tilespmem:$0x1F300] =	vst v63  }
0x28: {  	s9 =	rddreg [dreg:$0x5]  }
0x29: {  	[tilespmem:s21], [sflag:$0x3] =	stream.linear.gather [hbm4b:s9+s3], $0x100, $0x38;
	[tilespmem:$0x1F300] =	vst v63  }
0x2a: {  	_ =	swait.ge [sflag:s22], $0x100  }
0x2b: {  	[sflag:s22] =	ssyncset.done $0x0  }
0x2c: {  	[sflag:s22] =	ssyncadd.s32 $0xFFFFFF00  }
0x2d: {  	[tilespmem:s23], [sflag:$0x6] =	stream.indirect.gather [hbm4b:s4+s17], $0x80, s21, s17, $0xb8;
	[tilespmem:$0x1F300] =	vst v63  }
0x2e: {  	_ =	swait.ge [sflag:s24], $0x3C00  }
0x2f: {  	[sflag:s24] =	ssyncset.done $0x0  }
0x30: {  	[sflag:s24] =	ssyncadd.s32 $0xFFFFC400  }
0x31: {  	[spmem:s1] =	stream.indirect.scatter.add.f32 [tilespmem:s18], [sflag:$0x7], $0x80, s25, s17, $0xb8;
	[tilespmem:$0x1F300] =	vst v63  }
0x32: {  	_ =	swait.ge [sflag:s16], $0x3C00  }
0x33: {  	[sflag:s16] =	ssyncset.done $0x0  }
0x34: {  	s8 =	sadd.s32 $0x0, s14;
	[sflag:s16] =	ssyncadd.s32 $0xFFFFC400  }
0x35: {  	[tilespmem:s3], [sflag:$0x1] =	stream.linear.gather [hbm4b:s8+s3], $0x100, $0x38;
	[tilespmem:$0x1F300] =	vst v63  }
0x36: {  	_ =	swait.ge [sflag:s26], $0x100  }
0x37: {  	[sflag:s26] =	ssyncset.done $0x0  }
0x38: {  	[sflag:s26] =	ssyncadd.s32 $0xFFFFFF00  }
0x39: {  	[tilespmem:s18], [sflag:$0x4] =	stream.indirect.gather [hbm4b:s4+s17], $0x80, s3, s17, $0xb8;
	[tilespmem:$0x1F300] =	vst v63  }
0x3a: {  	_ =	swait.ge [sflag:s28], $0x3C00  }
0x3b: {  	[sflag:s28] =	ssyncset.done $0x0  }
0x3c: {  	[sflag:s28] =	ssyncadd.s32 $0xFFFFC400  }
0x3d: {  	[spmem:s1] =	stream.indirect.scatter.add.f32 [tilespmem:s20], [sflag:$0x7], $0x80, s29, s17, $0xb8;
	[tilespmem:$0x1F300] =	vst v63  }
0x3e: {  	_ =	swait.ge [sflag:s16], $0x3C00  }
0x3f: {  	[sflag:s16] =	ssyncset.done $0x0  }
0x40: {  	s9 =	sadd.s32 $0x0, s13;
	[sflag:s16] =	ssyncadd.s32 $0xFFFFC400  }
0x41: {  	[tilespmem:s19], [sflag:$0x2] =	stream.linear.gather [hbm4b:s9+s3], $0x100, $0x38;
	[tilespmem:$0x1F300] =	vst v63  }
0x42: {  	_ =	swait.ge [sflag:s30], $0x100  }
0x43: {  	[sflag:s30] =	ssyncset.done $0x0  }
0x44: {  	[sflag:s30] =	ssyncadd.s32 $0xFFFFFF00  }
0x45: {  	[tilespmem:s20], [sflag:$0x5] =	stream.indirect.gather [hbm4b:s4+s17], $0x80, s19, s17, $0xb8;
	[tilespmem:$0x1F300] =	vst v63  }
0x46: {  	_ =	swait.ge [sflag:s31], $0x3C00  }
0x47: {  	[sflag:s31] =	ssyncset.done $0x0  }
0x48: {  	[sflag:s31] =	ssyncadd.s32 $0xFFFFC400  }
0x49: {  	[spmem:s1] =	stream.indirect.scatter.add.f32 [tilespmem:s23], [sflag:$0x7], $0x80, s0, s17, $0xb8;
	[tilespmem:$0x1F300] =	vst v63  }
0x4a: {  	_ =	swait.ge [sflag:s16], $0x3C00  }
0x4b: {  	[sflag:s16] =	ssyncset.done $0x0  }
0x4c: {  	s5 =	simm.s32 $0x60;
	s8 =	sadd.s32 $0x0, s12;
	[sflag:s16] =	ssyncadd.s32 $0xFFFFC400  }
.LBB2_2:
0x4d: {  	[tilespmem:s21], [sflag:$0x3] =	stream.linear.gather [hbm4b:s8+s3], $0x100, $0x38;
	[tilespmem:$0x1F300] =	vst v63  }
0x4e: {  	s8 =	smov.u32 s5  }
0x4f: {  	p0 =	sne.s32 s5, $0x9C0;
	s5 =	sadd.s32 $0x60, s5;
	_ =	swait.ge [sflag:s22], $0x100  }
0x50: {  	[sflag:s22] =	ssyncset.done $0x0  }
0x51: {  	[sflag:s22] =	ssyncadd.s32 $0xFFFFFF00  }
0x52: {  	[tilespmem:s23], [sflag:$0x6] =	stream.indirect.gather [hbm4b:s4+s17], $0x80, s21, s17, $0xb8;
	[tilespmem:$0x1F300] =	vst v63  }
0x53: {  	_ =	swait.ge [sflag:s24], $0x3C00  }
0x54: {  	[sflag:s24] =	ssyncset.done $0x0  }
0x55: {  	[sflag:s24] =	ssyncadd.s32 $0xFFFFC400  }
0x56: {  	[spmem:s1] =	stream.indirect.scatter.add.f32 [tilespmem:s18], [sflag:$0x7], $0x80, s25, s17, $0xb8;
	[tilespmem:$0x1F300] =	vst v63  }
0x57: {  	_ =	swait.ge [sflag:s16], $0x3C00  }
0x58: {  	[sflag:s16] =	ssyncset.done $0x0  }
0x59: {  	s9 =	sadd.s32 s8, s14;
	[sflag:s16] =	ssyncadd.s32 $0xFFFFC400  }
0x5a: {  	[tilespmem:s3], [sflag:$0x1] =	stream.linear.gather [hbm4b:s9+s3], $0x100, $0x38;
	[tilespmem:$0x1F300] =	vst v63  }
0x5b: {  	_ =	swait.ge [sflag:s26], $0x100  }
0x5c: {  	[sflag:s26] =	ssyncset.done $0x0  }
0x5d: {  	[sflag:s26] =	ssyncadd.s32 $0xFFFFFF00  }
0x5e: {  	[tilespmem:s18], [sflag:$0x4] =	stream.indirect.gather [hbm4b:s4+s17], $0x80, s3, s17, $0xb8;
	[tilespmem:$0x1F300] =	vst v63  }
0x5f: {  	_ =	swait.ge [sflag:s28], $0x3C00  }
0x60: {  	[sflag:s28] =	ssyncset.done $0x0  }
0x61: {  	[sflag:s28] =	ssyncadd.s32 $0xFFFFC400  }
0x62: {  	[spmem:s1] =	stream.indirect.scatter.add.f32 [tilespmem:s20], [sflag:$0x7], $0x80, s29, s17, $0xb8;
	[tilespmem:$0x1F300] =	vst v63  }
0x63: {  	_ =	swait.ge [sflag:s16], $0x3C00  }
0x64: {  	[sflag:s16] =	ssyncset.done $0x0  }
0x65: {  	s9 =	sadd.s32 s8, s13;
	[sflag:s16] =	ssyncadd.s32 $0xFFFFC400  }
0x66: {  	[tilespmem:s19], [sflag:$0x2] =	stream.linear.gather [hbm4b:s9+s3], $0x100, $0x38;
	[tilespmem:$0x1F300] =	vst v63  }
0x67: {  	_ =	swait.ge [sflag:s30], $0x100  }
0x68: {  	[sflag:s30] =	ssyncset.done $0x0  }
0x69: {  	[sflag:s30] =	ssyncadd.s32 $0xFFFFFF00  }
0x6a: {  	[tilespmem:s20], [sflag:$0x5] =	stream.indirect.gather [hbm4b:s4+s17], $0x80, s19, s17, $0xb8;
	[tilespmem:$0x1F300] =	vst v63  }
0x6b: {  	_ =	swait.ge [sflag:s31], $0x3C00  }
0x6c: {  	[sflag:s31] =	ssyncset.done $0x0  }
.Ltmp0:
0x6d: {  	[sflag:s31] =	ssyncadd.s32 $0xFFFFC400;
	(pc) =	sbr.rel @p0 .LBB2_2-.Ltmp0, $4  }
0x6e: {  	[spmem:s1] =	stream.indirect.scatter.add.f32 [tilespmem:s23], [sflag:$0x7], $0x80, s0, s17, $0xb8;
	[tilespmem:$0x1F300] =	vst v63  }
0x6f: {  	_ =	swait.ge [sflag:s16], $0x3C00  }
0x70: {  	[sflag:s16] =	ssyncset.done $0x0  }
0x71: {  	s8 =	sadd.s32 s8, s12;
	[sflag:s16] =	ssyncadd.s32 $0xFFFFC400  }
0x72: {  	[tilespmem:s21], [sflag:$0x3] =	stream.linear.gather [hbm4b:s8+s3], $0x100, $0x38;
	[tilespmem:$0x1F300] =	vst v63  }
0x73: {  	_ =	swait.ge [sflag:s22], $0x100  }
0x74: {  	[sflag:s22] =	ssyncset.done $0x0  }
0x75: {  	[sflag:s22] =	ssyncadd.s32 $0xFFFFFF00  }
0x76: {  	[tilespmem:s23], [sflag:$0x6] =	stream.indirect.gather [hbm4b:s4+s17], $0x80, s21, s17, $0xb8;
	[tilespmem:$0x1F300] =	vst v63  }
0x77: {  	_ =	swait.ge [sflag:s24], $0x3C00  }
0x78: {  	[sflag:s24] =	ssyncset.done $0x0  }
0x79: {  	[sflag:s24] =	ssyncadd.s32 $0xFFFFC400  }
0x7a: {  	[spmem:s1] =	stream.indirect.scatter.add.f32 [tilespmem:s18], [sflag:$0x7], $0x80, s25, s17, $0xb8;
	[tilespmem:$0x1F300] =	vst v63  }
0x7b: {  	_ =	swait.ge [sflag:s16], $0x3C00  }
0x7c: {  	[sflag:s16] =	ssyncset.done $0x0  }
0x7d: {  	[sflag:s16] =	ssyncadd.s32 $0xFFFFC400  }
0x7e: {  	_ =	swait.ge [sflag:s28], $0x3C00  }
0x7f: {  	[sflag:s28] =	ssyncset.done $0x0  }
0x80: {  	[sflag:s28] =	ssyncadd.s32 $0xFFFFC400  }
0x81: {  	[spmem:s1] =	stream.indirect.scatter.add.f32 [tilespmem:s20], [sflag:$0x7], $0x80, s29, s17, $0xb8;
	[tilespmem:$0x1F300] =	vst v63  }
0x82: {  	_ =	swait.ge [sflag:s16], $0x3C00  }
0x83: {  	[sflag:s16] =	ssyncset.done $0x0  }
0x84: {  	[sflag:s16] =	ssyncadd.s32 $0xFFFFC400  }
0x85: {  	_ =	swait.ge [sflag:s31], $0x3C00  }
0x86: {  	[sflag:s31] =	ssyncset.done $0x0  }
0x87: {  	[sflag:s31] =	ssyncadd.s32 $0xFFFFC400  }
0x88: {  	[spmem:s1] =	stream.indirect.scatter.add.f32 [tilespmem:s23], [sflag:$0x7], $0x80, s0, s17, $0xb8;
	[tilespmem:$0x1F300] =	vst v63  }
0x89: {  	_ =	swait.ge [sflag:s16], $0x3C00  }
0x8a: {  	s2 =	sadd.s32 $0x1, s2;
	[sflag:s16] =	ssyncset.done $0x0  }
0x8b: {  	p0 =	sne.s32 s2, s11;
	[sflag:s16] =	ssyncadd.s32 $0xFFFFC400  }
.Ltmp1:
0x8c: {  	[bflag:$0x0] =	sbarrier.arrive $0xFFFF;
	(pc) =	sbr.rel @p0 .LBB2_1-.Ltmp1, $4  }
0x8d: {  	[hbm:s10], [sflag:s7] =	dma.local [spmem:s15], $0x2780  }
0x8e: {  	_ =	swait.ge [sflag:s16], $0x2780  }
0x8f: {  	[sflag:s16] =	ssyncset.done $0x0  }
0x90: {  	[sflag:s16] =	ssyncadd.s32 $0xFFFFD880  }
0x91: {  	_ =	sfence.sel $0x180000  }
0x92: {  	[bflag:$0x0] =	sbarrier.arrive $0xFFFF  }
0x93: {  	_ =	strace $0x9000004A  }
0x94: {  	s0 =	stileid.u32;
	[bflag:$0x2] =	sbarrier.arrive $0xFFFF  }
0x95: {  	p0 =	sne.s32 s0, $0x0;
	s0 =	rddreg [dreg:$0x2]  }
0x96: {  	s0 =	sadd.s32 @!p0 $0x100000, s0  }
0x97: {  	[sflag:s0] =	ssyncadd.tile.s32 @!p0 $0x1;
	_ =	shalt  }
.Lfunc_end2:
_tile_overlayer_lowered:
.L_overlay_start_2:
0x98: {  	(tag) =	ssettag $0x2  }
0x99: {  	s0 =	rddreg [dreg:$0x0];
	s2 =	stileid.u32  }
0x9a: {  	s1 =	rddreg [dreg:$0x1];
	p0 =	sne.s32 s2, $0x0  }
0x9b: {  	s3 =	rddreg [dreg:$0x2];
	[bflag:$0x3] =	sbarrier.arrive $0xFFFF;
	s2 =	simm.s32 @!p0 $0x1C07  }
0x9c: {  	[timem:s3], [sflag:s2] =	dma.local @!p0 [hbm:s0], s1  }
0x9d: {  	s0 =	simm.s32 @!p0 $0x7  }
0x9e: {  	_ =	swait.ge @!p0 [sflag:s0], s1  }
0x9f: {  	s1 =	ssub.s32 @!p0 $0x0, s1;
	[sflag:s0] =	ssyncset.done @!p0 $0x0  }
0xa0: {  	[sflag:s0] =	ssyncadd.s32 @!p0 s1  }
0xa1: {  	[bflag:$0x3] =	sbarrier.arrive $0xFFFF  }
0xa2: {  	_ =	shalt  }

// kernel: kernel.16.cloned.1.call-start
scs
__scs_entry_jumppad:
0x0: {  	(pc) =	sbr.rel $0x88, $3  }
0x1: {  	(tag) =	ssettag $0x0;
	lr =	simm.s32 $0x1  }
0x2: {  	[smem:$0x3F94] =	sst lr;
	_ =	strace $0xD0000000  }
0x3: {  	_ = 	snop  }
0x4: {  	_ = 	snop  }
0x5: {  	_ = 	snop  }
0x6: {  	_ = 	snop  }
0x7: {  	_ = 	snop  }
__scs_overlays_trampoline_lowered:
0x8: {  	[smem:$0x3FA3] =	sst s0  }
0x9: {  	[smem:$0x3FA4] =	sst s1  }
0xa: {  	[smem:$0x3FA5] =	sst s2  }
0xb: {  	[smem:$0x3FA6] =	sst s3  }
0xc: {  	[smem:$0x3FA7] =	sst s4  }
0xd: {  	[smem:$0x3FA8] =	sst s5  }
0xe: {  	[smem:$0x3FA9] =	sst s6  }
0xf: {  	[smem:$0x3FAA] =	sst s7  }
0x10: {  	[smem:$0x3FAB] =	sst s8  }
0x11: {  	[smem:$0x3FAC] =	sst s9;
	s0 =	simm.s32 @!p0 $0x0  }
0x12: {  	s1 =	sld [smem:$0x3F92];
	s0 =	simm.s32 @p0 $0x1  }
0x13: {  	[smem:$0x3FAD] =	sst s0;
	s0 =	simm.s32 @!p1 $0x0  }
0x14: {  	s2 =	sld [smem:$0x3F91];
	s0 =	simm.s32 @p1 $0x1  }
0x15: {  	[smem:$0x3FAE] =	sst s0;
	s0 =	simm.s32 @!p2 $0x0  }
0x16: {  	s3 =	sld [smem:$0x3FDB];
	s0 =	simm.s32 @p2 $0x1  }
0x17: {  	s4 =	simm.s32 $0x1BF5;
	[smem:$0x3FB0] =	sst s0  }
0x18: {  	s0 =	sld [smem:$0x3F93];
	_ =	swait.ge [sflag:s4], $0x0  }
0x19: {  	s7 =	sld [smem:$0x3F94]  }
0x1a: {  	s8 =	sadd.s32 $0xFFFFE003, lr  }
0x1b: {  	s9 =	sadd.s32 $0xFFFFFEF7, lr;
	s5 =	simm.s32 $0xFFFFFFFF;
	p2 =	slt.u32 s8, $0xFFFFF086  }
0x1c: {  	p1 =	slt.u32 s9, $0xF7A;
	s5 =	simm.s32 @!p2 $0x0  }
0x1d: {  	s5 =	simm.s32 @p1 $0x1;
	p0 =	seq.s32 s7, s2  }
0x1e: {  	s7 =	smul.u32 @!p0 $0xF7A, s2;
	p2 =	seq.s32 @!p0 s5, $0x0  }
0x1f: {  	s9 =	smul.u32 $0xF7A, s1;
	s8 =	simm.s32 @!p0 $0x1BF5;
	p2 =	por !p2, p0  }
0x20: {  	[sflag:s8] =	ssyncset.s32 @!p0 $0xFFFFF086;
	s6 =	sadd.s32 @!p0 s3, s7;
	s7 =	simm.s32 @!p0 $0x108  }
0x21: {  	s3 =	sadd.s32 s3, s9;
	s6 =	sadd.s32 @!p0 $0x88, s6;
	s7 =	simm.s32 @p2 $0x1082  }
0x22: {  	[simem:s7], [sflag:s8] =	dma.local @!p0 [hbm:s6], $0xF7A  }
0x23: {  	s9 =	sor.u32 $0xD0000000, s2;
	s6 =	simm.s32 $0x108;
	_ =	swait.ge @!p0 [sflag:s8], $0x0  }
0x24: {  	s3 =	sadd.s32 $0x88, s3;
	s6 =	simm.s32 @!p1 $0x1082;
	[sflag:s4] =	ssyncset.s32 $0xFFFFF086  }
0x25: {  	[simem:s6], [sflag:s4] =	dma.local [hbm:s3], $0xF7A  }
0x26: {  	[smem:$0x3F94] =	sst s1;
	(tag) =	ssettag s2;
	_ =	strace s9  }
0x27: {  	s1 =	sld [smem:$0x3FA4]  }
0x28: {  	s2 =	sld [smem:$0x3FA5]  }
0x29: {  	s4 =	sld [smem:$0x3FA7]  }
0x2a: {  	p0 =	seq.s32 s5, $0x0;
	s5 =	sld [smem:$0x3FA8]  }
0x2b: {  	s6 =	sld [smem:$0x3FA9]  }
0x2c: {  	s7 =	sld [smem:$0x3FAA]  }
0x2d: {  	s3 =	simm.s32 $0x108;
	s8 =	sld [smem:$0x3FAB]  }
0x2e: {  	s3 =	simm.s32 @!p0 $0x1082;
	s9 =	sld [smem:$0x3FAC]  }
0x2f: {  	lr =	sadd.s32 s0, s3;
	s0 =	sld [smem:$0x3FA3]  }
0x30: {  	s3 =	sld [smem:$0x3FA6]  }
0x31: {  	[smem:$0x3FAF] =	sst s10  }
0x32: {  	s10 =	sld [smem:$0x3FAD];
	_ =	sdelay $0x3  }
0x33: {  	p0 =	seq.s32 s10, $0x1;
	s10 =	sld [smem:$0x3FAF];
	_ =	sdelay $0x3  }
0x34: {  	[smem:$0x3FAF] =	sst s10  }
0x35: {  	s10 =	sld [smem:$0x3FAE];
	_ =	sdelay $0x3  }
0x36: {  	p1 =	seq.s32 s10, $0x1;
	s10 =	sld [smem:$0x3FAF];
	_ =	sdelay $0x3  }
0x37: {  	[smem:$0x3FAF] =	sst s10  }
0x38: {  	s10 =	sld [smem:$0x3FB0]  }
0x39: {  	_ = 	snop;
	(pc) =	sbr.ind lr, $3  }
0x3a: {  	_ = 	snop  }
0x3b: {  	_ = 	snop  }
0x3c: {  	p2 =	seq.s32 s10, $0x1;
	s10 =	sld [smem:$0x3FAF]  }
0x3d: {  	_ =	shalt  }
0x3e: {  	_ =	shalt  }
0x3f: {  	_ =	shalt  }
0x40: {  	_ =	shalt  }
0x41: {  	_ =	shalt  }
0x42: {  	_ =	shalt  }
0x43: {  	_ =	shalt  }
0x44: {  	_ =	shalt  }
0x45: {  	_ =	shalt  }
0x46: {  	_ =	shalt  }
0x47: {  	_ =	shalt  }
0x48: {  	_ =	shalt  }
0x49: {  	_ =	shalt  }
0x4a: {  	_ =	shalt  }
0x4b: {  	_ =	shalt  }
0x4c: {  	_ =	shalt  }
0x4d: {  	_ =	shalt  }
0x4e: {  	_ =	shalt  }
0x4f: {  	_ =	shalt  }
0x50: {  	_ =	shalt  }
0x51: {  	_ =	shalt  }
0x52: {  	_ =	shalt  }
0x53: {  	_ =	shalt  }
0x54: {  	_ =	shalt  }
0x55: {  	_ =	shalt  }
0x56: {  	_ =	shalt  }
0x57: {  	_ =	shalt  }
0x58: {  	_ =	shalt  }
0x59: {  	_ =	shalt  }
0x5a: {  	_ =	shalt  }
0x5b: {  	_ =	shalt  }
0x5c: {  	_ =	shalt  }
0x5d: {  	_ =	shalt  }
0x5e: {  	_ =	shalt  }
0x5f: {  	_ =	shalt  }
0x60: {  	_ =	shalt  }
0x61: {  	_ =	shalt  }
0x62: {  	_ =	shalt  }
0x63: {  	_ =	shalt  }
0x64: {  	_ =	shalt  }
0x65: {  	_ =	shalt  }
0x66: {  	_ =	shalt  }
0x67: {  	_ =	shalt  }
0x68: {  	_ =	shalt  }
0x69: {  	_ =	shalt  }
0x6a: {  	_ =	shalt  }
0x6b: {  	_ =	shalt  }
0x6c: {  	_ =	shalt  }
0x6d: {  	_ =	shalt  }
0x6e: {  	_ =	shalt  }
0x6f: {  	_ =	shalt  }
0x70: {  	_ =	shalt  }
0x71: {  	_ =	shalt  }
0x72: {  	_ =	shalt  }
0x73: {  	_ =	shalt  }
0x74: {  	_ =	shalt  }
0x75: {  	_ =	shalt  }
0x76: {  	_ =	shalt  }
0x77: {  	_ =	shalt  }
0x78: {  	_ =	shalt  }
0x79: {  	_ =	shalt  }
0x7a: {  	_ =	shalt  }
0x7b: {  	_ =	shalt  }
0x7c: {  	_ =	shalt  }
0x7d: {  	_ =	shalt  }
0x7e: {  	_ =	shalt  }
0x7f: {  	_ =	shalt  }
0x80: {  	_ =	shalt  }
0x81: {  	_ =	shalt  }
0x82: {  	_ =	shalt  }
0x83: {  	_ =	shalt  }
0x84: {  	_ =	shalt  }
0x85: {  	_ =	shalt  }
0x86: {  	_ =	shalt  }
0x87: {  	_ =	shalt  }
.Lfunc_end0:
.L_simem_size_0:
called_computation.2_lowered:
.L_overlay_start_0:
0x88: {  	s2 =	sld [smem:$0x3FD9]  }
0x89: {  	s3 =	sld [smem:$0x3FFE];
	_ =	sdelay $0x1  }
0x8a: {  	s1 =	srdreg.scid  }
0x8b: {  	s0 =	sand.u32 $0x1, s1  }
0x8c: {  	s16 =	sshll.u32 s0, $0xA;
	s2 =	sadd.s32 s3, s2  }
0x8d: {  	s2 =	sadd.s32 s2, s16  }
0x8e: {  	[smem:$0x3FBB] =	sst s2  }
0x8f: {  	_ = 	snop  }
0x90: {  	(tm) =	ssettm $0x1  }
0x91: {  	s17 =	sld [smem:$0x3FFB];
	_ =	sdelay $0x3  }
0x92: {  	_ =	strace s17  }
0x93: {  	s2 =	sld [smem:$0x3FFC];
	_ =	sdelay $0x3  }
0x94: {  	_ =	strace s2  }
0x95: {  	s2 =	sld [smem:$0x3FFD];
	_ =	sdelay $0x3  }
0x96: {  	_ =	strace s2  }
0x97: {  	_ =	strace $0x8FFFFFFF  }
0x98: {  	s18 =	sld [smem:$0x3FDB];
	_ =	sdelay $0x1  }
0x99: {  	s19 =	simm.s32 $_scs_section_size  }
0x9a: {  	s4 =	simm.s32 $_size__tile_overlayer_lowered;
	s5 =	simm.s32 $_tile_overlayer_lowered  }
0x9b: {  	s22 =	simm.s32 $0x1BFF;
	s21 =	sshll.u32 s5, $0x1;
	s2 =	sadd.s32 s19, s18  }
0x9c: {  	s6 =	simm.s32 $0x0;
	s20 =	sshll.u32 s4, $0x1;
	s4 =	sadd.s32 s21, s2  }
0x9d: {  	[timem:s6], [sflag:s22] =	dma.local [hbm:s4], s20  }
0x9e: {  	_ =	swait.ge [sflag:s22], s20  }
0x9f: {  	s3 =	ssub.s32 $0x0, s20;
	[sflag:s22] =	ssyncset.done $0x0  }
0xa0: {  	[sflag:s22] =	ssyncadd.s32 s3;
	_ =	sdelay $0x1  }
0xa1: {  	s23 =	simm.s32 $0x1B8B  }
0xa2: {  	_ =	swait.ge [sflag:s23], $0x1  }
0xa3: {  	[sflag:s23] =	ssyncset.done $0x0  }
0xa4: {  	s25 =	simm.s32 $0x1B8E;
	s24 =	sld [smem:$0x3FFE];
	[sflag:s23] =	ssyncadd.s32 $0xFFFFFFFF  }
0xa5: {  	s26 =	simm.s32 $execute0_lowered;
	[smem:$0x3FD2] =	sst s25  }
0xa6: {  	s4 =	sshll.u32 s26, $0x1;
	_ =	strace $0x8000004C;
	[dreg:$0x1] =	wrdreg $0xFFFFFFFF  }
0xa7: {  	s28 =	simm.s32 $_size_execute0_lowered;
	s2 =	sadd.s32 s2, s4;
	[dreg:$0x0] =	wrdreg $0x0  }
0xa8: {  	s4 =	sshll.u32 s28, $0x1;
	[dreg:$0x2] =	wrdreg s2  }
0xa9: {  	[dreg:$0x3] =	wrdreg s4  }
0xaa: {  	[dreg:$0x4] =	wrdreg $0xC0  }
0xab: {  	_ =	task [dreg:s6], $0x5FFFF  }
0xac: {  	[dreg:$0x1] =	wrdreg $0xFFFFFFFF  }
0xad: {  	[dreg:$0x0] =	wrdreg $0x60  }
0xae: {  	[dreg:$0x2] =	wrdreg s24  }
0xaf: {  	[dreg:$0x3] =	wrdreg $0xB7000  }
0xb0: {  	[dreg:$0x4] =	wrdreg $0x9  }
0xb1: {  	_ =	task.clear_ibuf [dreg:s6], $0x5FFFF;
	_ =	strace $0x9000004C  }
0xb2: {  	s29 =	simm.s32 $0x9;
	_ =	strace $0x8000004E  }
0xb3: {  	_ =	swait.ge [sflag:s29], $0x1  }
0xb4: {  	[sflag:s29] =	ssyncadd.s32 $0xFFFFFFFF  }
0xb5: {  	_ =	strace $0x9000004E  }
0xb6: {  	_ =	sfence  }
0xb7: {  	s30 =	sld [smem:$0x0];
	_ =	sdelay $0x2  }
0xb8: {  	s31 =	sshll.u32 s1, $0xD;
	s1 =	sshrl.u32 s1, $0x2  }
0xb9: {  	s3 =	sand.u32 $0x4000, s31;
	s1 =	sadd.s32 s1, s30  }
0xba: {  	s0 =	sor.u32 s3, s0;
	s1 =	sshll.u32 s1, $0x11  }
0xbb: {  	s0 =	sor.u32 s1, s0  }
0xbc: {  	s0 =	sadd.s32 $0x8F2B, s0  }
0xbd: {  	[sflag:s0] =	ssyncadd.remote.s32 $0x1  }
0xbe: {  	_ =	sfence.sel $0xFFFF  }
0xbf: {  	[dreg:$0x0] =	wrdreg $0xFFFFFFFF;
	(pc) =	sbr.abs _section_cstart, $3  }
0xc0: {  	[dreg:$0x1] =	wrdreg $0xFFFFFFFF  }
0xc1: {  	_ =	task.clear_ibuf [dreg:s6], $0x2FFFF;
	_ =	strace $0x9FFFFFFF  }
0xc2: {  	(tm) =	ssettm $0x7FFFFFFF  }
0xc3: {  	_ =	shalt  }
tec
execute0_lowered:
.L_overlay_start_1:
0x0: {  	(tag) =	ssettag $0x1  }
0x1: {  	s0 =	rddreg [dreg:$0x0]  }
0x2: {  	s1 =	rddreg [dreg:$0x1];
	s2 =	srdreg.scid  }
0x3: {  	s3 =	simm.s32 $0x0;
	s11 =	stileid.u32;
	s16 =	simm.s32 $0x7  }
0x4: {  	s28 =	simm.s32 $0x5;
	s29 =	simm.s32 $0x180;
	s30 =	simm.s32 $0x2  }
0x5: {  	s31 =	simm.s32 $0x6;
	s2 =	sand.u32 $0x1, s2;
	s6 =	smul.u32 $0x13C00, s11  }
0x6: {  	[smem:$0x7FF] =	sst s3;
	s4 =	sadd.s32 $0x18800, s0;
	s17 =	smul.u32 $0x5400, s11  }
0x7: {  	s8 =	sadd.s32 $0x3800, s0;
	s9 =	sadd.s32 $0x3FA00, s0;
	s10 =	smul.u32 $0x4F000, s11  }
0x8: {  	s21 =	sshll.u32 s11, $0x6;
	s5 =	smul.u32 $0x13C000, s2;
	_ =	strace $0x8000004D  }
0x9: {  	s7 =	smul.u32 $0x54000, s2;
	[dreg:$0x3] =	wrdreg s9;
	s2 =	ssub.s32 $0x2, s2  }
0xa: {  	s18 =	sshrl.u32 s2, $0x1;
	s20 =	sshrl.u32 s10, $0x2;
	s5 =	sadd.s32 s6, s5  }
0xb: {  	s12 =	sadd.s32 s17, s7;
	s2 =	ssub.s32 s2, s18;
	s22 =	sadd.s32 s20, s1  }
0xc: {  	s7 =	sor.u32 $0x1C07, s21;
	s17 =	simm.s32 $0x78;
	s18 =	simm.s32 $0x300  }
0xd: {  	s20 =	simm.s32 $0x3F00;
	s21 =	simm.s32 $0x200;
	s5 =	sshrl.u32 s5, $0x3  }
0xe: {  	s19 =	sshrl.u32 s12, $0x3;
	s11 =	smax.u32 s2, $0x1;
	s25 =	sadd.s32 $0x500, s12  }
0xf: {  	s26 =	sadd.s32 $0x400, s12;
	s12 =	sor.u32 $0x300, s12;
	s15 =	sshrl.u32 s22, $0x3  }
0x10: {  	s22 =	simm.s32 $0x3;
	s0 =	sadd.s32 s5, s0;
	s6 =	sadd.s32 s8, s19  }
0x11: {  	s2 =	sshrl.u32 s26, $0x3;
	s14 =	sshrl.u32 s12, $0x3;
	s19 =	simm.s32 $0x100  }
0x12: {  	s26 =	simm.s32 $0x1;
	s23 =	sadd.s32 $0x20, s6;
	s24 =	sadd.s32 $0x40, s6  }
0x13: {  	s10 =	sadd.s32 $0x91200, s0;
	s0 =	sshrl.u32 s25, $0x3;
	s13 =	sadd.s32 s2, s8  }
0x14: {  	s14 =	sadd.s32 s14, s8;
	s25 =	simm.s32 $0x80;
	[dreg:$0x4] =	wrdreg s23  }
0x15: {  	s2 =	simm.s32 $0x0;
	[dreg:$0x5] =	wrdreg s24;
	s12 =	sadd.s32 s0, s8  }
0x16: {  	s23 =	simm.s32 $0x7B00;
	s24 =	simm.s32 $0x4;
	s0 =	simm.s32 $0x280  }
.LBB2_1:
0x17: {  	s5 =	rddreg [dreg:$0x3]  }
0x18: {  	[spmem:s15], [sflag:s7] =	dma.local [hbm:s5], $0x2780  }
0x19: {  	_ =	swait.ge [sflag:s16], $0x2780  }
0x1a: {  	[sflag:s16] =	ssyncset.done $0x0  }
0x1b: {  	[sflag:s16] =	ssyncadd.s32 $0xFFFFD880  }
0x1c: {  	[bflag:$0x0] =	sbarrier.arrive $0xFFFF  }
0x1d: {  	[tilespmem:s3], [sflag:$0x7] =	stream.linear.gather [hbm4b:s6+s3], $0x100, $0x38;
	[tilespmem:$0x1F300] =	vst v63  }
0x1e: {  	_ =	swait.ge [sflag:s16], $0x100  }
0x1f: {  	[sflag:s16] =	ssyncset.done $0x0  }
0x20: {  	[sflag:s16] =	ssyncadd.s32 $0xFFFFFF00  }
0x21: {  	[tilespmem:s18], [sflag:$0x4] =	stream.indirect.gather [hbm4b:s4+s17], $0x80, s3, s17, $0xb8;
	[tilespmem:$0x1F300] =	vst v63  }
0x22: {  	s8 =	rddreg [dreg:$0x4]  }
0x23: {  	[tilespmem:s19], [sflag:$0x7] =	stream.linear.gather [hbm4b:s8+s3], $0x100, $0x38;
	[tilespmem:$0x1F300] =	vst v63  }
0x24: {  	_ =	swait.ge [sflag:s16], $0x100  }
0x25: {  	[sflag:s16] =	ssyncset.done $0x0  }
0x26: {  	[sflag:s16] =	ssyncadd.s32 $0xFFFFFF00  }
0x27: {  	[tilespmem:s20], [sflag:$0x5] =	stream.indirect.gather [hbm4b:s4+s17], $0x80, s19, s17, $0xb8;
	[tilespmem:$0x1F300] =	vst v63  }
0x28: {  	s9 =	rddreg [dreg:$0x5]  }
0x29: {  	[tilespmem:s21], [sflag:$0x3] =	stream.linear.gather [hbm4b:s9+s3], $0x100, $0x38;
	[tilespmem:$0x1F300] =	vst v63  }
0x2a: {  	_ =	swait.ge [sflag:s22], $0x100  }
0x2b: {  	[sflag:s22] =	ssyncset.done $0x0  }
0x2c: {  	[sflag:s22] =	ssyncadd.s32 $0xFFFFFF00  }
0x2d: {  	[tilespmem:s23], [sflag:$0x6] =	stream.indirect.gather [hbm4b:s4+s17], $0x80, s21, s17, $0xb8;
	[tilespmem:$0x1F300] =	vst v63  }
0x2e: {  	_ =	swait.ge [sflag:s24], $0x3C00  }
0x2f: {  	[sflag:s24] =	ssyncset.done $0x0  }
0x30: {  	[sflag:s24] =	ssyncadd.s32 $0xFFFFC400  }
0x31: {  	[spmem:s1] =	stream.indirect.scatter.add.f32 [tilespmem:s18], [sflag:$0x7], $0x80, s25, s17, $0xb8;
	[tilespmem:$0x1F300] =	vst v63  }
0x32: {  	_ =	swait.ge [sflag:s16], $0x3C00  }
0x33: {  	[sflag:s16] =	ssyncset.done $0x0  }
0x34: {  	s8 =	sadd.s32 $0x0, s14;
	[sflag:s16] =	ssyncadd.s32 $0xFFFFC400  }
0x35: {  	[tilespmem:s3], [sflag:$0x1] =	stream.linear.gather [hbm4b:s8+s3], $0x100, $0x38;
	[tilespmem:$0x1F300] =	vst v63  }
0x36: {  	_ =	swait.ge [sflag:s26], $0x100  }
0x37: {  	[sflag:s26] =	ssyncset.done $0x0  }
0x38: {  	[sflag:s26] =	ssyncadd.s32 $0xFFFFFF00  }
0x39: {  	[tilespmem:s18], [sflag:$0x4] =	stream.indirect.gather [hbm4b:s4+s17], $0x80, s3, s17, $0xb8;
	[tilespmem:$0x1F300] =	vst v63  }
0x3a: {  	_ =	swait.ge [sflag:s28], $0x3C00  }
0x3b: {  	[sflag:s28] =	ssyncset.done $0x0  }
0x3c: {  	[sflag:s28] =	ssyncadd.s32 $0xFFFFC400  }
0x3d: {  	[spmem:s1] =	stream.indirect.scatter.add.f32 [tilespmem:s20], [sflag:$0x7], $0x80, s29, s17, $0xb8;
	[tilespmem:$0x1F300] =	vst v63  }
0x3e: {  	_ =	swait.ge [sflag:s16], $0x3C00  }
0x3f: {  	[sflag:s16] =	ssyncset.done $0x0  }
0x40: {  	s9 =	sadd.s32 $0x0, s13;
	[sflag:s16] =	ssyncadd.s32 $0xFFFFC400  }
0x41: {  	[tilespmem:s19], [sflag:$0x2] =	stream.linear.gather [hbm4b:s9+s3], $0x100, $0x38;
	[tilespmem:$0x1F300] =	vst v63  }
0x42: {  	_ =	swait.ge [sflag:s30], $0x100  }
0x43: {  	[sflag:s30] =	ssyncset.done $0x0  }
0x44: {  	[sflag:s30] =	ssyncadd.s32 $0xFFFFFF00  }
0x45: {  	[tilespmem:s20], [sflag:$0x5] =	stream.indirect.gather [hbm4b:s4+s17], $0x80, s19, s17, $0xb8;
	[tilespmem:$0x1F300] =	vst v63  }
0x46: {  	_ =	swait.ge [sflag:s31], $0x3C00  }
0x47: {  	[sflag:s31] =	ssyncset.done $0x0  }
0x48: {  	[sflag:s31] =	ssyncadd.s32 $0xFFFFC400  }
0x49: {  	[spmem:s1] =	stream.indirect.scatter.add.f32 [tilespmem:s23], [sflag:$0x7], $0x80, s0, s17, $0xb8;
	[tilespmem:$0x1F300] =	vst v63  }
0x4a: {  	_ =	swait.ge [sflag:s16], $0x3C00  }
0x4b: {  	[sflag:s16] =	ssyncset.done $0x0  }
0x4c: {  	s5 =	simm.s32 $0x60;
	s8 =	sadd.s32 $0x0, s12;
	[sflag:s16] =	ssyncadd.s32 $0xFFFFC400  }
.LBB2_2:
0x4d: {  	[tilespmem:s21], [sflag:$0x3] =	stream.linear.gather [hbm4b:s8+s3], $0x100, $0x38;
	[tilespmem:$0x1F300] =	vst v63  }
0x4e: {  	s8 =	smov.u32 s5  }
0x4f: {  	p0 =	sne.s32 s5, $0x9C0;
	s5 =	sadd.s32 $0x60, s5;
	_ =	swait.ge [sflag:s22], $0x100  }
0x50: {  	[sflag:s22] =	ssyncset.done $0x0  }
0x51: {  	[sflag:s22] =	ssyncadd.s32 $0xFFFFFF00  }
0x52: {  	[tilespmem:s23], [sflag:$0x6] =	stream.indirect.gather [hbm4b:s4+s17], $0x80, s21, s17, $0xb8;
	[tilespmem:$0x1F300] =	vst v63  }
0x53: {  	_ =	swait.ge [sflag:s24], $0x3C00  }
0x54: {  	[sflag:s24] =	ssyncset.done $0x0  }
0x55: {  	[sflag:s24] =	ssyncadd.s32 $0xFFFFC400  }
0x56: {  	[spmem:s1] =	stream.indirect.scatter.add.f32 [tilespmem:s18], [sflag:$0x7], $0x80, s25, s17, $0xb8;
	[tilespmem:$0x1F300] =	vst v63  }
0x57: {  	_ =	swait.ge [sflag:s16], $0x3C00  }
0x58: {  	[sflag:s16] =	ssyncset.done $0x0  }
0x59: {  	s9 =	sadd.s32 s8, s14;
	[sflag:s16] =	ssyncadd.s32 $0xFFFFC400  }
0x5a: {  	[tilespmem:s3], [sflag:$0x1] =	stream.linear.gather [hbm4b:s9+s3], $0x100, $0x38;
	[tilespmem:$0x1F300] =	vst v63  }
0x5b: {  	_ =	swait.ge [sflag:s26], $0x100  }
0x5c: {  	[sflag:s26] =	ssyncset.done $0x0  }
0x5d: {  	[sflag:s26] =	ssyncadd.s32 $0xFFFFFF00  }
0x5e: {  	[tilespmem:s18], [sflag:$0x4] =	stream.indirect.gather [hbm4b:s4+s17], $0x80, s3, s17, $0xb8;
	[tilespmem:$0x1F300] =	vst v63  }
0x5f: {  	_ =	swait.ge [sflag:s28], $0x3C00  }
0x60: {  	[sflag:s28] =	ssyncset.done $0x0  }
0x61: {  	[sflag:s28] =	ssyncadd.s32 $0xFFFFC400  }
0x62: {  	[spmem:s1] =	stream.indirect.scatter.add.f32 [tilespmem:s20], [sflag:$0x7], $0x80, s29, s17, $0xb8;
	[tilespmem:$0x1F300] =	vst v63  }
0x63: {  	_ =	swait.ge [sflag:s16], $0x3C00  }
0x64: {  	[sflag:s16] =	ssyncset.done $0x0  }
0x65: {  	s9 =	sadd.s32 s8, s13;
	[sflag:s16] =	ssyncadd.s32 $0xFFFFC400  }
0x66: {  	[tilespmem:s19], [sflag:$0x2] =	stream.linear.gather [hbm4b:s9+s3], $0x100, $0x38;
	[tilespmem:$0x1F300] =	vst v63  }
0x67: {  	_ =	swait.ge [sflag:s30], $0x100  }
0x68: {  	[sflag:s30] =	ssyncset.done $0x0  }
0x69: {  	[sflag:s30] =	ssyncadd.s32 $0xFFFFFF00  }
0x6a: {  	[tilespmem:s20], [sflag:$0x5] =	stream.indirect.gather [hbm4b:s4+s17], $0x80, s19, s17, $0xb8;
	[tilespmem:$0x1F300] =	vst v63  }
0x6b: {  	_ =	swait.ge [sflag:s31], $0x3C00  }
0x6c: {  	[sflag:s31] =	ssyncset.done $0x0  }
.Ltmp0:
0x6d: {  	[sflag:s31] =	ssyncadd.s32 $0xFFFFC400;
	(pc) =	sbr.rel @p0 .LBB2_2-.Ltmp0, $4  }
0x6e: {  	[spmem:s1] =	stream.indirect.scatter.add.f32 [tilespmem:s23], [sflag:$0x7], $0x80, s0, s17, $0xb8;
	[tilespmem:$0x1F300] =	vst v63  }
0x6f: {  	_ =	swait.ge [sflag:s16], $0x3C00  }
0x70: {  	[sflag:s16] =	ssyncset.done $0x0  }
0x71: {  	s8 =	sadd.s32 s8, s12;
	[sflag:s16] =	ssyncadd.s32 $0xFFFFC400  }
0x72: {  	[tilespmem:s21], [sflag:$0x3] =	stream.linear.gather [hbm4b:s8+s3], $0x100, $0x38;
	[tilespmem:$0x1F300] =	vst v63  }
0x73: {  	_ =	swait.ge [sflag:s22], $0x100  }
0x74: {  	[sflag:s22] =	ssyncset.done $0x0  }
0x75: {  	[sflag:s22] =	ssyncadd.s32 $0xFFFFFF00  }
0x76: {  	[tilespmem:s23], [sflag:$0x6] =	stream.indirect.gather [hbm4b:s4+s17], $0x80, s21, s17, $0xb8;
	[tilespmem:$0x1F300] =	vst v63  }
0x77: {  	_ =	swait.ge [sflag:s24], $0x3C00  }
0x78: {  	[sflag:s24] =	ssyncset.done $0x0  }
0x79: {  	[sflag:s24] =	ssyncadd.s32 $0xFFFFC400  }
0x7a: {  	[spmem:s1] =	stream.indirect.scatter.add.f32 [tilespmem:s18], [sflag:$0x7], $0x80, s25, s17, $0xb8;
	[tilespmem:$0x1F300] =	vst v63  }
0x7b: {  	_ =	swait.ge [sflag:s16], $0x3C00  }
0x7c: {  	[sflag:s16] =	ssyncset.done $0x0  }
0x7d: {  	[sflag:s16] =	ssyncadd.s32 $0xFFFFC400  }
0x7e: {  	_ =	swait.ge [sflag:s28], $0x3C00  }
0x7f: {  	[sflag:s28] =	ssyncset.done $0x0  }
0x80: {  	[sflag:s28] =	ssyncadd.s32 $0xFFFFC400  }
0x81: {  	[spmem:s1] =	stream.indirect.scatter.add.f32 [tilespmem:s20], [sflag:$0x7], $0x80, s29, s17, $0xb8;
	[tilespmem:$0x1F300] =	vst v63  }
0x82: {  	_ =	swait.ge [sflag:s16], $0x3C00  }
0x83: {  	[sflag:s16] =	ssyncset.done $0x0  }
0x84: {  	[sflag:s16] =	ssyncadd.s32 $0xFFFFC400  }
0x85: {  	_ =	swait.ge [sflag:s31], $0x3C00  }
0x86: {  	[sflag:s31] =	ssyncset.done $0x0  }
0x87: {  	[sflag:s31] =	ssyncadd.s32 $0xFFFFC400  }
0x88: {  	[spmem:s1] =	stream.indirect.scatter.add.f32 [tilespmem:s23], [sflag:$0x7], $0x80, s0, s17, $0xb8;
	[tilespmem:$0x1F300] =	vst v63  }
0x89: {  	_ =	swait.ge [sflag:s16], $0x3C00  }
0x8a: {  	s2 =	sadd.s32 $0x1, s2;
	[sflag:s16] =	ssyncset.done $0x0  }
0x8b: {  	p0 =	sne.s32 s2, s11;
	[sflag:s16] =	ssyncadd.s32 $0xFFFFC400  }
.Ltmp1:
0x8c: {  	[bflag:$0x0] =	sbarrier.arrive $0xFFFF;
	(pc) =	sbr.rel @p0 .LBB2_1-.Ltmp1, $4  }
0x8d: {  	[hbm:s10], [sflag:s7] =	dma.local [spmem:s15], $0x2780  }
0x8e: {  	_ =	swait.ge [sflag:s16], $0x2780  }
0x8f: {  	[sflag:s16] =	ssyncset.done $0x0  }
0x90: {  	[sflag:s16] =	ssyncadd.s32 $0xFFFFD880  }
0x91: {  	_ =	sfence.sel $0x180000  }
0x92: {  	[bflag:$0x0] =	sbarrier.arrive $0xFFFF  }
0x93: {  	_ =	strace $0x9000004D  }
0x94: {  	s0 =	stileid.u32;
	[bflag:$0x2] =	sbarrier.arrive $0xFFFF  }
0x95: {  	p0 =	sne.s32 s0, $0x0;
	s0 =	rddreg [dreg:$0x2]  }
0x96: {  	s0 =	sadd.s32 @!p0 $0x100000, s0  }
0x97: {  	[sflag:s0] =	ssyncadd.tile.s32 @!p0 $0x1;
	_ =	shalt  }
.Lfunc_end2:
_tile_overlayer_lowered:
.L_overlay_start_2:
0x98: {  	(tag) =	ssettag $0x2  }
0x99: {  	s0 =	rddreg [dreg:$0x0];
	s2 =	stileid.u32  }
0x9a: {  	s1 =	rddreg [dreg:$0x1];
	p0 =	sne.s32 s2, $0x0  }
0x9b: {  	s3 =	rddreg [dreg:$0x2];
	[bflag:$0x3] =	sbarrier.arrive $0xFFFF;
	s2 =	simm.s32 @!p0 $0x1C07  }
0x9c: {  	[timem:s3], [sflag:s2] =	dma.local @!p0 [hbm:s0], s1  }
0x9d: {  	s0 =	simm.s32 @!p0 $0x7  }
0x9e: {  	_ =	swait.ge @!p0 [sflag:s0], s1  }
0x9f: {  	s1 =	ssub.s32 @!p0 $0x0, s1;
	[sflag:s0] =	ssyncset.done @!p0 $0x0  }
0xa0: {  	[sflag:s0] =	ssyncadd.s32 @!p0 s1  }
0xa1: {  	[bflag:$0x3] =	sbarrier.arrive $0xFFFF  }
0xa2: {  	_ =	shalt  }

// kernel: kernel.19.cloned.1.call-start
scs
__scs_entry_jumppad:
0x0: {  	(pc) =	sbr.rel $0x88, $3  }
0x1: {  	(tag) =	ssettag $0x0;
	lr =	simm.s32 $0x1  }
0x2: {  	[smem:$0x3F94] =	sst lr;
	_ =	strace $0xD0000000  }
0x3: {  	_ = 	snop  }
0x4: {  	_ = 	snop  }
0x5: {  	_ = 	snop  }
0x6: {  	_ = 	snop  }
0x7: {  	_ = 	snop  }
__scs_overlays_trampoline_lowered:
0x8: {  	[smem:$0x3FA3] =	sst s0  }
0x9: {  	[smem:$0x3FA4] =	sst s1  }
0xa: {  	[smem:$0x3FA5] =	sst s2  }
0xb: {  	[smem:$0x3FA6] =	sst s3  }
0xc: {  	[smem:$0x3FA7] =	sst s4  }
0xd: {  	[smem:$0x3FA8] =	sst s5  }
0xe: {  	[smem:$0x3FA9] =	sst s6  }
0xf: {  	[smem:$0x3FAA] =	sst s7  }
0x10: {  	[smem:$0x3FAB] =	sst s8  }
0x11: {  	[smem:$0x3FAC] =	sst s9;
	s0 =	simm.s32 @!p0 $0x0  }
0x12: {  	s1 =	sld [smem:$0x3F92];
	s0 =	simm.s32 @p0 $0x1  }
0x13: {  	[smem:$0x3FAD] =	sst s0;
	s0 =	simm.s32 @!p1 $0x0  }
0x14: {  	s2 =	sld [smem:$0x3F91];
	s0 =	simm.s32 @p1 $0x1  }
0x15: {  	[smem:$0x3FAE] =	sst s0;
	s0 =	simm.s32 @!p2 $0x0  }
0x16: {  	s3 =	sld [smem:$0x3FDB];
	s0 =	simm.s32 @p2 $0x1  }
0x17: {  	s4 =	simm.s32 $0x1BF5;
	[smem:$0x3FB0] =	sst s0  }
0x18: {  	s0 =	sld [smem:$0x3F93];
	_ =	swait.ge [sflag:s4], $0x0  }
0x19: {  	s7 =	sld [smem:$0x3F94]  }
0x1a: {  	s8 =	sadd.s32 $0xFFFFE003, lr  }
0x1b: {  	s9 =	sadd.s32 $0xFFFFFEF7, lr;
	s5 =	simm.s32 $0xFFFFFFFF;
	p2 =	slt.u32 s8, $0xFFFFF086  }
0x1c: {  	p1 =	slt.u32 s9, $0xF7A;
	s5 =	simm.s32 @!p2 $0x0  }
0x1d: {  	s5 =	simm.s32 @p1 $0x1;
	p0 =	seq.s32 s7, s2  }
0x1e: {  	s7 =	smul.u32 @!p0 $0xF7A, s2;
	p2 =	seq.s32 @!p0 s5, $0x0  }
0x1f: {  	s9 =	smul.u32 $0xF7A, s1;
	s8 =	simm.s32 @!p0 $0x1BF5;
	p2 =	por !p2, p0  }
0x20: {  	[sflag:s8] =	ssyncset.s32 @!p0 $0xFFFFF086;
	s6 =	sadd.s32 @!p0 s3, s7;
	s7 =	simm.s32 @!p0 $0x108  }
0x21: {  	s3 =	sadd.s32 s3, s9;
	s6 =	sadd.s32 @!p0 $0x88, s6;
	s7 =	simm.s32 @p2 $0x1082  }
0x22: {  	[simem:s7], [sflag:s8] =	dma.local @!p0 [hbm:s6], $0xF7A  }
0x23: {  	s9 =	sor.u32 $0xD0000000, s2;
	s6 =	simm.s32 $0x108;
	_ =	swait.ge @!p0 [sflag:s8], $0x0  }
0x24: {  	s3 =	sadd.s32 $0x88, s3;
	s6 =	simm.s32 @!p1 $0x1082;
	[sflag:s4] =	ssyncset.s32 $0xFFFFF086  }
0x25: {  	[simem:s6], [sflag:s4] =	dma.local [hbm:s3], $0xF7A  }
0x26: {  	[smem:$0x3F94] =	sst s1;
	(tag) =	ssettag s2;
	_ =	strace s9  }
0x27: {  	s1 =	sld [smem:$0x3FA4]  }
0x28: {  	s2 =	sld [smem:$0x3FA5]  }
0x29: {  	s4 =	sld [smem:$0x3FA7]  }
0x2a: {  	p0 =	seq.s32 s5, $0x0;
	s5 =	sld [smem:$0x3FA8]  }
0x2b: {  	s6 =	sld [smem:$0x3FA9]  }
0x2c: {  	s7 =	sld [smem:$0x3FAA]  }
0x2d: {  	s3 =	simm.s32 $0x108;
	s8 =	sld [smem:$0x3FAB]  }
0x2e: {  	s3 =	simm.s32 @!p0 $0x1082;
	s9 =	sld [smem:$0x3FAC]  }
0x2f: {  	lr =	sadd.s32 s0, s3;
	s0 =	sld [smem:$0x3FA3]  }
0x30: {  	s3 =	sld [smem:$0x3FA6]  }
0x31: {  	[smem:$0x3FAF] =	sst s10  }
0x32: {  	s10 =	sld [smem:$0x3FAD];
	_ =	sdelay $0x3  }
0x33: {  	p0 =	seq.s32 s10, $0x1;
	s10 =	sld [smem:$0x3FAF];
	_ =	sdelay $0x3  }
0x34: {  	[smem:$0x3FAF] =	sst s10  }
0x35: {  	s10 =	sld [smem:$0x3FAE];
	_ =	sdelay $0x3  }
0x36: {  	p1 =	seq.s32 s10, $0x1;
	s10 =	sld [smem:$0x3FAF];
	_ =	sdelay $0x3  }
0x37: {  	[smem:$0x3FAF] =	sst s10  }
0x38: {  	s10 =	sld [smem:$0x3FB0]  }
0x39: {  	_ = 	snop;
	(pc) =	sbr.ind lr, $3  }
0x3a: {  	_ = 	snop  }
0x3b: {  	_ = 	snop  }
0x3c: {  	p2 =	seq.s32 s10, $0x1;
	s10 =	sld [smem:$0x3FAF]  }
0x3d: {  	_ =	shalt  }
0x3e: {  	_ =	shalt  }
0x3f: {  	_ =	shalt  }
0x40: {  	_ =	shalt  }
0x41: {  	_ =	shalt  }
0x42: {  	_ =	shalt  }
0x43: {  	_ =	shalt  }
0x44: {  	_ =	shalt  }
0x45: {  	_ =	shalt  }
0x46: {  	_ =	shalt  }
0x47: {  	_ =	shalt  }
0x48: {  	_ =	shalt  }
0x49: {  	_ =	shalt  }
0x4a: {  	_ =	shalt  }
0x4b: {  	_ =	shalt  }
0x4c: {  	_ =	shalt  }
0x4d: {  	_ =	shalt  }
0x4e: {  	_ =	shalt  }
0x4f: {  	_ =	shalt  }
0x50: {  	_ =	shalt  }
0x51: {  	_ =	shalt  }
0x52: {  	_ =	shalt  }
0x53: {  	_ =	shalt  }
0x54: {  	_ =	shalt  }
0x55: {  	_ =	shalt  }
0x56: {  	_ =	shalt  }
0x57: {  	_ =	shalt  }
0x58: {  	_ =	shalt  }
0x59: {  	_ =	shalt  }
0x5a: {  	_ =	shalt  }
0x5b: {  	_ =	shalt  }
0x5c: {  	_ =	shalt  }
0x5d: {  	_ =	shalt  }
0x5e: {  	_ =	shalt  }
0x5f: {  	_ =	shalt  }
0x60: {  	_ =	shalt  }
0x61: {  	_ =	shalt  }
0x62: {  	_ =	shalt  }
0x63: {  	_ =	shalt  }
0x64: {  	_ =	shalt  }
0x65: {  	_ =	shalt  }
0x66: {  	_ =	shalt  }
0x67: {  	_ =	shalt  }
0x68: {  	_ =	shalt  }
0x69: {  	_ =	shalt  }
0x6a: {  	_ =	shalt  }
0x6b: {  	_ =	shalt  }
0x6c: {  	_ =	shalt  }
0x6d: {  	_ =	shalt  }
0x6e: {  	_ =	shalt  }
0x6f: {  	_ =	shalt  }
0x70: {  	_ =	shalt  }
0x71: {  	_ =	shalt  }
0x72: {  	_ =	shalt  }
0x73: {  	_ =	shalt  }
0x74: {  	_ =	shalt  }
0x75: {  	_ =	shalt  }
0x76: {  	_ =	shalt  }
0x77: {  	_ =	shalt  }
0x78: {  	_ =	shalt  }
0x79: {  	_ =	shalt  }
0x7a: {  	_ =	shalt  }
0x7b: {  	_ =	shalt  }
0x7c: {  	_ =	shalt  }
0x7d: {  	_ =	shalt  }
0x7e: {  	_ =	shalt  }
0x7f: {  	_ =	shalt  }
0x80: {  	_ =	shalt  }
0x81: {  	_ =	shalt  }
0x82: {  	_ =	shalt  }
0x83: {  	_ =	shalt  }
0x84: {  	_ =	shalt  }
0x85: {  	_ =	shalt  }
0x86: {  	_ =	shalt  }
0x87: {  	_ =	shalt  }
.Lfunc_end0:
.L_simem_size_0:
called_computation.3_lowered:
.L_overlay_start_0:
0x88: {  	s2 =	sld [smem:$0x3FD9]  }
0x89: {  	s3 =	sld [smem:$0x3FFE];
	_ =	sdelay $0x1  }
0x8a: {  	s1 =	srdreg.scid  }
0x8b: {  	s0 =	sand.u32 $0x1, s1  }
0x8c: {  	s16 =	sshll.u32 s0, $0xA;
	s2 =	sadd.s32 s3, s2  }
0x8d: {  	s2 =	sadd.s32 s2, s16  }
0x8e: {  	[smem:$0x3FBB] =	sst s2  }
0x8f: {  	_ = 	snop  }
0x90: {  	(tm) =	ssettm $0x1  }
0x91: {  	s17 =	sld [smem:$0x3FFB];
	_ =	sdelay $0x3  }
0x92: {  	_ =	strace s17  }
0x93: {  	s2 =	sld [smem:$0x3FFC];
	_ =	sdelay $0x3  }
0x94: {  	_ =	strace s2  }
0x95: {  	s2 =	sld [smem:$0x3FFD];
	_ =	sdelay $0x3  }
0x96: {  	_ =	strace s2  }
0x97: {  	_ =	strace $0x8FFFFFFF  }
0x98: {  	s18 =	sld [smem:$0x3FDB];
	_ =	sdelay $0x1  }
0x99: {  	s19 =	simm.s32 $_scs_section_size  }
0x9a: {  	s4 =	simm.s32 $_size__tile_overlayer_lowered;
	s5 =	simm.s32 $_tile_overlayer_lowered  }
0x9b: {  	s22 =	simm.s32 $0x1BFF;
	s21 =	sshll.u32 s5, $0x1;
	s2 =	sadd.s32 s19, s18  }
0x9c: {  	s6 =	simm.s32 $0x0;
	s20 =	sshll.u32 s4, $0x1;
	s4 =	sadd.s32 s21, s2  }
0x9d: {  	[timem:s6], [sflag:s22] =	dma.local [hbm:s4], s20  }
0x9e: {  	_ =	swait.ge [sflag:s22], s20  }
0x9f: {  	s3 =	ssub.s32 $0x0, s20;
	[sflag:s22] =	ssyncset.done $0x0  }
0xa0: {  	[sflag:s22] =	ssyncadd.s32 s3;
	_ =	sdelay $0x1  }
0xa1: {  	s23 =	simm.s32 $0x1B8B  }
0xa2: {  	_ =	swait.ge [sflag:s23], $0x1  }
0xa3: {  	[sflag:s23] =	ssyncset.done $0x0  }
0xa4: {  	s25 =	simm.s32 $0x1B8E;
	s24 =	sld [smem:$0x3FFE];
	[sflag:s23] =	ssyncadd.s32 $0xFFFFFFFF  }
0xa5: {  	s26 =	simm.s32 $execute0_lowered;
	[smem:$0x3FD2] =	sst s25  }
0xa6: {  	s4 =	sshll.u32 s26, $0x1;
	_ =	strace $0x8000004F;
	[dreg:$0x1] =	wrdreg $0xFFFFFFFF  }
0xa7: {  	s28 =	simm.s32 $_size_execute0_lowered;
	s2 =	sadd.s32 s2, s4;
	[dreg:$0x0] =	wrdreg $0x0  }
0xa8: {  	s4 =	sshll.u32 s28, $0x1;
	[dreg:$0x2] =	wrdreg s2  }
0xa9: {  	[dreg:$0x3] =	wrdreg s4  }
0xaa: {  	[dreg:$0x4] =	wrdreg $0xC0  }
0xab: {  	_ =	task [dreg:s6], $0x5FFFF  }
0xac: {  	[dreg:$0x1] =	wrdreg $0xFFFFFFFF  }
0xad: {  	[dreg:$0x0] =	wrdreg $0x60  }
0xae: {  	[dreg:$0x2] =	wrdreg s24  }
0xaf: {  	[dreg:$0x3] =	wrdreg $0xB7000  }
0xb0: {  	[dreg:$0x4] =	wrdreg $0x9  }
0xb1: {  	_ =	task.clear_ibuf [dreg:s6], $0x5FFFF;
	_ =	strace $0x9000004F  }
0xb2: {  	s29 =	simm.s32 $0x9;
	_ =	strace $0x80000051  }
0xb3: {  	_ =	swait.ge [sflag:s29], $0x1  }
0xb4: {  	[sflag:s29] =	ssyncadd.s32 $0xFFFFFFFF  }
0xb5: {  	_ =	strace $0x90000051  }
0xb6: {  	_ =	sfence  }
0xb7: {  	s30 =	sld [smem:$0x0];
	_ =	sdelay $0x2  }
0xb8: {  	s31 =	sshll.u32 s1, $0xD;
	s1 =	sshrl.u32 s1, $0x2  }
0xb9: {  	s3 =	sand.u32 $0x4000, s31;
	s1 =	sadd.s32 s1, s30  }
0xba: {  	s0 =	sor.u32 s3, s0;
	s1 =	sshll.u32 s1, $0x11  }
0xbb: {  	s0 =	sor.u32 s1, s0  }
0xbc: {  	s0 =	sadd.s32 $0x8F2B, s0  }
0xbd: {  	[sflag:s0] =	ssyncadd.remote.s32 $0x1  }
0xbe: {  	_ =	sfence.sel $0xFFFF  }
0xbf: {  	[dreg:$0x0] =	wrdreg $0xFFFFFFFF;
	(pc) =	sbr.abs _section_cstart, $3  }
0xc0: {  	[dreg:$0x1] =	wrdreg $0xFFFFFFFF  }
0xc1: {  	_ =	task.clear_ibuf [dreg:s6], $0x2FFFF;
	_ =	strace $0x9FFFFFFF  }
0xc2: {  	(tm) =	ssettm $0x7FFFFFFF  }
0xc3: {  	_ =	shalt  }
tec
execute0_lowered:
.L_overlay_start_1:
0x0: {  	(tag) =	ssettag $0x1  }
0x1: {  	s0 =	rddreg [dreg:$0x0]  }
0x2: {  	s1 =	rddreg [dreg:$0x1];
	s2 =	srdreg.scid  }
0x3: {  	s3 =	simm.s32 $0x0;
	s11 =	stileid.u32;
	s16 =	simm.s32 $0x7  }
0x4: {  	s28 =	simm.s32 $0x5;
	s29 =	simm.s32 $0x180;
	s30 =	simm.s32 $0x2  }
0x5: {  	s31 =	simm.s32 $0x6;
	s2 =	sand.u32 $0x1, s2;
	s6 =	smul.u32 $0x13C00, s11  }
0x6: {  	[smem:$0x7FF] =	sst s3;
	s4 =	sadd.s32 $0x18800, s0;
	s17 =	smul.u32 $0x5400, s11  }
0x7: {  	s8 =	sadd.s32 $0x3800, s0;
	s9 =	sadd.s32 $0x3FA00, s0;
	s10 =	smul.u32 $0x4F000, s11  }
0x8: {  	s21 =	sshll.u32 s11, $0x6;
	s5 =	smul.u32 $0x13C000, s2;
	_ =	strace $0x80000050  }
0x9: {  	s7 =	smul.u32 $0x54000, s2;
	[dreg:$0x3] =	wrdreg s9;
	s2 =	ssub.s32 $0x2, s2  }
0xa: {  	s18 =	sshrl.u32 s2, $0x1;
	s20 =	sshrl.u32 s10, $0x2;
	s5 =	sadd.s32 s6, s5  }
0xb: {  	s12 =	sadd.s32 s17, s7;
	s2 =	ssub.s32 s2, s18;
	s22 =	sadd.s32 s20, s1  }
0xc: {  	s7 =	sor.u32 $0x1C07, s21;
	s17 =	simm.s32 $0x78;
	s18 =	simm.s32 $0x300  }
0xd: {  	s20 =	simm.s32 $0x3F00;
	s21 =	simm.s32 $0x200;
	s5 =	sshrl.u32 s5, $0x3  }
0xe: {  	s19 =	sshrl.u32 s12, $0x3;
	s11 =	smax.u32 s2, $0x1;
	s25 =	sadd.s32 $0x500, s12  }
0xf: {  	s26 =	sadd.s32 $0x400, s12;
	s12 =	sor.u32 $0x300, s12;
	s15 =	sshrl.u32 s22, $0x3  }
0x10: {  	s22 =	simm.s32 $0x3;
	s0 =	sadd.s32 s5, s0;
	s6 =	sadd.s32 s8, s19  }
0x11: {  	s2 =	sshrl.u32 s26, $0x3;
	s14 =	sshrl.u32 s12, $0x3;
	s19 =	simm.s32 $0x100  }
0x12: {  	s26 =	simm.s32 $0x1;
	s23 =	sadd.s32 $0x20, s6;
	s24 =	sadd.s32 $0x40, s6  }
0x13: {  	s10 =	sadd.s32 $0x91200, s0;
	s0 =	sshrl.u32 s25, $0x3;
	s13 =	sadd.s32 s2, s8  }
0x14: {  	s14 =	sadd.s32 s14, s8;
	s25 =	simm.s32 $0x80;
	[dreg:$0x4] =	wrdreg s23  }
0x15: {  	s2 =	simm.s32 $0x0;
	[dreg:$0x5] =	wrdreg s24;
	s12 =	sadd.s32 s0, s8  }
0x16: {  	s23 =	simm.s32 $0x7B00;
	s24 =	simm.s32 $0x4;
	s0 =	simm.s32 $0x280  }
.LBB2_1:
0x17: {  	s5 =	rddreg [dreg:$0x3]  }
0x18: {  	[spmem:s15], [sflag:s7] =	dma.local [hbm:s5], $0x2780  }
0x19: {  	_ =	swait.ge [sflag:s16], $0x2780  }
0x1a: {  	[sflag:s16] =	ssyncset.done $0x0  }
0x1b: {  	[sflag:s16] =	ssyncadd.s32 $0xFFFFD880  }
0x1c: {  	[bflag:$0x0] =	sbarrier.arrive $0xFFFF  }
0x1d: {  	[tilespmem:s3], [sflag:$0x7] =	stream.linear.gather [hbm4b:s6+s3], $0x100, $0x38;
	[tilespmem:$0x1F300] =	vst v63  }
0x1e: {  	_ =	swait.ge [sflag:s16], $0x100  }
0x1f: {  	[sflag:s16] =	ssyncset.done $0x0  }
0x20: {  	[sflag:s16] =	ssyncadd.s32 $0xFFFFFF00  }
0x21: {  	[tilespmem:s18], [sflag:$0x4] =	stream.indirect.gather [hbm4b:s4+s17], $0x80, s3, s17, $0xb8;
	[tilespmem:$0x1F300] =	vst v63  }
0x22: {  	s8 =	rddreg [dreg:$0x4]  }
0x23: {  	[tilespmem:s19], [sflag:$0x7] =	stream.linear.gather [hbm4b:s8+s3], $0x100, $0x38;
	[tilespmem:$0x1F300] =	vst v63  }
0x24: {  	_ =	swait.ge [sflag:s16], $0x100  }
0x25: {  	[sflag:s16] =	ssyncset.done $0x0  }
0x26: {  	[sflag:s16] =	ssyncadd.s32 $0xFFFFFF00  }
0x27: {  	[tilespmem:s20], [sflag:$0x5] =	stream.indirect.gather [hbm4b:s4+s17], $0x80, s19, s17, $0xb8;
	[tilespmem:$0x1F300] =	vst v63  }
0x28: {  	s9 =	rddreg [dreg:$0x5]  }
0x29: {  	[tilespmem:s21], [sflag:$0x3] =	stream.linear.gather [hbm4b:s9+s3], $0x100, $0x38;
	[tilespmem:$0x1F300] =	vst v63  }
0x2a: {  	_ =	swait.ge [sflag:s22], $0x100  }
0x2b: {  	[sflag:s22] =	ssyncset.done $0x0  }
0x2c: {  	[sflag:s22] =	ssyncadd.s32 $0xFFFFFF00  }
0x2d: {  	[tilespmem:s23], [sflag:$0x6] =	stream.indirect.gather [hbm4b:s4+s17], $0x80, s21, s17, $0xb8;
	[tilespmem:$0x1F300] =	vst v63  }
0x2e: {  	_ =	swait.ge [sflag:s24], $0x3C00  }
0x2f: {  	[sflag:s24] =	ssyncset.done $0x0  }
0x30: {  	[sflag:s24] =	ssyncadd.s32 $0xFFFFC400  }
0x31: {  	[spmem:s1] =	stream.indirect.scatter.add.f32 [tilespmem:s18], [sflag:$0x7], $0x80, s25, s17, $0xb8;
	[tilespmem:$0x1F300] =	vst v63  }
0x32: {  	_ =	swait.ge [sflag:s16], $0x3C00  }
0x33: {  	[sflag:s16] =	ssyncset.done $0x0  }
0x34: {  	s8 =	sadd.s32 $0x0, s14;
	[sflag:s16] =	ssyncadd.s32 $0xFFFFC400  }
0x35: {  	[tilespmem:s3], [sflag:$0x1] =	stream.linear.gather [hbm4b:s8+s3], $0x100, $0x38;
	[tilespmem:$0x1F300] =	vst v63  }
0x36: {  	_ =	swait.ge [sflag:s26], $0x100  }
0x37: {  	[sflag:s26] =	ssyncset.done $0x0  }
0x38: {  	[sflag:s26] =	ssyncadd.s32 $0xFFFFFF00  }
0x39: {  	[tilespmem:s18], [sflag:$0x4] =	stream.indirect.gather [hbm4b:s4+s17], $0x80, s3, s17, $0xb8;
	[tilespmem:$0x1F300] =	vst v63  }
0x3a: {  	_ =	swait.ge [sflag:s28], $0x3C00  }
0x3b: {  	[sflag:s28] =	ssyncset.done $0x0  }
0x3c: {  	[sflag:s28] =	ssyncadd.s32 $0xFFFFC400  }
0x3d: {  	[spmem:s1] =	stream.indirect.scatter.add.f32 [tilespmem:s20], [sflag:$0x7], $0x80, s29, s17, $0xb8;
	[tilespmem:$0x1F300] =	vst v63  }
0x3e: {  	_ =	swait.ge [sflag:s16], $0x3C00  }
0x3f: {  	[sflag:s16] =	ssyncset.done $0x0  }
0x40: {  	s9 =	sadd.s32 $0x0, s13;
	[sflag:s16] =	ssyncadd.s32 $0xFFFFC400  }
0x41: {  	[tilespmem:s19], [sflag:$0x2] =	stream.linear.gather [hbm4b:s9+s3], $0x100, $0x38;
	[tilespmem:$0x1F300] =	vst v63  }
0x42: {  	_ =	swait.ge [sflag:s30], $0x100  }
0x43: {  	[sflag:s30] =	ssyncset.done $0x0  }
0x44: {  	[sflag:s30] =	ssyncadd.s32 $0xFFFFFF00  }
0x45: {  	[tilespmem:s20], [sflag:$0x5] =	stream.indirect.gather [hbm4b:s4+s17], $0x80, s19, s17, $0xb8;
	[tilespmem:$0x1F300] =	vst v63  }
0x46: {  	_ =	swait.ge [sflag:s31], $0x3C00  }
0x47: {  	[sflag:s31] =	ssyncset.done $0x0  }
0x48: {  	[sflag:s31] =	ssyncadd.s32 $0xFFFFC400  }
0x49: {  	[spmem:s1] =	stream.indirect.scatter.add.f32 [tilespmem:s23], [sflag:$0x7], $0x80, s0, s17, $0xb8;
	[tilespmem:$0x1F300] =	vst v63  }
0x4a: {  	_ =	swait.ge [sflag:s16], $0x3C00  }
0x4b: {  	[sflag:s16] =	ssyncset.done $0x0  }
0x4c: {  	s5 =	simm.s32 $0x60;
	s8 =	sadd.s32 $0x0, s12;
	[sflag:s16] =	ssyncadd.s32 $0xFFFFC400  }
.LBB2_2:
0x4d: {  	[tilespmem:s21], [sflag:$0x3] =	stream.linear.gather [hbm4b:s8+s3], $0x100, $0x38;
	[tilespmem:$0x1F300] =	vst v63  }
0x4e: {  	s8 =	smov.u32 s5  }
0x4f: {  	p0 =	sne.s32 s5, $0x9C0;
	s5 =	sadd.s32 $0x60, s5;
	_ =	swait.ge [sflag:s22], $0x100  }
0x50: {  	[sflag:s22] =	ssyncset.done $0x0  }
0x51: {  	[sflag:s22] =	ssyncadd.s32 $0xFFFFFF00  }
0x52: {  	[tilespmem:s23], [sflag:$0x6] =	stream.indirect.gather [hbm4b:s4+s17], $0x80, s21, s17, $0xb8;
	[tilespmem:$0x1F300] =	vst v63  }
0x53: {  	_ =	swait.ge [sflag:s24], $0x3C00  }
0x54: {  	[sflag:s24] =	ssyncset.done $0x0  }
0x55: {  	[sflag:s24] =	ssyncadd.s32 $0xFFFFC400  }
0x56: {  	[spmem:s1] =	stream.indirect.scatter.add.f32 [tilespmem:s18], [sflag:$0x7], $0x80, s25, s17, $0xb8;
	[tilespmem:$0x1F300] =	vst v63  }
0x57: {  	_ =	swait.ge [sflag:s16], $0x3C00  }
0x58: {  	[sflag:s16] =	ssyncset.done $0x0  }
0x59: {  	s9 =	sadd.s32 s8, s14;
	[sflag:s16] =	ssyncadd.s32 $0xFFFFC400  }
0x5a: {  	[tilespmem:s3], [sflag:$0x1] =	stream.linear.gather [hbm4b:s9+s3], $0x100, $0x38;
	[tilespmem:$0x1F300] =	vst v63  }
0x5b: {  	_ =	swait.ge [sflag:s26], $0x100  }
0x5c: {  	[sflag:s26] =	ssyncset.done $0x0  }
0x5d: {  	[sflag:s26] =	ssyncadd.s32 $0xFFFFFF00  }
0x5e: {  	[tilespmem:s18], [sflag:$0x4] =	stream.indirect.gather [hbm4b:s4+s17], $0x80, s3, s17, $0xb8;
	[tilespmem:$0x1F300] =	vst v63  }
0x5f: {  	_ =	swait.ge [sflag:s28], $0x3C00  }
0x60: {  	[sflag:s28] =	ssyncset.done $0x0  }
0x61: {  	[sflag:s28] =	ssyncadd.s32 $0xFFFFC400  }
0x62: {  	[spmem:s1] =	stream.indirect.scatter.add.f32 [tilespmem:s20], [sflag:$0x7], $0x80, s29, s17, $0xb8;
	[tilespmem:$0x1F300] =	vst v63  }
0x63: {  	_ =	swait.ge [sflag:s16], $0x3C00  }
0x64: {  	[sflag:s16] =	ssyncset.done $0x0  }
0x65: {  	s9 =	sadd.s32 s8, s13;
	[sflag:s16] =	ssyncadd.s32 $0xFFFFC400  }
0x66: {  	[tilespmem:s19], [sflag:$0x2] =	stream.linear.gather [hbm4b:s9+s3], $0x100, $0x38;
	[tilespmem:$0x1F300] =	vst v63  }
0x67: {  	_ =	swait.ge [sflag:s30], $0x100  }
0x68: {  	[sflag:s30] =	ssyncset.done $0x0  }
0x69: {  	[sflag:s30] =	ssyncadd.s32 $0xFFFFFF00  }
0x6a: {  	[tilespmem:s20], [sflag:$0x5] =	stream.indirect.gather [hbm4b:s4+s17], $0x80, s19, s17, $0xb8;
	[tilespmem:$0x1F300] =	vst v63  }
0x6b: {  	_ =	swait.ge [sflag:s31], $0x3C00  }
0x6c: {  	[sflag:s31] =	ssyncset.done $0x0  }
.Ltmp0:
0x6d: {  	[sflag:s31] =	ssyncadd.s32 $0xFFFFC400;
	(pc) =	sbr.rel @p0 .LBB2_2-.Ltmp0, $4  }
0x6e: {  	[spmem:s1] =	stream.indirect.scatter.add.f32 [tilespmem:s23], [sflag:$0x7], $0x80, s0, s17, $0xb8;
	[tilespmem:$0x1F300] =	vst v63  }
0x6f: {  	_ =	swait.ge [sflag:s16], $0x3C00  }
0x70: {  	[sflag:s16] =	ssyncset.done $0x0  }
0x71: {  	s8 =	sadd.s32 s8, s12;
	[sflag:s16] =	ssyncadd.s32 $0xFFFFC400  }
0x72: {  	[tilespmem:s21], [sflag:$0x3] =	stream.linear.gather [hbm4b:s8+s3], $0x100, $0x38;
	[tilespmem:$0x1F300] =	vst v63  }
0x73: {  	_ =	swait.ge [sflag:s22], $0x100  }
0x74: {  	[sflag:s22] =	ssyncset.done $0x0  }
0x75: {  	[sflag:s22] =	ssyncadd.s32 $0xFFFFFF00  }
0x76: {  	[tilespmem:s23], [sflag:$0x6] =	stream.indirect.gather [hbm4b:s4+s17], $0x80, s21, s17, $0xb8;
	[tilespmem:$0x1F300] =	vst v63  }
0x77: {  	_ =	swait.ge [sflag:s24], $0x3C00  }
0x78: {  	[sflag:s24] =	ssyncset.done $0x0  }
0x79: {  	[sflag:s24] =	ssyncadd.s32 $0xFFFFC400  }
0x7a: {  	[spmem:s1] =	stream.indirect.scatter.add.f32 [tilespmem:s18], [sflag:$0x7], $0x80, s25, s17, $0xb8;
	[tilespmem:$0x1F300] =	vst v63  }
0x7b: {  	_ =	swait.ge [sflag:s16], $0x3C00  }
0x7c: {  	[sflag:s16] =	ssyncset.done $0x0  }
0x7d: {  	[sflag:s16] =	ssyncadd.s32 $0xFFFFC400  }
0x7e: {  	_ =	swait.ge [sflag:s28], $0x3C00  }
0x7f: {  	[sflag:s28] =	ssyncset.done $0x0  }
0x80: {  	[sflag:s28] =	ssyncadd.s32 $0xFFFFC400  }
0x81: {  	[spmem:s1] =	stream.indirect.scatter.add.f32 [tilespmem:s20], [sflag:$0x7], $0x80, s29, s17, $0xb8;
	[tilespmem:$0x1F300] =	vst v63  }
0x82: {  	_ =	swait.ge [sflag:s16], $0x3C00  }
0x83: {  	[sflag:s16] =	ssyncset.done $0x0  }
0x84: {  	[sflag:s16] =	ssyncadd.s32 $0xFFFFC400  }
0x85: {  	_ =	swait.ge [sflag:s31], $0x3C00  }
0x86: {  	[sflag:s31] =	ssyncset.done $0x0  }
0x87: {  	[sflag:s31] =	ssyncadd.s32 $0xFFFFC400  }
0x88: {  	[spmem:s1] =	stream.indirect.scatter.add.f32 [tilespmem:s23], [sflag:$0x7], $0x80, s0, s17, $0xb8;
	[tilespmem:$0x1F300] =	vst v63  }
0x89: {  	_ =	swait.ge [sflag:s16], $0x3C00  }
0x8a: {  	s2 =	sadd.s32 $0x1, s2;
	[sflag:s16] =	ssyncset.done $0x0  }
0x8b: {  	p0 =	sne.s32 s2, s11;
	[sflag:s16] =	ssyncadd.s32 $0xFFFFC400  }
.Ltmp1:
0x8c: {  	[bflag:$0x0] =	sbarrier.arrive $0xFFFF;
	(pc) =	sbr.rel @p0 .LBB2_1-.Ltmp1, $4  }
0x8d: {  	[hbm:s10], [sflag:s7] =	dma.local [spmem:s15], $0x2780  }
0x8e: {  	_ =	swait.ge [sflag:s16], $0x2780  }
0x8f: {  	[sflag:s16] =	ssyncset.done $0x0  }
0x90: {  	[sflag:s16] =	ssyncadd.s32 $0xFFFFD880  }
0x91: {  	_ =	sfence.sel $0x180000  }
0x92: {  	[bflag:$0x0] =	sbarrier.arrive $0xFFFF  }
0x93: {  	_ =	strace $0x90000050  }
0x94: {  	s0 =	stileid.u32;
	[bflag:$0x2] =	sbarrier.arrive $0xFFFF  }
0x95: {  	p0 =	sne.s32 s0, $0x0;
	s0 =	rddreg [dreg:$0x2]  }
0x96: {  	s0 =	sadd.s32 @!p0 $0x100000, s0  }
0x97: {  	[sflag:s0] =	ssyncadd.tile.s32 @!p0 $0x1;
	_ =	shalt  }
.Lfunc_end2:
_tile_overlayer_lowered:
.L_overlay_start_2:
0x98: {  	(tag) =	ssettag $0x2  }
0x99: {  	s0 =	rddreg [dreg:$0x0];
	s2 =	stileid.u32  }
0x9a: {  	s1 =	rddreg [dreg:$0x1];
	p0 =	sne.s32 s2, $0x0  }
0x9b: {  	s3 =	rddreg [dreg:$0x2];
	[bflag:$0x3] =	sbarrier.arrive $0xFFFF;
	s2 =	simm.s32 @!p0 $0x1C07  }
0x9c: {  	[timem:s3], [sflag:s2] =	dma.local @!p0 [hbm:s0], s1  }
0x9d: {  	s0 =	simm.s32 @!p0 $0x7  }
0x9e: {  	_ =	swait.ge @!p0 [sflag:s0], s1  }
0x9f: {  	s1 =	ssub.s32 @!p0 $0x0, s1;
	[sflag:s0] =	ssyncset.done @!p0 $0x0  }
0xa0: {  	[sflag:s0] =	ssyncadd.s32 @!p0 s1  }
0xa1: {  	[bflag:$0x3] =	sbarrier.arrive $0xFFFF  }
0xa2: {  	_ =	shalt  }

</sc_bundles>
